<compile_context>
chip_gen: v7x
topology: tpu7x:2x2x1
jax: 0.10.2.dev20260603
libtpu: 0.0.44.dev20260713+nightly
codegen_flags: <defaults>
</compile_context>

<pallas_src>
import functools

import jax
import jax.numpy as jnp
from jax import lax
from jax.experimental import pallas as pl
from jax.experimental.pallas import tpu as pltpu
from jax.experimental.pallas import tpu_sc as plsc

N_U = 50000
N_I = 50000
N = N_U + N_I
E = 600000
D = 128

NC, NS = 2, 16
E_PAD = 614400
EPT_W = E_PAD // (NC * NS)
EPT_S = E_PAD // NS
CHUNK = 256
ACC_ROWS = 12544
TPR = ACC_ROWS // NS
HALF = 2 * ACC_ROWS
STAGE = 208
ZB = 16


def _prep_body(x_ref, d_ref, z_ref, q_ref):
    xb = x_ref[...]
    n2 = jnp.sum(xb * xb, axis=1, keepdims=True)
    nrm = jnp.maximum(jnp.sqrt(n2), 1e-12)
    z_ref[...] = xb / nrm
    q_ref[...] = 1.0 / jnp.sqrt(d_ref[...])


def _prep(x, d2):
    return pl.pallas_call(
        _prep_body,
        grid=(100,),
        in_specs=[
            pl.BlockSpec((1000, D), lambda b: (b, 0)),
            pl.BlockSpec((8, 128), lambda b: (b, 0)),
        ],
        out_specs=[
            pl.BlockSpec((1000, D), lambda b: (b, 0)),
            pl.BlockSpec((8, 128), lambda b: (b, 0)),
        ],
        out_shape=[
            jax.ShapeDtypeStruct((N, D), jnp.float32),
            jax.ShapeDtypeStruct((800, 128), jnp.float32),
        ],
    )(x, d2)


def _weights_body(z, beta, q, up, ip, w_out,
                  ub, ib, bb, qu, qi, zu, zi, wb, sem):
    c = lax.axis_index("c")
    s = lax.axis_index("s")
    wid = s * NC + c
    base = wid * EPT_W

    def chunk(ch, _):
        off = base + ch * CHUNK
        pltpu.sync_copy(up.at[pl.ds(off, CHUNK)], ub)
        pltpu.sync_copy(ip.at[pl.ds(off, CHUNK)], ib)

        def bias(g, _):
            sl = pl.ds(g * 16, 16)
            ib[sl] = ib[sl] + N_U
            return 0
        lax.fori_loop(0, CHUNK // 16, bias, 0)

        cps = [
            pltpu.async_copy(z.at[ub], zu, sem),
            pltpu.async_copy(z.at[ib], zi, sem),
            pltpu.async_copy(beta.at[ub], bb, sem),
            pltpu.async_copy(q.at[ub], qu, sem),
            pltpu.async_copy(q.at[ib], qi, sem),
        ]
        for cp in cps:
            cp.wait()

        iota16 = lax.iota(jnp.int32, 16)

        def grp(g, _):
            def dot(el, sv):
                e = g * 16 + el
                acc = zu[e, pl.ds(0, 16)] * zi[e, pl.ds(0, 16)]
                for k in range(1, 8):
                    sl = pl.ds(k * 16, 16)
                    acc = acc + zu[e, sl] * zi[e, sl]
                return jnp.where(iota16 == el, jnp.sum(acc), sv)
            sv = lax.fori_loop(0, 16, dot, jnp.zeros((16,), jnp.float32))
            sl = pl.ds(g * 16, 16)
            t = jnp.exp(sv - bb[sl])
            om = 4.0 * t / ((1.0 + t) * (1.0 + t))
            wb[sl] = om * qu[sl] * qi[sl]
            return 0
        lax.fori_loop(0, CHUNK // 16, grp, 0)

        pltpu.sync_copy(wb, w_out.at[pl.ds(off, CHUNK)])
        return 0

    lax.fori_loop(0, EPT_W // CHUNK, chunk, 0)


def _weights(z, beta, q, up, ip):
    mesh = plsc.VectorSubcoreMesh(core_axis_name="c", subcore_axis_name="s")
    f = pl.kernel(
        _weights_body,
        out_type=jax.ShapeDtypeStruct((E_PAD,), jnp.float32),
        mesh=mesh,
        compiler_params=pltpu.CompilerParams(needs_layout_passes=False),
        scratch_types=[
            pltpu.VMEM((CHUNK,), jnp.int32),
            pltpu.VMEM((CHUNK,), jnp.int32),
            pltpu.VMEM((CHUNK,), jnp.float32),
            pltpu.VMEM((CHUNK,), jnp.float32),
            pltpu.VMEM((CHUNK,), jnp.float32),
            pltpu.VMEM((CHUNK, D), jnp.float32),
            pltpu.VMEM((CHUNK, D), jnp.float32),
            pltpu.VMEM((CHUNK,), jnp.float32),
            pltpu.SemaphoreType.DMA,
        ],
    )
    return f(z, beta, q, up, ip)


def _scatter_body(x, up, ip, wp, out, acc,
                  db0, sb0, wb0, db1, sb1, wb1,
                  sdst0, ssrc0, sw0,
                  rows0, st, sla, slb, sg0, sz):
    c = lax.axis_index("c")
    s = lax.axis_index("s")
    fzero = jnp.zeros((16,), jnp.float32)
    izero = jnp.zeros((16,), jnp.int32)
    iota16 = lax.iota(jnp.int32, 16)
    NCH = EPT_S // CHUNK

    sets = ((sdst0, ssrc0, sw0, rows0, sg0, None),)

    def zero_stage(k):
        sd, sr, swt = sets[k][0], sets[k][1], sets[k][2]

        def zs(j, _):
            sl = pl.ds(j * 16, 16)
            sd[sl] = izero
            sr[sl] = izero
            swt[sl] = fzero
            return 0
        lax.fori_loop(0, STAGE // 16, zs, 0)

    def scale(k):
        swt, rows = sets[k][2], sets[k][3]

        def sc(e, _):
            wv = plsc.load_gather(swt, [jnp.full((16,), e, jnp.int32)])
            for q in range(8):
                sl = pl.ds(q * 16, 16)
                rows[e, sl] = rows[e, sl] * wv
            return 0
        lax.fori_loop(0, STAGE, sc, 0)

    def force_flush():
        sd, sr, _, rows, sg, ss = sets[0]
        pltpu.async_copy(x.at[sr], rows, sg).wait()
        scale(0)
        pltpu.sync_copy(rows, acc.at[sd], add=True)
        zero_stage(0)
        st[0] = 0

    for kind in range(2):
        dest_arr = up if kind == 0 else ip
        src_arr = ip if kind == 0 else up
        sbias = N_U if kind == 0 else 0
        out_base = kind * N_U

        def one_pass(sub, _):
            node_base = c * HALF + sub * ACC_ROWS

            def zr(r, _):
                for q in range(8):
                    rows0[r, pl.ds(q * 16, 16)] = fzero
                return 0
            lax.fori_loop(0, STAGE, zr, 0)
            zcps = []
            for b in range(TPR // STAGE):
                zcps.append(pltpu.async_copy(
                    rows0, acc.at[pl.ds(s * TPR + b * STAGE, STAGE)], sz))
            rem = TPR - (TPR // STAGE) * STAGE
            if rem:
                zcps.append(pltpu.async_copy(
                    rows0.at[pl.ds(0, rem)],
                    acc.at[pl.ds(s * TPR + TPR - rem, rem)], sz))
            for cp in zcps:
                cp.wait()
            plsc.subcore_barrier()

            for j in range(6):
                st[j] = 0
            zero_stage(0)

            def issue_ld(bufs, sem, ch):
                off = s * EPT_S + ch * CHUNK
                pltpu.async_copy(dest_arr.at[pl.ds(off, CHUNK)], bufs[0], sem)
                pltpu.async_copy(src_arr.at[pl.ds(off, CHUNK)], bufs[1], sem)
                pltpu.async_copy(wp.at[pl.ds(off, CHUNK)], bufs[2], sem)

            def wait_ld(bufs, sem):
                pltpu.make_async_copy(
                    dest_arr.at[pl.ds(0, CHUNK)], bufs[0], sem).wait()
                pltpu.make_async_copy(
                    src_arr.at[pl.ds(0, CHUNK)], bufs[1], sem).wait()
                pltpu.make_async_copy(
                    wp.at[pl.ds(0, CHUNK)], bufs[2], sem).wait()

            def process(bufs, ch):
                dbx, sbx, wbx = bufs

                def grp(g, _):
                    sl = pl.ds(g * 16, 16)
                    dv = dbx[sl]
                    svr = sbx[sl] + sbias
                    wvr = wbx[sl]
                    ev = s * EPT_S + ch * CHUNK + g * 16 + iota16
                    m = ((dv >= node_base) & (dv < node_base + ACC_ROWS)
                         & (ev < E))

                    @pl.when(st[0] > STAGE - 16)
                    def _():
                        force_flush()

                    dvr = dv - node_base
                    cu = st[0]
                    plsc.store_compressed(sdst0.at[pl.ds(cu, 16)], dvr,
                                          mask=m)
                    plsc.store_compressed(ssrc0.at[pl.ds(cu, 16)], svr,
                                          mask=m)
                    plsc.store_compressed(sw0.at[pl.ds(cu, 16)], wvr,
                                          mask=m)
                    st[0] = cu + jnp.sum(m.astype(jnp.int32))
                    return 0
                lax.fori_loop(0, CHUNK // 16, grp, 0)

            bufs_a = (db0, sb0, wb0)
            bufs_b = (db1, sb1, wb1)
            issue_ld(bufs_a, sla, 0)

            def pair(k2, _):
                cha = k2 * 2
                wait_ld(bufs_a, sla)
                issue_ld(bufs_b, slb, cha + 1)
                process(bufs_a, cha)
                wait_ld(bufs_b, slb)

                @pl.when(cha + 2 < NCH)
                def _():
                    issue_ld(bufs_a, sla, cha + 2)
                process(bufs_b, cha + 1)
                return 0
            lax.fori_loop(0, NCH // 2, pair, 0)

            @pl.when(st[0] > 0)
            def _():
                force_flush()
            plsc.subcore_barrier()

            node_start = node_base + s * TPR
            n_valid = jnp.clip(N_U - node_start, 0, TPR)

            @pl.when(n_valid == TPR)
            def _():
                pltpu.sync_copy(acc.at[pl.ds(s * TPR, TPR)],
                                out.at[pl.ds(out_base + node_start, TPR)])

            @pl.when(n_valid < TPR)
            def _():
                def dr(b, _):
                    @pl.when(b * 16 < n_valid)
                    def _():
                        pltpu.sync_copy(
                            acc.at[pl.ds(s * TPR + b * 16, 16)],
                            out.at[pl.ds(out_base + node_start + b * 16,
                                         16)])
                    return 0
                lax.fori_loop(0, TPR // 16, dr, 0)
            return 0
        lax.fori_loop(0, 2, one_pass, 0)


def _scatter(x, up, ip, w):
    mesh = plsc.VectorSubcoreMesh(core_axis_name="c", subcore_axis_name="s")
    f = pl.kernel(
        _scatter_body,
        out_type=jax.ShapeDtypeStruct((N, D), jnp.float32),
        mesh=mesh,
        compiler_params=pltpu.CompilerParams(needs_layout_passes=False),
        scratch_types=[
            pltpu.VMEM_SHARED((ACC_ROWS, D), jnp.float32),
            pltpu.VMEM((CHUNK,), jnp.int32),
            pltpu.VMEM((CHUNK,), jnp.int32),
            pltpu.VMEM((CHUNK,), jnp.float32),
            pltpu.VMEM((CHUNK,), jnp.int32),
            pltpu.VMEM((CHUNK,), jnp.int32),
            pltpu.VMEM((CHUNK,), jnp.float32),
            pltpu.VMEM((STAGE,), jnp.int32),
            pltpu.VMEM((STAGE,), jnp.int32),
            pltpu.VMEM((STAGE,), jnp.float32),
            pltpu.VMEM((STAGE, D), jnp.float32),
            pltpu.SMEM((8,), jnp.int32),
            pltpu.SemaphoreType.DMA,
            pltpu.SemaphoreType.DMA,
            pltpu.SemaphoreType.DMA,
            pltpu.SemaphoreType.DMA,
        ],
    )
    return f(x, up, ip, w)


def kernel(x, beta, u, i, du, di):
    x = x.astype(jnp.float32)
    u = u.astype(jnp.int32)
    i = i.astype(jnp.int32)
    d2 = jnp.concatenate(
        [du, di, jnp.ones((800 * 128 - N,), jnp.float32)]).reshape(800, 128)
    z, q2 = _prep(x, d2)
    q = q2.reshape(-1)[:N]
    pad = jnp.zeros((E_PAD - E,), jnp.int32)
    up = jnp.concatenate([u, pad])
    ip = jnp.concatenate([i, pad])
    w = _weights(z, beta, q, up, ip)
    return _scatter(x, up, ip, w)

# --- scband reference (transcript-rebuilt; emitter-appended) ---
"""Pipeline reference for scband-top-kformer-45853070852235 (READ-ONLY COPY).

The authoritative reference and input builder live on the scoring server;
editing this copy changes nothing except your own understanding.
"""

import jax, jax.numpy as jnp
import numpy as np

N_USERS = 50000
N_ITEMS = 50000
N_EDGES = 600000
D = 128


def omega(x):
    return 4.0 / (1.0 + jnp.exp(-x)) / (1.0 + jnp.exp(x))


def setup_inputs(seed: int = 0) -> dict:
    key = jax.random.key(seed)
    k1, k2, k3, k4 = jax.random.split(key, 4)
    x = jax.random.normal(k1, (N_USERS + N_ITEMS, D), dtype=jnp.float32)
    beta = jax.random.uniform(k2, (N_USERS,), dtype=jnp.float32)
    u = jax.random.randint(k3, (N_EDGES,), 0, N_USERS, dtype=jnp.int64) if jax.config.jax_enable_x64 else jax.random.randint(k3, (N_EDGES,), 0, N_USERS).astype(jnp.int32)
    i = jax.random.randint(k4, (N_EDGES,), 0, N_ITEMS, dtype=jnp.int64) if jax.config.jax_enable_x64 else jax.random.randint(k4, (N_EDGES,), 0, N_ITEMS).astype(jnp.int32)
    # degree vectors (dataset.du / dataset.di); clamp to >=1 so sqrt-div is safe
    du = jnp.maximum(jnp.bincount(u, length=N_USERS).astype(jnp.float32), 1.0)
    di = jnp.maximum(jnp.bincount(i, length=N_ITEMS).astype(jnp.float32), 1.0)
    return {"x": x, "beta": beta, "u": u, "i": i, "du": du, "di": di}


def reference(x, beta, u, i, du, di):
    # split into user / item blocks
    xu = x[:N_USERS]
    xi = x[N_USERS:]
    # F.normalize(x): L2 row-normalize with eps clamp 1e-12
    norm = jnp.maximum(jnp.linalg.norm(x, axis=1, keepdims=True), 1e-12)
    z = x / norm
    zu = z[:N_USERS]
    zi = z[N_USERS:]
    # per-edge similarity minus user bias
    s = jnp.sum(zu[u] * zi[i], axis=1) - beta[u]            # [E]
    w = omega(s[:, None])                                    # [E,1]
    w = w / jnp.sqrt(du[u])[:, None] / jnp.sqrt(di[i])[:, None]
    # sparse_sum: scatter-add messages to destination nodes
    dxu = jnp.zeros((N_USERS, D), dtype=x.dtype).at[u].add(w * xi[i])
    dxi = jnp.zeros((N_ITEMS, D), dtype=x.dtype).at[i].add(w * xu[u])
    return jnp.concatenate([dxu, dxi], axis=0)

if __name__ == "__main__":
    import jax
    _d = setup_inputs()
    print(jax.jit(kernel)(*tuple(_d.values())))

</pallas_src>

<mosaic_0001>
#map = affine_map<(d0, d1) -> (0, 0)>
#map1 = affine_map<(d0, d1) -> (0)>
module attributes {stable_mosaic.version = 14 : i64} {
  func.func @_scatter_body(%arg0: i32, %arg1: i32, %arg2: memref<100000x128xf32, #tpu.memory_space<hbm>>, %arg3: memref<614400xi32, #tpu.memory_space<hbm>>, %arg4: memref<614400xi32, #tpu.memory_space<hbm>>, %arg5: memref<614400xf32, #tpu.memory_space<hbm>>, %arg6: memref<100000x128xf32, #tpu.memory_space<hbm>>, %arg7: memref<12544x128xf32, #tpu.memory_space<vmem_shared>>, %arg8: memref<256xi32, #tpu.memory_space<vmem>>, %arg9: memref<256xi32, #tpu.memory_space<vmem>>, %arg10: memref<256xf32, #tpu.memory_space<vmem>>, %arg11: memref<256xi32, #tpu.memory_space<vmem>>, %arg12: memref<256xi32, #tpu.memory_space<vmem>>, %arg13: memref<256xf32, #tpu.memory_space<vmem>>, %arg14: memref<208xi32, #tpu.memory_space<vmem>>, %arg15: memref<208xi32, #tpu.memory_space<vmem>>, %arg16: memref<208xf32, #tpu.memory_space<vmem>>, %arg17: memref<208x128xf32, #tpu.memory_space<vmem>>, %arg18: memref<8xi32, #tpu.memory_space<smem>>, %arg19: memref<!tpu.dma_semaphore, #tpu.memory_space<semaphore_mem>>, %arg20: memref<!tpu.dma_semaphore, #tpu.memory_space<semaphore_mem>>, %arg21: memref<!tpu.dma_semaphore, #tpu.memory_space<semaphore_mem>>, %arg22: memref<!tpu.dma_semaphore, #tpu.memory_space<semaphore_mem>>) attributes {dimension_semantics = [#tpu.dimension_semantics<core_parallel>, #tpu.dimension_semantics<subcore_parallel>], iteration_bounds = array<i64: 2, 16>, scalar_prefetch = 0 : i64, scratch_operands = 16 : i64, tpu.core_type = #tpu.core_type<sc_vector_subcore>, window_params = [{transform_indices = #map}, {transform_indices = #map1}, {transform_indices = #map1}, {transform_indices = #map1}, {transform_indices = #map}]} {
    %broadcast_in_dim3A = arith.constant 0.000000e+00 : f32
    %broadcast_in_dim3A_0 = vector.broadcast %broadcast_in_dim3A : f32 to vector<16xf32>
    %broadcast_in_dim3A_1 = arith.constant 0 : i32
    %broadcast_in_dim3A_2 = vector.broadcast %broadcast_in_dim3A_1 : i32 to vector<16xi32>
    %iota3A = tpu.iota {dimensions = array<i32: 0>} : vector<16xi32>
    %scan3A = arith.constant 0 : i32
    %scan3A_3 = arith.constant 0 : i32
    %scan3A_4 = arith.constant 2 : i32
    %scan3A_5 = arith.addi %scan3A_3, %scan3A_4 : i32
    %scan3A_6 = arith.constant 1 : i32
    %scan3A_7 = scf.for %scan3A_16 = %scan3A_3 to %scan3A_5 step %scan3A_6 iter_args(%scan3A_17 = %scan3A) -> (i32)  : i32 {
      %mul3A = arith.constant 25088 : i32
      %mul3A_18 = arith.muli %arg0, %mul3A : i32
      %mul3A_19 = arith.constant 12544 : i32
      %mul3A_20 = arith.muli %scan3A_16, %mul3A_19 : i32
      %add3A = arith.addi %mul3A_18, %mul3A_20 : i32
      %scan3A_21 = arith.constant 0 : i32
      %scan3A_22 = arith.constant 0 : i32
      %scan3A_23 = arith.constant 208 : i32
      %scan3A_24 = arith.addi %scan3A_22, %scan3A_23 : i32
      %scan3A_25 = arith.constant 1 : i32
      %scan3A_26 = scf.for %scan3A_154 = %scan3A_22 to %scan3A_24 step %scan3A_25 iter_args(%scan3A_155 = %scan3A_21) -> (i32)  : i32 {
        %swap3A_156 = arith.index_cast %scan3A_154 : i32 to index
        %swap3A_157 = arith.constant 0 : index
        %swap3A_158 = tpu.vector_load %arg17[%swap3A_156, %swap3A_157] {strides = array<i32>} : memref<208x128xf32, #tpu.memory_space<vmem>>, vector<16xf32>,
        tpu.vector_store %arg17[%swap3A_156, %swap3A_157], %broadcast_in_dim3A_0 {strides = array<i32>} : memref<208x128xf32, #tpu.memory_space<vmem>>, vector<16xf32>,
        %swap3A_159 = arith.index_cast %scan3A_154 : i32 to index
        %swap3A_160 = arith.constant 16 : index
        %swap3A_161 = tpu.vector_load %arg17[%swap3A_159, %swap3A_160] {strides = array<i32>} : memref<208x128xf32, #tpu.memory_space<vmem>>, vector<16xf32>,
        tpu.vector_store %arg17[%swap3A_159, %swap3A_160], %broadcast_in_dim3A_0 {strides = array<i32>} : memref<208x128xf32, #tpu.memory_space<vmem>>, vector<16xf32>,
        %swap3A_162 = arith.index_cast %scan3A_154 : i32 to index
        %swap3A_163 = arith.constant 32 : index
        %swap3A_164 = tpu.vector_load %arg17[%swap3A_162, %swap3A_163] {strides = array<i32>} : memref<208x128xf32, #tpu.memory_space<vmem>>, vector<16xf32>,
        tpu.vector_store %arg17[%swap3A_162, %swap3A_163], %broadcast_in_dim3A_0 {strides = array<i32>} : memref<208x128xf32, #tpu.memory_space<vmem>>, vector<16xf32>,
        %swap3A_165 = arith.index_cast %scan3A_154 : i32 to index
        %swap3A_166 = arith.constant 48 : index
        %swap3A_167 = tpu.vector_load %arg17[%swap3A_165, %swap3A_166] {strides = array<i32>} : memref<208x128xf32, #tpu.memory_space<vmem>>, vector<16xf32>,
        tpu.vector_store %arg17[%swap3A_165, %swap3A_166], %broadcast_in_dim3A_0 {strides = array<i32>} : memref<208x128xf32, #tpu.memory_space<vmem>>, vector<16xf32>,
        %swap3A_168 = arith.index_cast %scan3A_154 : i32 to index
        %swap3A_169 = arith.constant 64 : index
        %swap3A_170 = tpu.vector_load %arg17[%swap3A_168, %swap3A_169] {strides = array<i32>} : memref<208x128xf32, #tpu.memory_space<vmem>>, vector<16xf32>,
        tpu.vector_store %arg17[%swap3A_168, %swap3A_169], %broadcast_in_dim3A_0 {strides = array<i32>} : memref<208x128xf32, #tpu.memory_space<vmem>>, vector<16xf32>,
        %swap3A_171 = arith.index_cast %scan3A_154 : i32 to index
        %swap3A_172 = arith.constant 80 : index
        %swap3A_173 = tpu.vector_load %arg17[%swap3A_171, %swap3A_172] {strides = array<i32>} : memref<208x128xf32, #tpu.memory_space<vmem>>, vector<16xf32>,
        tpu.vector_store %arg17[%swap3A_171, %swap3A_172], %broadcast_in_dim3A_0 {strides = array<i32>} : memref<208x128xf32, #tpu.memory_space<vmem>>, vector<16xf32>,
        %swap3A_174 = arith.index_cast %scan3A_154 : i32 to index
        %swap3A_175 = arith.constant 96 : index
        %swap3A_176 = tpu.vector_load %arg17[%swap3A_174, %swap3A_175] {strides = array<i32>} : memref<208x128xf32, #tpu.memory_space<vmem>>, vector<16xf32>,
        tpu.vector_store %arg17[%swap3A_174, %swap3A_175], %broadcast_in_dim3A_0 {strides = array<i32>} : memref<208x128xf32, #tpu.memory_space<vmem>>, vector<16xf32>,
        %swap3A_177 = arith.index_cast %scan3A_154 : i32 to index
        %swap3A_178 = arith.constant 112 : index
        %swap3A_179 = tpu.vector_load %arg17[%swap3A_177, %swap3A_178] {strides = array<i32>} : memref<208x128xf32, #tpu.memory_space<vmem>>, vector<16xf32>,
        tpu.vector_store %arg17[%swap3A_177, %swap3A_178], %broadcast_in_dim3A_0 {strides = array<i32>} : memref<208x128xf32, #tpu.memory_space<vmem>>, vector<16xf32>,
        %scan3A_180 = arith.constant 0 : i32
        scf.yield %scan3A_180 : i32
      }
      %scan3A_27 = arith.constant 208 : i32
      %mul3A_28 = arith.constant 784 : i32
      %mul3A_29 = arith.muli %arg1, %mul3A_28 : i32
      %add3A_30 = arith.constant 0 : i32
      %add3A_31 = arith.addi %mul3A_29, %add3A_30 : i32
      %dma_start3A = arith.constant 0 : i32
      %dma_start3A_32 = tpu.memref_slice %arg7[%add3A_31, %dma_start3A] : memref<12544x128xf32, #tpu.memory_space<vmem_shared>> -> memref<208x128xf32, #tpu.memory_space<vmem_shared>>
      %dma_start3A_33 = arith.constant 0 : i32
      %dma_start3A_34 = tpu.memref_slice %arg7[%add3A_31, %dma_start3A_33] : memref<12544x128xf32, #tpu.memory_space<vmem_shared>> -> memref<208x128xf32, #tpu.memory_space<vmem_shared>>
      tpu.enqueue_dma source(%arg17 : memref<208x128xf32, #tpu.memory_space<vmem>>) target(%dma_start3A_34 : memref<208x128xf32, #tpu.memory_space<vmem_shared>>) target_semaphore(%arg22 : memref<!tpu.dma_semaphore, #tpu.memory_space<semaphore_mem>>)
      %mul3A_35 = arith.constant 784 : i32
      %mul3A_36 = arith.muli %arg1, %mul3A_35 : i32
      %add3A_37 = arith.constant 208 : i32
      %add3A_38 = arith.addi %mul3A_36, %add3A_37 : i32
      %dma_start3A_39 = arith.constant 0 : i32
      %dma_start3A_40 = tpu.memref_slice %arg7[%add3A_38, %dma_start3A_39] : memref<12544x128xf32, #tpu.memory_space<vmem_shared>> -> memref<208x128xf32, #tpu.memory_space<vmem_shared>>
      %dma_start3A_41 = arith.constant 0 : i32
      %dma_start3A_42 = tpu.memref_slice %arg7[%add3A_38, %dma_start3A_41] : memref<12544x128xf32, #tpu.memory_space<vmem_shared>> -> memref<208x128xf32, #tpu.memory_space<vmem_shared>>
      tpu.enqueue_dma source(%arg17 : memref<208x128xf32, #tpu.memory_space<vmem>>) target(%dma_start3A_42 : memref<208x128xf32, #tpu.memory_space<vmem_shared>>) target_semaphore(%arg22 : memref<!tpu.dma_semaphore, #tpu.memory_space<semaphore_mem>>)
      %mul3A_43 = arith.constant 784 : i32
      %mul3A_44 = arith.muli %arg1, %mul3A_43 : i32
      %add3A_45 = arith.constant 416 : i32
      %add3A_46 = arith.addi %mul3A_44, %add3A_45 : i32
      %dma_start3A_47 = arith.constant 0 : i32
      %dma_start3A_48 = tpu.memref_slice %arg7[%add3A_46, %dma_start3A_47] : memref<12544x128xf32, #tpu.memory_space<vmem_shared>> -> memref<208x128xf32, #tpu.memory_space<vmem_shared>>
      %dma_start3A_49 = arith.constant 0 : i32
      %dma_start3A_50 = tpu.memref_slice %arg7[%add3A_46, %dma_start3A_49] : memref<12544x128xf32, #tpu.memory_space<vmem_shared>> -> memref<208x128xf32, #tpu.memory_space<vmem_shared>>
      tpu.enqueue_dma source(%arg17 : memref<208x128xf32, #tpu.memory_space<vmem>>) target(%dma_start3A_50 : memref<208x128xf32, #tpu.memory_space<vmem_shared>>) target_semaphore(%arg22 : memref<!tpu.dma_semaphore, #tpu.memory_space<semaphore_mem>>)
      %mul3A_51 = arith.constant 784 : i32
      %mul3A_52 = arith.muli %arg1, %mul3A_51 : i32
      %add3A_53 = arith.constant 784 : i32
      %add3A_54 = arith.addi %mul3A_52, %add3A_53 : i32
      %sub3A = arith.constant 160 : i32
      %sub3A_55 = arith.subi %add3A_54, %sub3A : i32
      %dma_start3A_56 = arith.constant 0 : i32
      %dma_start3A_57 = arith.constant 0 : i32
      %dma_start3A_58 = tpu.memref_slice %arg17[%dma_start3A_56, %dma_start3A_57] : memref<208x128xf32, #tpu.memory_space<vmem>> -> memref<160x128xf32, #tpu.memory_space<vmem>>
      %dma_start3A_59 = arith.constant 0 : i32
      %dma_start3A_60 = tpu.memref_slice %arg7[%sub3A_55, %dma_start3A_59] : memref<12544x128xf32, #tpu.memory_space<vmem_shared>> -> memref<160x128xf32, #tpu.memory_space<vmem_shared>>
      %dma_start3A_61 = arith.constant 0 : i32
      %dma_start3A_62 = tpu.memref_slice %arg7[%sub3A_55, %dma_start3A_61] : memref<12544x128xf32, #tpu.memory_space<vmem_shared>> -> memref<160x128xf32, #tpu.memory_space<vmem_shared>>
      %dma_start3A_63 = arith.constant 0 : i32
      %dma_start3A_64 = arith.constant 0 : i32
      %dma_start3A_65 = tpu.memref_slice %arg17[%dma_start3A_63, %dma_start3A_64] : memref<208x128xf32, #tpu.memory_space<vmem>> -> memref<160x128xf32, #tpu.memory_space<vmem>>
      tpu.enqueue_dma source(%dma_start3A_65 : memref<160x128xf32, #tpu.memory_space<vmem>>) target(%dma_start3A_62 : memref<160x128xf32, #tpu.memory_space<vmem_shared>>) target_semaphore(%arg22 : memref<!tpu.dma_semaphore, #tpu.memory_space<semaphore_mem>>)
      %dma_wait3A = arith.constant 0 : i32
      %dma_wait3A_66 = tpu.memref_slice %arg7[%add3A_31, %dma_wait3A] : memref<12544x128xf32, #tpu.memory_space<vmem_shared>> -> memref<208x128xf32, #tpu.memory_space<vmem_shared>>
      %dma_wait3A_67 = arith.constant 0 : i32
      %dma_wait3A_68 = tpu.memref_slice %arg7[%add3A_31, %dma_wait3A_67] : memref<12544x128xf32, #tpu.memory_space<vmem_shared>> -> memref<208x128xf32, #tpu.memory_space<vmem_shared>>
      tpu.wait_dma2 semaphore(%arg22 : memref<!tpu.dma_semaphore, #tpu.memory_space<semaphore_mem>>) src(%arg17 : memref<208x128xf32, #tpu.memory_space<vmem>>) dst(%dma_wait3A_68 : memref<208x128xf32, #tpu.memory_space<vmem_shared>>)
      %dma_wait3A_69 = arith.constant 0 : i32
      %dma_wait3A_70 = tpu.memref_slice %arg7[%add3A_38, %dma_wait3A_69] : memref<12544x128xf32, #tpu.memory_space<vmem_shared>> -> memref<208x128xf32, #tpu.memory_space<vmem_shared>>
      %dma_wait3A_71 = arith.constant 0 : i32
      %dma_wait3A_72 = tpu.memref_slice %arg7[%add3A_38, %dma_wait3A_71] : memref<12544x128xf32, #tpu.memory_space<vmem_shared>> -> memref<208x128xf32, #tpu.memory_space<vmem_shared>>
      tpu.wait_dma2 semaphore(%arg22 : memref<!tpu.dma_semaphore, #tpu.memory_space<semaphore_mem>>) src(%arg17 : memref<208x128xf32, #tpu.memory_space<vmem>>) dst(%dma_wait3A_72 : memref<208x128xf32, #tpu.memory_space<vmem_shared>>)
      %dma_wait3A_73 = arith.constant 0 : i32
      %dma_wait3A_74 = tpu.memref_slice %arg7[%add3A_46, %dma_wait3A_73] : memref<12544x128xf32, #tpu.memory_space<vmem_shared>> -> memref<208x128xf32, #tpu.memory_space<vmem_shared>>
      %dma_wait3A_75 = arith.constant 0 : i32
      %dma_wait3A_76 = tpu.memref_slice %arg7[%add3A_46, %dma_wait3A_75] : memref<12544x128xf32, #tpu.memory_space<vmem_shared>> -> memref<208x128xf32, #tpu.memory_space<vmem_shared>>
      tpu.wait_dma2 semaphore(%arg22 : memref<!tpu.dma_semaphore, #tpu.memory_space<semaphore_mem>>) src(%arg17 : memref<208x128xf32, #tpu.memory_space<vmem>>) dst(%dma_wait3A_76 : memref<208x128xf32, #tpu.memory_space<vmem_shared>>)
      %dma_wait3A_77 = arith.constant 0 : i32
      %dma_wait3A_78 = arith.constant 0 : i32
      %dma_wait3A_79 = tpu.memref_slice %arg17[%dma_wait3A_77, %dma_wait3A_78] : memref<208x128xf32, #tpu.memory_space<vmem>> -> memref<160x128xf32, #tpu.memory_space<vmem>>
      %dma_wait3A_80 = arith.constant 0 : i32
      %dma_wait3A_81 = tpu.memref_slice %arg7[%sub3A_55, %dma_wait3A_80] : memref<12544x128xf32, #tpu.memory_space<vmem_shared>> -> memref<160x128xf32, #tpu.memory_space<vmem_shared>>
      %dma_wait3A_82 = arith.constant 0 : i32
      %dma_wait3A_83 = tpu.memref_slice %arg7[%sub3A_55, %dma_wait3A_82] : memref<12544x128xf32, #tpu.memory_space<vmem_shared>> -> memref<160x128xf32, #tpu.memory_space<vmem_shared>>
      %dma_wait3A_84 = arith.constant 0 : i32
      %dma_wait3A_85 = arith.constant 0 : i32
      %dma_wait3A_86 = tpu.memref_slice %arg17[%dma_wait3A_84, %dma_wait3A_85] : memref<208x128xf32, #tpu.memory_space<vmem>> -> memref<160x128xf32, #tpu.memory_space<vmem>>
      tpu.wait_dma2 semaphore(%arg22 : memref<!tpu.dma_semaphore, #tpu.memory_space<semaphore_mem>>) src(%dma_wait3A_86 : memref<160x128xf32, #tpu.memory_space<vmem>>) dst(%dma_wait3A_83 : memref<160x128xf32, #tpu.memory_space<vmem_shared>>)
      %barrier3A = arith.constant 0 : index
      tpu.barrier barrier_id(%barrier3A)
      %swap3A = arith.constant 0 : i32
      %swap3A_87 = arith.constant 0 : i32
      %swap3A_88 = arith.index_cast %swap3A_87 : i32 to index
      %swap3A_89 = memref.load %arg18[%swap3A_88] : memref<8xi32, #tpu.memory_space<smem>>
      memref.store %swap3A, %arg18[%swap3A_88] : memref<8xi32, #tpu.memory_space<smem>>
      %swap3A_90 = arith.constant 0 : i32
      %swap3A_91 = arith.constant 1 : i32
      %swap3A_92 = arith.index_cast %swap3A_91 : i32 to index
      %swap3A_93 = memref.load %arg18[%swap3A_92] : memref<8xi32, #tpu.memory_space<smem>>
      memref.store %swap3A_90, %arg18[%swap3A_92] : memref<8xi32, #tpu.memory_space<smem>>
      %swap3A_94 = arith.constant 0 : i32
      %swap3A_95 = arith.constant 2 : i32
      %swap3A_96 = arith.index_cast %swap3A_95 : i32 to index
      %swap3A_97 = memref.load %arg18[%swap3A_96] : memref<8xi32, #tpu.memory_space<smem>>
      memref.store %swap3A_94, %arg18[%swap3A_96] : memref<8xi32, #tpu.memory_space<smem>>
      %swap3A_98 = arith.constant 0 : i32
      %swap3A_99 = arith.constant 3 : i32
      %swap3A_100 = arith.index_cast %swap3A_99 : i32 to index
      %swap3A_101 = memref.load %arg18[%swap3A_100] : memref<8xi32, #tpu.memory_space<smem>>
      memref.store %swap3A_98, %arg18[%swap3A_100] : memref<8xi32, #tpu.memory_space<smem>>
      %swap3A_102 = arith.constant 0 : i32
      %swap3A_103 = arith.constant 4 : i32
      %swap3A_104 = arith.index_cast %swap3A_103 : i32 to index
      %swap3A_105 = memref.load %arg18[%swap3A_104] : memref<8xi32, #tpu.memory_space<smem>>
      memref.store %swap3A_102, %arg18[%swap3A_104] : memref<8xi32, #tpu.memory_space<smem>>
      %swap3A_106 = arith.constant 0 : i32
      %swap3A_107 = arith.constant 5 : i32
      %swap3A_108 = arith.index_cast %swap3A_107 : i32 to index
      %swap3A_109 = memref.load %arg18[%swap3A_108] : memref<8xi32, #tpu.memory_space<smem>>
      memref.store %swap3A_106, %arg18[%swap3A_108] : memref<8xi32, #tpu.memory_space<smem>>
      %scan3A_110 = arith.constant 0 : i32
      %scan3A_111 = arith.constant 0 : i32
      %scan3A_112 = arith.constant 13 : i32
      %scan3A_113 = arith.addi %scan3A_111, %scan3A_112 : i32
      %scan3A_114 = arith.constant 1 : i32
      %scan3A_115 = scf.for %scan3A_154 = %scan3A_111 to %scan3A_113 step %scan3A_114 iter_args(%scan3A_155 = %scan3A_110) -> (i32)  : i32 {
        %mul3A_156 = arith.constant 16 : i32
        %mul3A_157 = arith.muli %scan3A_154, %mul3A_156 : i32
        %swap3A_158 = arith.index_cast %mul3A_157 : i32 to index
        %swap3A_159 = tpu.vector_load %arg14[%swap3A_158] {strides = array<i32>} : memref<208xi32, #tpu.memory_space<vmem>>, vector<16xi32>,
        tpu.vector_store %arg14[%swap3A_158], %broadcast_in_dim3A_2 {strides = array<i32>} : memref<208xi32, #tpu.memory_space<vmem>>, vector<16xi32>,
        %swap3A_160 = arith.index_cast %mul3A_157 : i32 to index
        %swap3A_161 = tpu.vector_load %arg15[%swap3A_160] {strides = array<i32>} : memref<208xi32, #tpu.memory_space<vmem>>, vector<16xi32>,
        tpu.vector_store %arg15[%swap3A_160], %broadcast_in_dim3A_2 {strides = array<i32>} : memref<208xi32, #tpu.memory_space<vmem>>, vector<16xi32>,
        %swap3A_162 = arith.index_cast %mul3A_157 : i32 to index
        %swap3A_163 = tpu.vector_load %arg16[%swap3A_162] {strides = array<i32>} : memref<208xf32, #tpu.memory_space<vmem>>, vector<16xf32>,
        tpu.vector_store %arg16[%swap3A_162], %broadcast_in_dim3A_0 {strides = array<i32>} : memref<208xf32, #tpu.memory_space<vmem>>, vector<16xf32>,
        %scan3A_164 = arith.constant 0 : i32
        scf.yield %scan3A_164 : i32
      }
      %scan3A_116 = arith.constant 13 : i32
      %mul3A_117 = arith.constant 38400 : i32
      %mul3A_118 = arith.muli %arg1, %mul3A_117 : i32
      %add3A_119 = arith.constant 0 : i32
      %add3A_120 = arith.addi %mul3A_118, %add3A_119 : i32
      %dma_start3A_121 = tpu.memref_slice %arg3[%add3A_120] : memref<614400xi32, #tpu.memory_space<hbm>> -> memref<256xi32, #tpu.memory_space<hbm>>
      %dma_start3A_122 = tpu.memref_slice %arg3[%add3A_120] : memref<614400xi32, #tpu.memory_space<hbm>> -> memref<256xi32, #tpu.memory_space<hbm>>
      tpu.enqueue_dma source(%dma_start3A_122 : memref<256xi32, #tpu.memory_space<hbm>>) target(%arg8 : memref<256xi32, #tpu.memory_space<vmem>>) target_semaphore(%arg19 : memref<!tpu.dma_semaphore, #tpu.memory_space<semaphore_mem>>)
      %dma_start3A_123 = tpu.memref_slice %arg4[%add3A_120] : memref<614400xi32, #tpu.memory_space<hbm>> -> memref<256xi32, #tpu.memory_space<hbm>>
      %dma_start3A_124 = tpu.memref_slice %arg4[%add3A_120] : memref<614400xi32, #tpu.memory_space<hbm>> -> memref<256xi32, #tpu.memory_space<hbm>>
      tpu.enqueue_dma source(%dma_start3A_124 : memref<256xi32, #tpu.memory_space<hbm>>) target(%arg9 : memref<256xi32, #tpu.memory_space<vmem>>) target_semaphore(%arg19 : memref<!tpu.dma_semaphore, #tpu.memory_space<semaphore_mem>>)
      %dma_start3A_125 = tpu.memref_slice %arg5[%add3A_120] : memref<614400xf32, #tpu.memory_space<hbm>> -> memref<256xf32, #tpu.memory_space<hbm>>
      %dma_start3A_126 = tpu.memref_slice %arg5[%add3A_120] : memref<614400xf32, #tpu.memory_space<hbm>> -> memref<256xf32, #tpu.memory_space<hbm>>
      tpu.enqueue_dma source(%dma_start3A_126 : memref<256xf32, #tpu.memory_space<hbm>>) target(%arg10 : memref<256xf32, #tpu.memory_space<vmem>>) target_semaphore(%arg19 : memref<!tpu.dma_semaphore, #tpu.memory_space<semaphore_mem>>)
      %scan3A_127 = arith.constant 0 : i32
      %scan3A_128 = arith.constant 0 : i32
      %scan3A_129 = arith.constant 75 : i32
      %scan3A_130 = arith.addi %scan3A_128, %scan3A_129 : i32
      %scan3A_131 = arith.constant 1 : i32
      %scan3A_132 = scf.for %scan3A_154 = %scan3A_128 to %scan3A_130 step %scan3A_131 iter_args(%scan3A_155 = %scan3A_127) -> (i32)  : i32 {
        %mul3A_156 = arith.constant 2 : i32
        %mul3A_157 = arith.muli %scan3A_154, %mul3A_156 : i32
        %dma_wait3A_158 = arith.constant 0 : i32
        %dma_wait3A_159 = tpu.memref_slice %arg3[%dma_wait3A_158] : memref<614400xi32, #tpu.memory_space<hbm>> -> memref<256xi32, #tpu.memory_space<hbm>>
        %dma_wait3A_160 = arith.constant 0 : i32
        %dma_wait3A_161 = tpu.memref_slice %arg3[%dma_wait3A_160] : memref<614400xi32, #tpu.memory_space<hbm>> -> memref<256xi32, #tpu.memory_space<hbm>>
        tpu.wait_dma2 semaphore(%arg19 : memref<!tpu.dma_semaphore, #tpu.memory_space<semaphore_mem>>) src(%dma_wait3A_161 : memref<256xi32, #tpu.memory_space<hbm>>) dst(%arg8 : memref<256xi32, #tpu.memory_space<vmem>>)
        %dma_wait3A_162 = arith.constant 0 : i32
        %dma_wait3A_163 = tpu.memref_slice %arg4[%dma_wait3A_162] : memref<614400xi32, #tpu.memory_space<hbm>> -> memref<256xi32, #tpu.memory_space<hbm>>
        %dma_wait3A_164 = arith.constant 0 : i32
        %dma_wait3A_165 = tpu.memref_slice %arg4[%dma_wait3A_164] : memref<614400xi32, #tpu.memory_space<hbm>> -> memref<256xi32, #tpu.memory_space<hbm>>
        tpu.wait_dma2 semaphore(%arg19 : memref<!tpu.dma_semaphore, #tpu.memory_space<semaphore_mem>>) src(%dma_wait3A_165 : memref<256xi32, #tpu.memory_space<hbm>>) dst(%arg9 : memref<256xi32, #tpu.memory_space<vmem>>)
        %dma_wait3A_166 = arith.constant 0 : i32
        %dma_wait3A_167 = tpu.memref_slice %arg5[%dma_wait3A_166] : memref<614400xf32, #tpu.memory_space<hbm>> -> memref<256xf32, #tpu.memory_space<hbm>>
        %dma_wait3A_168 = arith.constant 0 : i32
        %dma_wait3A_169 = tpu.memref_slice %arg5[%dma_wait3A_168] : memref<614400xf32, #tpu.memory_space<hbm>> -> memref<256xf32, #tpu.memory_space<hbm>>
        tpu.wait_dma2 semaphore(%arg19 : memref<!tpu.dma_semaphore, #tpu.memory_space<semaphore_mem>>) src(%dma_wait3A_169 : memref<256xf32, #tpu.memory_space<hbm>>) dst(%arg10 : memref<256xf32, #tpu.memory_space<vmem>>)
        %add3A_170 = arith.constant 1 : i32
        %add3A_171 = arith.addi %mul3A_157, %add3A_170 : i32
        %mul3A_172 = arith.constant 38400 : i32
        %mul3A_173 = arith.muli %arg1, %mul3A_172 : i32
        %mul3A_174 = arith.constant 256 : i32
        %mul3A_175 = arith.muli %add3A_171, %mul3A_174 : i32
        %add3A_176 = arith.addi %mul3A_173, %mul3A_175 : i32
        %dma_start3A_177 = tpu.memref_slice %arg3[%add3A_176] : memref<614400xi32, #tpu.memory_space<hbm>> -> memref<256xi32, #tpu.memory_space<hbm>>
        %dma_start3A_178 = tpu.memref_slice %arg3[%add3A_176] : memref<614400xi32, #tpu.memory_space<hbm>> -> memref<256xi32, #tpu.memory_space<hbm>>
        tpu.enqueue_dma source(%dma_start3A_178 : memref<256xi32, #tpu.memory_space<hbm>>) target(%arg11 : memref<256xi32, #tpu.memory_space<vmem>>) target_semaphore(%arg20 : memref<!tpu.dma_semaphore, #tpu.memory_space<semaphore_mem>>)
        %dma_start3A_179 = tpu.memref_slice %arg4[%add3A_176] : memref<614400xi32, #tpu.memory_space<hbm>> -> memref<256xi32, #tpu.memory_space<hbm>>
        %dma_start3A_180 = tpu.memref_slice %arg4[%add3A_176] : memref<614400xi32, #tpu.memory_space<hbm>> -> memref<256xi32, #tpu.memory_space<hbm>>
        tpu.enqueue_dma source(%dma_start3A_180 : memref<256xi32, #tpu.memory_space<hbm>>) target(%arg12 : memref<256xi32, #tpu.memory_space<vmem>>) target_semaphore(%arg20 : memref<!tpu.dma_semaphore, #tpu.memory_space<semaphore_mem>>)
        %dma_start3A_181 = tpu.memref_slice %arg5[%add3A_176] : memref<614400xf32, #tpu.memory_space<hbm>> -> memref<256xf32, #tpu.memory_space<hbm>>
        %dma_start3A_182 = tpu.memref_slice %arg5[%add3A_176] : memref<614400xf32, #tpu.memory_space<hbm>> -> memref<256xf32, #tpu.memory_space<hbm>>
        tpu.enqueue_dma source(%dma_start3A_182 : memref<256xf32, #tpu.memory_space<hbm>>) target(%arg13 : memref<256xf32, #tpu.memory_space<vmem>>) target_semaphore(%arg20 : memref<!tpu.dma_semaphore, #tpu.memory_space<semaphore_mem>>)
        %scan3A_183 = arith.constant 0 : i32
        %scan3A_184 = arith.constant 0 : i32
        %scan3A_185 = arith.constant 16 : i32
        %scan3A_186 = arith.addi %scan3A_184, %scan3A_185 : i32
        %scan3A_187 = arith.constant 1 : i32
        %scan3A_188 = scf.for %scan3A_219 = %scan3A_184 to %scan3A_186 step %scan3A_187 iter_args(%scan3A_220 = %scan3A_183) -> (i32)  : i32 {
          %mul3A_221 = arith.constant 16 : i32
          %mul3A_222 = arith.muli %scan3A_219, %mul3A_221 : i32
          %get3A_223 = arith.index_cast %mul3A_222 : i32 to index
          %get3A_224 = tpu.vector_load %arg8[%get3A_223] {strides = array<i32>} : memref<256xi32, #tpu.memory_space<vmem>>, vector<16xi32>,
          %get3A_225 = arith.index_cast %mul3A_222 : i32 to index
          %get3A_226 = tpu.vector_load %arg9[%get3A_225] {strides = array<i32>} : memref<256xi32, #tpu.memory_space<vmem>>, vector<16xi32>,
          %add3A_227 = arith.constant 50000 : i32
          %add3A_228 = vector.broadcast %add3A_227 : i32 to vector<16xi32>
          %add3A_229 = arith.addi %get3A_226, %add3A_228 : vector<16xi32>
          %get3A_230 = arith.index_cast %mul3A_222 : i32 to index
          %get3A_231 = tpu.vector_load %arg10[%get3A_230] {strides = array<i32>} : memref<256xf32, #tpu.memory_space<vmem>>, vector<16xf32>,
          %mul3A_232 = arith.constant 38400 : i32
          %mul3A_233 = arith.muli %arg1, %mul3A_232 : i32
          %mul3A_234 = arith.constant 256 : i32
          %mul3A_235 = arith.muli %mul3A_157, %mul3A_234 : i32
          %add3A_236 = arith.addi %mul3A_233, %mul3A_235 : i32
          %mul3A_237 = arith.constant 16 : i32
          %mul3A_238 = arith.muli %scan3A_219, %mul3A_237 : i32
          %add3A_239 = arith.addi %add3A_236, %mul3A_238 : i32
          %add3A_240 = vector.broadcast %add3A_239 : i32 to vector<16xi32>
          %add3A_241 = arith.addi %add3A_240, %iota3A : vector<16xi32>
          %ge3A = vector.broadcast %add3A : i32 to vector<16xi32>
          %ge3A_242 = arith.cmpi sge, %get3A_224, %ge3A : vector<16xi32>
          %add3A_243 = arith.constant 12544 : i32
          %add3A_244 = arith.addi %add3A, %add3A_243 : i32
          %lt3A_245 = vector.broadcast %add3A_244 : i32 to vector<16xi32>
          %lt3A_246 = arith.cmpi slt, %get3A_224, %lt3A_245 : vector<16xi32>
          %and3A = arith.andi %ge3A_242, %lt3A_246 : vector<16xi1>
          %lt3A_247 = arith.constant 600000 : i32
          %lt3A_248 = vector.broadcast %lt3A_247 : i32 to vector<16xi32>
          %lt3A_249 = arith.cmpi slt, %add3A_241, %lt3A_248 : vector<16xi32>
          %and3A_250 = arith.andi %and3A, %lt3A_249 : vector<16xi1>
          %get3A_251 = arith.constant 0 : i32
          %get3A_252 = arith.index_cast %get3A_251 : i32 to index
          %get3A_253 = memref.load %arg18[%get3A_252] : memref<8xi32, #tpu.memory_space<smem>>
          %gt3A_254 = arith.constant 192 : i32
          %gt3A_255 = arith.cmpi sgt, %get3A_253, %gt3A_254 : i32
          %convert_element_type3A_256 = arith.extui %gt3A_255 : i1 to i32
          %cond3A_257 = arith.constant 0 : i32
          %cond3A_258 = arith.cmpi ne, %convert_element_type3A_256, %cond3A_257 : i32
          scf.if %cond3A_258 {
            %dma_start3A_279 = arith.constant 0 : i32
            %dma_start3A_280 = arith.constant 0 : i32
            %dma_start3A_281 = tpu.memref_slice %arg2[%dma_start3A_279, %dma_start3A_280] : memref<100000x128xf32, #tpu.memory_space<hbm>> -> memref<100000x128xf32, #tpu.memory_space<hbm>>
            tpu.enqueue_indirect_dma source(%dma_start3A_281 : memref<100000x128xf32, #tpu.memory_space<hbm>>) target(%arg17 : memref<208x128xf32, #tpu.memory_space<vmem>>) offsets(%arg15 : memref<208xi32, #tpu.memory_space<vmem>>) semaphore(%arg21 : memref<!tpu.dma_semaphore, #tpu.memory_space<semaphore_mem>>)
            %dma_wait3A_282 = arith.constant 0 : i32
            %dma_wait3A_283 = arith.constant 0 : i32
            %dma_wait3A_284 = tpu.memref_slice %arg2[%dma_wait3A_282, %dma_wait3A_283] : memref<100000x128xf32, #tpu.memory_space<hbm>> -> memref<100000x128xf32, #tpu.memory_space<hbm>>
            tpu.wait_indirect_dma semaphore(%arg21 : memref<!tpu.dma_semaphore, #tpu.memory_space<semaphore_mem>>) src(%dma_wait3A_284 : memref<100000x128xf32, #tpu.memory_space<hbm>>) dst(%arg17 : memref<208x128xf32, #tpu.memory_space<vmem>>)
            %scan3A_285 = arith.constant 0 : i32
            %scan3A_286 = arith.constant 0 : i32
            %scan3A_287 = arith.constant 208 : i32
            %scan3A_288 = arith.addi %scan3A_286, %scan3A_287 : i32
            %scan3A_289 = arith.constant 1 : i32
            %scan3A_290 = scf.for %scan3A_303 = %scan3A_286 to %scan3A_288 step %scan3A_289 iter_args(%scan3A_304 = %scan3A_285) -> (i32)  : i32 {
              %broadcast_in_dim3A_305 = vector.broadcast %scan3A_303 : i32 to vector<16xi32>
              %gather3A = tpu.vector_load_idx %arg16[%broadcast_in_dim3A_305] : memref<208xf32, #tpu.memory_space<vmem>>[vector<16xi32>], vector<16xf32>,
              %get3A_306 = arith.index_cast %scan3A_303 : i32 to index
              %get3A_307 = arith.constant 0 : index
              %get3A_308 = tpu.vector_load %arg17[%get3A_306, %get3A_307] {strides = array<i32>} : memref<208x128xf32, #tpu.memory_space<vmem>>, vector<16xf32>,
              %mul3A_309 = arith.mulf %get3A_308, %gather3A : vector<16xf32>
              %swap3A_310 = arith.index_cast %scan3A_303 : i32 to index
              %swap3A_311 = arith.constant 0 : index
              %swap3A_312 = tpu.vector_load %arg17[%swap3A_310, %swap3A_311] {strides = array<i32>} : memref<208x128xf32, #tpu.memory_space<vmem>>, vector<16xf32>,
              tpu.vector_store %arg17[%swap3A_310, %swap3A_311], %mul3A_309 {strides = array<i32>} : memref<208x128xf32, #tpu.memory_space<vmem>>, vector<16xf32>,
              %get3A_313 = arith.index_cast %scan3A_303 : i32 to index
              %get3A_314 = arith.constant 16 : index
              %get3A_315 = tpu.vector_load %arg17[%get3A_313, %get3A_314] {strides = array<i32>} : memref<208x128xf32, #tpu.memory_space<vmem>>, vector<16xf32>,
              %mul3A_316 = arith.mulf %get3A_315, %gather3A : vector<16xf32>
              %swap3A_317 = arith.index_cast %scan3A_303 : i32 to index
              %swap3A_318 = arith.constant 16 : index
              %swap3A_319 = tpu.vector_load %arg17[%swap3A_317, %swap3A_318] {strides = array<i32>} : memref<208x128xf32, #tpu.memory_space<vmem>>, vector<16xf32>,
              tpu.vector_store %arg17[%swap3A_317, %swap3A_318], %mul3A_316 {strides = array<i32>} : memref<208x128xf32, #tpu.memory_space<vmem>>, vector<16xf32>,
              %get3A_320 = arith.index_cast %scan3A_303 : i32 to index
              %get3A_321 = arith.constant 32 : index
              %get3A_322 = tpu.vector_load %arg17[%get3A_320, %get3A_321] {strides = array<i32>} : memref<208x128xf32, #tpu.memory_space<vmem>>, vector<16xf32>,
              %mul3A_323 = arith.mulf %get3A_322, %gather3A : vector<16xf32>
              %swap3A_324 = arith.index_cast %scan3A_303 : i32 to index
              %swap3A_325 = arith.constant 32 : index
              %swap3A_326 = tpu.vector_load %arg17[%swap3A_324, %swap3A_325] {strides = array<i32>} : memref<208x128xf32, #tpu.memory_space<vmem>>, vector<16xf32>,
              tpu.vector_store %arg17[%swap3A_324, %swap3A_325], %mul3A_323 {strides = array<i32>} : memref<208x128xf32, #tpu.memory_space<vmem>>, vector<16xf32>,
              %get3A_327 = arith.index_cast %scan3A_303 : i32 to index
              %get3A_328 = arith.constant 48 : index
              %get3A_329 = tpu.vector_load %arg17[%get3A_327, %get3A_328] {strides = array<i32>} : memref<208x128xf32, #tpu.memory_space<vmem>>, vector<16xf32>,
              %mul3A_330 = arith.mulf %get3A_329, %gather3A : vector<16xf32>
              %swap3A_331 = arith.index_cast %scan3A_303 : i32 to index
              %swap3A_332 = arith.constant 48 : index
              %swap3A_333 = tpu.vector_load %arg17[%swap3A_331, %swap3A_332] {strides = array<i32>} : memref<208x128xf32, #tpu.memory_space<vmem>>, vector<16xf32>,
              tpu.vector_store %arg17[%swap3A_331, %swap3A_332], %mul3A_330 {strides = array<i32>} : memref<208x128xf32, #tpu.memory_space<vmem>>, vector<16xf32>,
              %get3A_334 = arith.index_cast %scan3A_303 : i32 to index
              %get3A_335 = arith.constant 64 : index
              %get3A_336 = tpu.vector_load %arg17[%get3A_334, %get3A_335] {strides = array<i32>} : memref<208x128xf32, #tpu.memory_space<vmem>>, vector<16xf32>,
              %mul3A_337 = arith.mulf %get3A_336, %gather3A : vector<16xf32>
              %swap3A_338 = arith.index_cast %scan3A_303 : i32 to index
              %swap3A_339 = arith.constant 64 : index
              %swap3A_340 = tpu.vector_load %arg17[%swap3A_338, %swap3A_339] {strides = array<i32>} : memref<208x128xf32, #tpu.memory_space<vmem>>, vector<16xf32>,
              tpu.vector_store %arg17[%swap3A_338, %swap3A_339], %mul3A_337 {strides = array<i32>} : memref<208x128xf32, #tpu.memory_space<vmem>>, vector<16xf32>,
              %get3A_341 = arith.index_cast %scan3A_303 : i32 to index
              %get3A_342 = arith.constant 80 : index
              %get3A_343 = tpu.vector_load %arg17[%get3A_341, %get3A_342] {strides = array<i32>} : memref<208x128xf32, #tpu.memory_space<vmem>>, vector<16xf32>,
              %mul3A_344 = arith.mulf %get3A_343, %gather3A : vector<16xf32>
              %swap3A_345 = arith.index_cast %scan3A_303 : i32 to index
              %swap3A_346 = arith.constant 80 : index
              %swap3A_347 = tpu.vector_load %arg17[%swap3A_345, %swap3A_346] {strides = array<i32>} : memref<208x128xf32, #tpu.memory_space<vmem>>, vector<16xf32>,
              tpu.vector_store %arg17[%swap3A_345, %swap3A_346], %mul3A_344 {strides = array<i32>} : memref<208x128xf32, #tpu.memory_space<vmem>>, vector<16xf32>,
              %get3A_348 = arith.index_cast %scan3A_303 : i32 to index
              %get3A_349 = arith.constant 96 : index
              %get3A_350 = tpu.vector_load %arg17[%get3A_348, %get3A_349] {strides = array<i32>} : memref<208x128xf32, #tpu.memory_space<vmem>>, vector<16xf32>,
              %mul3A_351 = arith.mulf %get3A_350, %gather3A : vector<16xf32>
              %swap3A_352 = arith.index_cast %scan3A_303 : i32 to index
              %swap3A_353 = arith.constant 96 : index
              %swap3A_354 = tpu.vector_load %arg17[%swap3A_352, %swap3A_353] {strides = array<i32>} : memref<208x128xf32, #tpu.memory_space<vmem>>, vector<16xf32>,
              tpu.vector_store %arg17[%swap3A_352, %swap3A_353], %mul3A_351 {strides = array<i32>} : memref<208x128xf32, #tpu.memory_space<vmem>>, vector<16xf32>,
              %get3A_355 = arith.index_cast %scan3A_303 : i32 to index
              %get3A_356 = arith.constant 112 : index
              %get3A_357 = tpu.vector_load %arg17[%get3A_355, %get3A_356] {strides = array<i32>} : memref<208x128xf32, #tpu.memory_space<vmem>>, vector<16xf32>,
              %mul3A_358 = arith.mulf %get3A_357, %gather3A : vector<16xf32>
              %swap3A_359 = arith.index_cast %scan3A_303 : i32 to index
              %swap3A_360 = arith.constant 112 : index
              %swap3A_361 = tpu.vector_load %arg17[%swap3A_359, %swap3A_360] {strides = array<i32>} : memref<208x128xf32, #tpu.memory_space<vmem>>, vector<16xf32>,
              tpu.vector_store %arg17[%swap3A_359, %swap3A_360], %mul3A_358 {strides = array<i32>} : memref<208x128xf32, #tpu.memory_space<vmem>>, vector<16xf32>,
              %scan3A_362 = arith.constant 0 : i32
              scf.yield %scan3A_362 : i32
            }
            %scan3A_291 = arith.constant 208 : i32
            "tpu.region"() ({
              %run_scoped3A = tpu.sem_alloc : memref<!tpu.dma_semaphore, #tpu.memory_space<semaphore_mem>>
              %dma_start3A_303 = arith.constant 0 : i32
              %dma_start3A_304 = arith.constant 0 : i32
              %dma_start3A_305 = tpu.memref_slice %arg7[%dma_start3A_303, %dma_start3A_304] : memref<12544x128xf32, #tpu.memory_space<vmem_shared>> -> memref<12544x128xf32, #tpu.memory_space<vmem_shared>>
              tpu.enqueue_indirect_dma source(%arg17 : memref<208x128xf32, #tpu.memory_space<vmem>>) target(%dma_start3A_305 : memref<12544x128xf32, #tpu.memory_space<vmem_shared>>) offsets(%arg14 : memref<208xi32, #tpu.memory_space<vmem>>) semaphore(%run_scoped3A : memref<!tpu.dma_semaphore, #tpu.memory_space<semaphore_mem>>) {add = true}
              %dma_wait3A_306 = arith.constant 0 : i32
              %dma_wait3A_307 = arith.constant 0 : i32
              %dma_wait3A_308 = tpu.memref_slice %arg7[%dma_wait3A_306, %dma_wait3A_307] : memref<12544x128xf32, #tpu.memory_space<vmem_shared>> -> memref<12544x128xf32, #tpu.memory_space<vmem_shared>>
              tpu.wait_indirect_dma semaphore(%run_scoped3A : memref<!tpu.dma_semaphore, #tpu.memory_space<semaphore_mem>>) src(%arg17 : memref<208x128xf32, #tpu.memory_space<vmem>>) dst(%dma_wait3A_308 : memref<12544x128xf32, #tpu.memory_space<vmem_shared>>)
              tpu.yield
            }) : () -> ()
            %scan3A_292 = arith.constant 0 : i32
            %scan3A_293 = arith.constant 0 : i32
            %scan3A_294 = arith.constant 13 : i32
            %scan3A_295 = arith.addi %scan3A_293, %scan3A_294 : i32
            %scan3A_296 = arith.constant 1 : i32
            %scan3A_297 = scf.for %scan3A_303 = %scan3A_293 to %scan3A_295 step %scan3A_296 iter_args(%scan3A_304 = %scan3A_292) -> (i32)  : i32 {
              %mul3A_305 = arith.constant 16 : i32
              %mul3A_306 = arith.muli %scan3A_303, %mul3A_305 : i32
              %swap3A_307 = arith.index_cast %mul3A_306 : i32 to index
              %swap3A_308 = tpu.vector_load %arg14[%swap3A_307] {strides = array<i32>} : memref<208xi32, #tpu.memory_space<vmem>>, vector<16xi32>,
              tpu.vector_store %arg14[%swap3A_307], %broadcast_in_dim3A_2 {strides = array<i32>} : memref<208xi32, #tpu.memory_space<vmem>>, vector<16xi32>,
              %swap3A_309 = arith.index_cast %mul3A_306 : i32 to index
              %swap3A_310 = tpu.vector_load %arg15[%swap3A_309] {strides = array<i32>} : memref<208xi32, #tpu.memory_space<vmem>>, vector<16xi32>,
              tpu.vector_store %arg15[%swap3A_309], %broadcast_in_dim3A_2 {strides = array<i32>} : memref<208xi32, #tpu.memory_space<vmem>>, vector<16xi32>,
              %swap3A_311 = arith.index_cast %mul3A_306 : i32 to index
              %swap3A_312 = tpu.vector_load %arg16[%swap3A_311] {strides = array<i32>} : memref<208xf32, #tpu.memory_space<vmem>>, vector<16xf32>,
              tpu.vector_store %arg16[%swap3A_311], %broadcast_in_dim3A_0 {strides = array<i32>} : memref<208xf32, #tpu.memory_space<vmem>>, vector<16xf32>,
              %scan3A_313 = arith.constant 0 : i32
              scf.yield %scan3A_313 : i32
            }
            %scan3A_298 = arith.constant 13 : i32
            %swap3A_299 = arith.constant 0 : i32
            %swap3A_300 = arith.constant 0 : i32
            %swap3A_301 = arith.index_cast %swap3A_300 : i32 to index
            %swap3A_302 = memref.load %arg18[%swap3A_301] : memref<8xi32, #tpu.memory_space<smem>>
            memref.store %swap3A_299, %arg18[%swap3A_301] : memref<8xi32, #tpu.memory_space<smem>>
          } else {
          }
          %sub3A_259 = vector.broadcast %add3A : i32 to vector<16xi32>
          %sub3A_260 = arith.subi %get3A_224, %sub3A_259 : vector<16xi32>
          %get3A_261 = arith.constant 0 : i32
          %get3A_262 = arith.index_cast %get3A_261 : i32 to index
          %get3A_263 = memref.load %arg18[%get3A_262] : memref<8xi32, #tpu.memory_space<smem>>
          %swap3A_264 = arith.index_cast %get3A_263 : i32 to index
          %swap3A_265 = tpu.vector_load %arg14[%swap3A_264] masked %and3A_250 {strides = array<i32>} : memref<208xi32, #tpu.memory_space<vmem>>, vector<16xi32>, vector<16xi1>
          tpu.vector_store %arg14[%swap3A_264], %sub3A_260 masked %and3A_250 {strides = array<i32>} : memref<208xi32, #tpu.memory_space<vmem>>, vector<16xi32>, vector<16xi1>
          %swap3A_266 = arith.index_cast %get3A_263 : i32 to index
          %swap3A_267 = tpu.vector_load %arg15[%swap3A_266] masked %and3A_250 {strides = array<i32>} : memref<208xi32, #tpu.memory_space<vmem>>, vector<16xi32>, vector<16xi1>
          tpu.vector_store %arg15[%swap3A_266], %add3A_229 masked %and3A_250 {strides = array<i32>} : memref<208xi32, #tpu.memory_space<vmem>>, vector<16xi32>, vector<16xi1>
          %swap3A_268 = arith.index_cast %get3A_263 : i32 to index
          %swap3A_269 = tpu.vector_load %arg16[%swap3A_268] masked %and3A_250 {strides = array<i32>} : memref<208xf32, #tpu.memory_space<vmem>>, vector<16xf32>, vector<16xi1>
          tpu.vector_store %arg16[%swap3A_268], %get3A_231 masked %and3A_250 {strides = array<i32>} : memref<208xf32, #tpu.memory_space<vmem>>, vector<16xf32>, vector<16xi1>
          %convert_element_type3A_270 = arith.extui %and3A_250 : vector<16xi1> to vector<16xi32>
          %reduce_sum3A = arith.constant true
          %reduce_sum3A_271 = vector.broadcast %reduce_sum3A : i1 to vector<16xi1>
          %reduce_sum3A_272 = tpu.scan <sum>, %convert_element_type3A_270 masked %reduce_sum3A_271 : vector<16xi32>, vector<16xi1> -> vector<16xi32>
          %reduce_sum3A_273 = vector.extract %reduce_sum3A_272[15] : i32 from vector<16xi32>
          %add3A_274 = arith.addi %get3A_263, %reduce_sum3A_273 : i32
          %swap3A_275 = arith.constant 0 : i32
          %swap3A_276 = arith.index_cast %swap3A_275 : i32 to index
          %swap3A_277 = memref.load %arg18[%swap3A_276] : memref<8xi32, #tpu.memory_space<smem>>
          memref.store %add3A_274, %arg18[%swap3A_276] : memref<8xi32, #tpu.memory_space<smem>>
          %scan3A_278 = arith.constant 0 : i32
          scf.yield %scan3A_278 : i32
        }
        %scan3A_189 = arith.constant 16 : i32
        %dma_wait3A_190 = arith.constant 0 : i32
        %dma_wait3A_191 = tpu.memref_slice %arg3[%dma_wait3A_190] : memref<614400xi32, #tpu.memory_space<hbm>> -> memref<256xi32, #tpu.memory_space<hbm>>
        %dma_wait3A_192 = arith.constant 0 : i32
        %dma_wait3A_193 = tpu.memref_slice %arg3[%dma_wait3A_192] : memref<614400xi32, #tpu.memory_space<hbm>> -> memref<256xi32, #tpu.memory_space<hbm>>
        tpu.wait_dma2 semaphore(%arg20 : memref<!tpu.dma_semaphore, #tpu.memory_space<semaphore_mem>>) src(%dma_wait3A_193 : memref<256xi32, #tpu.memory_space<hbm>>) dst(%arg11 : memref<256xi32, #tpu.memory_space<vmem>>)
        %dma_wait3A_194 = arith.constant 0 : i32
        %dma_wait3A_195 = tpu.memref_slice %arg4[%dma_wait3A_194] : memref<614400xi32, #tpu.memory_space<hbm>> -> memref<256xi32, #tpu.memory_space<hbm>>
        %dma_wait3A_196 = arith.constant 0 : i32
        %dma_wait3A_197 = tpu.memref_slice %arg4[%dma_wait3A_196] : memref<614400xi32, #tpu.memory_space<hbm>> -> memref<256xi32, #tpu.memory_space<hbm>>
        tpu.wait_dma2 semaphore(%arg20 : memref<!tpu.dma_semaphore, #tpu.memory_space<semaphore_mem>>) src(%dma_wait3A_197 : memref<256xi32, #tpu.memory_space<hbm>>) dst(%arg12 : memref<256xi32, #tpu.memory_space<vmem>>)
        %dma_wait3A_198 = arith.constant 0 : i32
        %dma_wait3A_199 = tpu.memref_slice %arg5[%dma_wait3A_198] : memref<614400xf32, #tpu.memory_space<hbm>> -> memref<256xf32, #tpu.memory_space<hbm>>
        %dma_wait3A_200 = arith.constant 0 : i32
        %dma_wait3A_201 = tpu.memref_slice %arg5[%dma_wait3A_200] : memref<614400xf32, #tpu.memory_space<hbm>> -> memref<256xf32, #tpu.memory_space<hbm>>
        tpu.wait_dma2 semaphore(%arg20 : memref<!tpu.dma_semaphore, #tpu.memory_space<semaphore_mem>>) src(%dma_wait3A_201 : memref<256xf32, #tpu.memory_space<hbm>>) dst(%arg13 : memref<256xf32, #tpu.memory_space<vmem>>)
        %add3A_202 = arith.constant 2 : i32
        %add3A_203 = arith.addi %mul3A_157, %add3A_202 : i32
        %lt3A_204 = arith.constant 150 : i32
        %lt3A_205 = arith.cmpi slt, %add3A_203, %lt3A_204 : i32
        %convert_element_type3A_206 = arith.extui %lt3A_205 : i1 to i32
        %cond3A_207 = arith.constant 0 : i32
        %cond3A_208 = arith.cmpi ne, %convert_element_type3A_206, %cond3A_207 : i32
        scf.if %cond3A_208 {
          %add3A_219 = arith.constant 2 : i32
          %add3A_220 = arith.addi %mul3A_157, %add3A_219 : i32
          %mul3A_221 = arith.constant 38400 : i32
          %mul3A_222 = arith.muli %arg1, %mul3A_221 : i32
          %mul3A_223 = arith.constant 256 : i32
          %mul3A_224 = arith.muli %add3A_220, %mul3A_223 : i32
          %add3A_225 = arith.addi %mul3A_222, %mul3A_224 : i32
          %dma_start3A_226 = tpu.memref_slice %arg3[%add3A_225] : memref<614400xi32, #tpu.memory_space<hbm>> -> memref<256xi32, #tpu.memory_space<hbm>>
          %dma_start3A_227 = tpu.memref_slice %arg3[%add3A_225] : memref<614400xi32, #tpu.memory_space<hbm>> -> memref<256xi32, #tpu.memory_space<hbm>>
          tpu.enqueue_dma source(%dma_start3A_227 : memref<256xi32, #tpu.memory_space<hbm>>) target(%arg8 : memref<256xi32, #tpu.memory_space<vmem>>) target_semaphore(%arg19 : memref<!tpu.dma_semaphore, #tpu.memory_space<semaphore_mem>>)
          %dma_start3A_228 = tpu.memref_slice %arg4[%add3A_225] : memref<614400xi32, #tpu.memory_space<hbm>> -> memref<256xi32, #tpu.memory_space<hbm>>
          %dma_start3A_229 = tpu.memref_slice %arg4[%add3A_225] : memref<614400xi32, #tpu.memory_space<hbm>> -> memref<256xi32, #tpu.memory_space<hbm>>
          tpu.enqueue_dma source(%dma_start3A_229 : memref<256xi32, #tpu.memory_space<hbm>>) target(%arg9 : memref<256xi32, #tpu.memory_space<vmem>>) target_semaphore(%arg19 : memref<!tpu.dma_semaphore, #tpu.memory_space<semaphore_mem>>)
          %dma_start3A_230 = tpu.memref_slice %arg5[%add3A_225] : memref<614400xf32, #tpu.memory_space<hbm>> -> memref<256xf32, #tpu.memory_space<hbm>>
          %dma_start3A_231 = tpu.memref_slice %arg5[%add3A_225] : memref<614400xf32, #tpu.memory_space<hbm>> -> memref<256xf32, #tpu.memory_space<hbm>>
          tpu.enqueue_dma source(%dma_start3A_231 : memref<256xf32, #tpu.memory_space<hbm>>) target(%arg10 : memref<256xf32, #tpu.memory_space<vmem>>) target_semaphore(%arg19 : memref<!tpu.dma_semaphore, #tpu.memory_space<semaphore_mem>>)
        } else {
        }
        %add3A_209 = arith.constant 1 : i32
        %add3A_210 = arith.addi %mul3A_157, %add3A_209 : i32
        %scan3A_211 = arith.constant 0 : i32
        %scan3A_212 = arith.constant 0 : i32
        %scan3A_213 = arith.constant 16 : i32
        %scan3A_214 = arith.addi %scan3A_212, %scan3A_213 : i32
        %scan3A_215 = arith.constant 1 : i32
        %scan3A_216 = scf.for %scan3A_219 = %scan3A_212 to %scan3A_214 step %scan3A_215 iter_args(%scan3A_220 = %scan3A_211) -> (i32)  : i32 {
          %mul3A_221 = arith.constant 16 : i32
          %mul3A_222 = arith.muli %scan3A_219, %mul3A_221 : i32
          %get3A_223 = arith.index_cast %mul3A_222 : i32 to index
          %get3A_224 = tpu.vector_load %arg11[%get3A_223] {strides = array<i32>} : memref<256xi32, #tpu.memory_space<vmem>>, vector<16xi32>,
          %get3A_225 = arith.index_cast %mul3A_222 : i32 to index
          %get3A_226 = tpu.vector_load %arg12[%get3A_225] {strides = array<i32>} : memref<256xi32, #tpu.memory_space<vmem>>, vector<16xi32>,
          %add3A_227 = arith.constant 50000 : i32
          %add3A_228 = vector.broadcast %add3A_227 : i32 to vector<16xi32>
          %add3A_229 = arith.addi %get3A_226, %add3A_228 : vector<16xi32>
          %get3A_230 = arith.index_cast %mul3A_222 : i32 to index
          %get3A_231 = tpu.vector_load %arg13[%get3A_230] {strides = array<i32>} : memref<256xf32, #tpu.memory_space<vmem>>, vector<16xf32>,
          %mul3A_232 = arith.constant 38400 : i32
          %mul3A_233 = arith.muli %arg1, %mul3A_232 : i32
          %mul3A_234 = arith.constant 256 : i32
          %mul3A_235 = arith.muli %add3A_210, %mul3A_234 : i32
          %add3A_236 = arith.addi %mul3A_233, %mul3A_235 : i32
          %mul3A_237 = arith.constant 16 : i32
          %mul3A_238 = arith.muli %scan3A_219, %mul3A_237 : i32
          %add3A_239 = arith.addi %add3A_236, %mul3A_238 : i32
          %add3A_240 = vector.broadcast %add3A_239 : i32 to vector<16xi32>
          %add3A_241 = arith.addi %add3A_240, %iota3A : vector<16xi32>
          %ge3A = vector.broadcast %add3A : i32 to vector<16xi32>
          %ge3A_242 = arith.cmpi sge, %get3A_224, %ge3A : vector<16xi32>
          %add3A_243 = arith.constant 12544 : i32
          %add3A_244 = arith.addi %add3A, %add3A_243 : i32
          %lt3A_245 = vector.broadcast %add3A_244 : i32 to vector<16xi32>
          %lt3A_246 = arith.cmpi slt, %get3A_224, %lt3A_245 : vector<16xi32>
          %and3A = arith.andi %ge3A_242, %lt3A_246 : vector<16xi1>
          %lt3A_247 = arith.constant 600000 : i32
          %lt3A_248 = vector.broadcast %lt3A_247 : i32 to vector<16xi32>
          %lt3A_249 = arith.cmpi slt, %add3A_241, %lt3A_248 : vector<16xi32>
          %and3A_250 = arith.andi %and3A, %lt3A_249 : vector<16xi1>
          %get3A_251 = arith.constant 0 : i32
          %get3A_252 = arith.index_cast %get3A_251 : i32 to index
          %get3A_253 = memref.load %arg18[%get3A_252] : memref<8xi32, #tpu.memory_space<smem>>
          %gt3A_254 = arith.constant 192 : i32
          %gt3A_255 = arith.cmpi sgt, %get3A_253, %gt3A_254 : i32
          %convert_element_type3A_256 = arith.extui %gt3A_255 : i1 to i32
          %cond3A_257 = arith.constant 0 : i32
          %cond3A_258 = arith.cmpi ne, %convert_element_type3A_256, %cond3A_257 : i32
          scf.if %cond3A_258 {
            %dma_start3A_279 = arith.constant 0 : i32
            %dma_start3A_280 = arith.constant 0 : i32
            %dma_start3A_281 = tpu.memref_slice %arg2[%dma_start3A_279, %dma_start3A_280] : memref<100000x128xf32, #tpu.memory_space<hbm>> -> memref<100000x128xf32, #tpu.memory_space<hbm>>
            tpu.enqueue_indirect_dma source(%dma_start3A_281 : memref<100000x128xf32, #tpu.memory_space<hbm>>) target(%arg17 : memref<208x128xf32, #tpu.memory_space<vmem>>) offsets(%arg15 : memref<208xi32, #tpu.memory_space<vmem>>) semaphore(%arg21 : memref<!tpu.dma_semaphore, #tpu.memory_space<semaphore_mem>>)
            %dma_wait3A_282 = arith.constant 0 : i32
            %dma_wait3A_283 = arith.constant 0 : i32
            %dma_wait3A_284 = tpu.memref_slice %arg2[%dma_wait3A_282, %dma_wait3A_283] : memref<100000x128xf32, #tpu.memory_space<hbm>> -> memref<100000x128xf32, #tpu.memory_space<hbm>>
            tpu.wait_indirect_dma semaphore(%arg21 : memref<!tpu.dma_semaphore, #tpu.memory_space<semaphore_mem>>) src(%dma_wait3A_284 : memref<100000x128xf32, #tpu.memory_space<hbm>>) dst(%arg17 : memref<208x128xf32, #tpu.memory_space<vmem>>)
            %scan3A_285 = arith.constant 0 : i32
            %scan3A_286 = arith.constant 0 : i32
            %scan3A_287 = arith.constant 208 : i32
            %scan3A_288 = arith.addi %scan3A_286, %scan3A_287 : i32
            %scan3A_289 = arith.constant 1 : i32
            %scan3A_290 = scf.for %scan3A_303 = %scan3A_286 to %scan3A_288 step %scan3A_289 iter_args(%scan3A_304 = %scan3A_285) -> (i32)  : i32 {
              %broadcast_in_dim3A_305 = vector.broadcast %scan3A_303 : i32 to vector<16xi32>
              %gather3A = tpu.vector_load_idx %arg16[%broadcast_in_dim3A_305] : memref<208xf32, #tpu.memory_space<vmem>>[vector<16xi32>], vector<16xf32>,
              %get3A_306 = arith.index_cast %scan3A_303 : i32 to index
              %get3A_307 = arith.constant 0 : index
              %get3A_308 = tpu.vector_load %arg17[%get3A_306, %get3A_307] {strides = array<i32>} : memref<208x128xf32, #tpu.memory_space<vmem>>, vector<16xf32>,
              %mul3A_309 = arith.mulf %get3A_308, %gather3A : vector<16xf32>
              %swap3A_310 = arith.index_cast %scan3A_303 : i32 to index
              %swap3A_311 = arith.constant 0 : index
              %swap3A_312 = tpu.vector_load %arg17[%swap3A_310, %swap3A_311] {strides = array<i32>} : memref<208x128xf32, #tpu.memory_space<vmem>>, vector<16xf32>,
              tpu.vector_store %arg17[%swap3A_310, %swap3A_311], %mul3A_309 {strides = array<i32>} : memref<208x128xf32, #tpu.memory_space<vmem>>, vector<16xf32>,
              %get3A_313 = arith.index_cast %scan3A_303 : i32 to index
              %get3A_314 = arith.constant 16 : index
              %get3A_315 = tpu.vector_load %arg17[%get3A_313, %get3A_314] {strides = array<i32>} : memref<208x128xf32, #tpu.memory_space<vmem>>, vector<16xf32>,
              %mul3A_316 = arith.mulf %get3A_315, %gather3A : vector<16xf32>
              %swap3A_317 = arith.index_cast %scan3A_303 : i32 to index
              %swap3A_318 = arith.constant 16 : index
              %swap3A_319 = tpu.vector_load %arg17[%swap3A_317, %swap3A_318] {strides = array<i32>} : memref<208x128xf32, #tpu.memory_space<vmem>>, vector<16xf32>,
              tpu.vector_store %arg17[%swap3A_317, %swap3A_318], %mul3A_316 {strides = array<i32>} : memref<208x128xf32, #tpu.memory_space<vmem>>, vector<16xf32>,
              %get3A_320 = arith.index_cast %scan3A_303 : i32 to index
              %get3A_321 = arith.constant 32 : index
              %get3A_322 = tpu.vector_load %arg17[%get3A_320, %get3A_321] {strides = array<i32>} : memref<208x128xf32, #tpu.memory_space<vmem>>, vector<16xf32>,
              %mul3A_323 = arith.mulf %get3A_322, %gather3A : vector<16xf32>
              %swap3A_324 = arith.index_cast %scan3A_303 : i32 to index
              %swap3A_325 = arith.constant 32 : index
              %swap3A_326 = tpu.vector_load %arg17[%swap3A_324, %swap3A_325] {strides = array<i32>} : memref<208x128xf32, #tpu.memory_space<vmem>>, vector<16xf32>,
              tpu.vector_store %arg17[%swap3A_324, %swap3A_325], %mul3A_323 {strides = array<i32>} : memref<208x128xf32, #tpu.memory_space<vmem>>, vector<16xf32>,
              %get3A_327 = arith.index_cast %scan3A_303 : i32 to index
              %get3A_328 = arith.constant 48 : index
              %get3A_329 = tpu.vector_load %arg17[%get3A_327, %get3A_328] {strides = array<i32>} : memref<208x128xf32, #tpu.memory_space<vmem>>, vector<16xf32>,
              %mul3A_330 = arith.mulf %get3A_329, %gather3A : vector<16xf32>
              %swap3A_331 = arith.index_cast %scan3A_303 : i32 to index
              %swap3A_332 = arith.constant 48 : index
              %swap3A_333 = tpu.vector_load %arg17[%swap3A_331, %swap3A_332] {strides = array<i32>} : memref<208x128xf32, #tpu.memory_space<vmem>>, vector<16xf32>,
              tpu.vector_store %arg17[%swap3A_331, %swap3A_332], %mul3A_330 {strides = array<i32>} : memref<208x128xf32, #tpu.memory_space<vmem>>, vector<16xf32>,
              %get3A_334 = arith.index_cast %scan3A_303 : i32 to index
              %get3A_335 = arith.constant 64 : index
              %get3A_336 = tpu.vector_load %arg17[%get3A_334, %get3A_335] {strides = array<i32>} : memref<208x128xf32, #tpu.memory_space<vmem>>, vector<16xf32>,
              %mul3A_337 = arith.mulf %get3A_336, %gather3A : vector<16xf32>
              %swap3A_338 = arith.index_cast %scan3A_303 : i32 to index
              %swap3A_339 = arith.constant 64 : index
              %swap3A_340 = tpu.vector_load %arg17[%swap3A_338, %swap3A_339] {strides = array<i32>} : memref<208x128xf32, #tpu.memory_space<vmem>>, vector<16xf32>,
              tpu.vector_store %arg17[%swap3A_338, %swap3A_339], %mul3A_337 {strides = array<i32>} : memref<208x128xf32, #tpu.memory_space<vmem>>, vector<16xf32>,
              %get3A_341 = arith.index_cast %scan3A_303 : i32 to index
              %get3A_342 = arith.constant 80 : index
              %get3A_343 = tpu.vector_load %arg17[%get3A_341, %get3A_342] {strides = array<i32>} : memref<208x128xf32, #tpu.memory_space<vmem>>, vector<16xf32>,
              %mul3A_344 = arith.mulf %get3A_343, %gather3A : vector<16xf32>
              %swap3A_345 = arith.index_cast %scan3A_303 : i32 to index
              %swap3A_346 = arith.constant 80 : index
              %swap3A_347 = tpu.vector_load %arg17[%swap3A_345, %swap3A_346] {strides = array<i32>} : memref<208x128xf32, #tpu.memory_space<vmem>>, vector<16xf32>,
              tpu.vector_store %arg17[%swap3A_345, %swap3A_346], %mul3A_344 {strides = array<i32>} : memref<208x128xf32, #tpu.memory_space<vmem>>, vector<16xf32>,
              %get3A_348 = arith.index_cast %scan3A_303 : i32 to index
              %get3A_349 = arith.constant 96 : index
              %get3A_350 = tpu.vector_load %arg17[%get3A_348, %get3A_349] {strides = array<i32>} : memref<208x128xf32, #tpu.memory_space<vmem>>, vector<16xf32>,
              %mul3A_351 = arith.mulf %get3A_350, %gather3A : vector<16xf32>
              %swap3A_352 = arith.index_cast %scan3A_303 : i32 to index
              %swap3A_353 = arith.constant 96 : index
              %swap3A_354 = tpu.vector_load %arg17[%swap3A_352, %swap3A_353] {strides = array<i32>} : memref<208x128xf32, #tpu.memory_space<vmem>>, vector<16xf32>,
              tpu.vector_store %arg17[%swap3A_352, %swap3A_353], %mul3A_351 {strides = array<i32>} : memref<208x128xf32, #tpu.memory_space<vmem>>, vector<16xf32>,
              %get3A_355 = arith.index_cast %scan3A_303 : i32 to index
              %get3A_356 = arith.constant 112 : index
              %get3A_357 = tpu.vector_load %arg17[%get3A_355, %get3A_356] {strides = array<i32>} : memref<208x128xf32, #tpu.memory_space<vmem>>, vector<16xf32>,
              %mul3A_358 = arith.mulf %get3A_357, %gather3A : vector<16xf32>
              %swap3A_359 = arith.index_cast %scan3A_303 : i32 to index
              %swap3A_360 = arith.constant 112 : index
              %swap3A_361 = tpu.vector_load %arg17[%swap3A_359, %swap3A_360] {strides = array<i32>} : memref<208x128xf32, #tpu.memory_space<vmem>>, vector<16xf32>,
              tpu.vector_store %arg17[%swap3A_359, %swap3A_360], %mul3A_358 {strides = array<i32>} : memref<208x128xf32, #tpu.memory_space<vmem>>, vector<16xf32>,
              %scan3A_362 = arith.constant 0 : i32
              scf.yield %scan3A_362 : i32
            }
            %scan3A_291 = arith.constant 208 : i32
            "tpu.region"() ({
              %run_scoped3A = tpu.sem_alloc : memref<!tpu.dma_semaphore, #tpu.memory_space<semaphore_mem>>
              %dma_start3A_303 = arith.constant 0 : i32
              %dma_start3A_304 = arith.constant 0 : i32
              %dma_start3A_305 = tpu.memref_slice %arg7[%dma_start3A_303, %dma_start3A_304] : memref<12544x128xf32, #tpu.memory_space<vmem_shared>> -> memref<12544x128xf32, #tpu.memory_space<vmem_shared>>
              tpu.enqueue_indirect_dma source(%arg17 : memref<208x128xf32, #tpu.memory_space<vmem>>) target(%dma_start3A_305 : memref<12544x128xf32, #tpu.memory_space<vmem_shared>>) offsets(%arg14 : memref<208xi32, #tpu.memory_space<vmem>>) semaphore(%run_scoped3A : memref<!tpu.dma_semaphore, #tpu.memory_space<semaphore_mem>>) {add = true}
              %dma_wait3A_306 = arith.constant 0 : i32
              %dma_wait3A_307 = arith.constant 0 : i32
              %dma_wait3A_308 = tpu.memref_slice %arg7[%dma_wait3A_306, %dma_wait3A_307] : memref<12544x128xf32, #tpu.memory_space<vmem_shared>> -> memref<12544x128xf32, #tpu.memory_space<vmem_shared>>
              tpu.wait_indirect_dma semaphore(%run_scoped3A : memref<!tpu.dma_semaphore, #tpu.memory_space<semaphore_mem>>) src(%arg17 : memref<208x128xf32, #tpu.memory_space<vmem>>) dst(%dma_wait3A_308 : memref<12544x128xf32, #tpu.memory_space<vmem_shared>>)
              tpu.yield
            }) : () -> ()
            %scan3A_292 = arith.constant 0 : i32
            %scan3A_293 = arith.constant 0 : i32
            %scan3A_294 = arith.constant 13 : i32
            %scan3A_295 = arith.addi %scan3A_293, %scan3A_294 : i32
            %scan3A_296 = arith.constant 1 : i32
            %scan3A_297 = scf.for %scan3A_303 = %scan3A_293 to %scan3A_295 step %scan3A_296 iter_args(%scan3A_304 = %scan3A_292) -> (i32)  : i32 {
              %mul3A_305 = arith.constant 16 : i32
              %mul3A_306 = arith.muli %scan3A_303, %mul3A_305 : i32
              %swap3A_307 = arith.index_cast %mul3A_306 : i32 to index
              %swap3A_308 = tpu.vector_load %arg14[%swap3A_307] {strides = array<i32>} : memref<208xi32, #tpu.memory_space<vmem>>, vector<16xi32>,
              tpu.vector_store %arg14[%swap3A_307], %broadcast_in_dim3A_2 {strides = array<i32>} : memref<208xi32, #tpu.memory_space<vmem>>, vector<16xi32>,
              %swap3A_309 = arith.index_cast %mul3A_306 : i32 to index
              %swap3A_310 = tpu.vector_load %arg15[%swap3A_309] {strides = array<i32>} : memref<208xi32, #tpu.memory_space<vmem>>, vector<16xi32>,
              tpu.vector_store %arg15[%swap3A_309], %broadcast_in_dim3A_2 {strides = array<i32>} : memref<208xi32, #tpu.memory_space<vmem>>, vector<16xi32>,
              %swap3A_311 = arith.index_cast %mul3A_306 : i32 to index
              %swap3A_312 = tpu.vector_load %arg16[%swap3A_311] {strides = array<i32>} : memref<208xf32, #tpu.memory_space<vmem>>, vector<16xf32>,
              tpu.vector_store %arg16[%swap3A_311], %broadcast_in_dim3A_0 {strides = array<i32>} : memref<208xf32, #tpu.memory_space<vmem>>, vector<16xf32>,
              %scan3A_313 = arith.constant 0 : i32
              scf.yield %scan3A_313 : i32
            }
            %scan3A_298 = arith.constant 13 : i32
            %swap3A_299 = arith.constant 0 : i32
            %swap3A_300 = arith.constant 0 : i32
            %swap3A_301 = arith.index_cast %swap3A_300 : i32 to index
            %swap3A_302 = memref.load %arg18[%swap3A_301] : memref<8xi32, #tpu.memory_space<smem>>
            memref.store %swap3A_299, %arg18[%swap3A_301] : memref<8xi32, #tpu.memory_space<smem>>
          } else {
          }
          %sub3A_259 = vector.broadcast %add3A : i32 to vector<16xi32>
          %sub3A_260 = arith.subi %get3A_224, %sub3A_259 : vector<16xi32>
          %get3A_261 = arith.constant 0 : i32
          %get3A_262 = arith.index_cast %get3A_261 : i32 to index
          %get3A_263 = memref.load %arg18[%get3A_262] : memref<8xi32, #tpu.memory_space<smem>>
          %swap3A_264 = arith.index_cast %get3A_263 : i32 to index
          %swap3A_265 = tpu.vector_load %arg14[%swap3A_264] masked %and3A_250 {strides = array<i32>} : memref<208xi32, #tpu.memory_space<vmem>>, vector<16xi32>, vector<16xi1>
          tpu.vector_store %arg14[%swap3A_264], %sub3A_260 masked %and3A_250 {strides = array<i32>} : memref<208xi32, #tpu.memory_space<vmem>>, vector<16xi32>, vector<16xi1>
          %swap3A_266 = arith.index_cast %get3A_263 : i32 to index
          %swap3A_267 = tpu.vector_load %arg15[%swap3A_266] masked %and3A_250 {strides = array<i32>} : memref<208xi32, #tpu.memory_space<vmem>>, vector<16xi32>, vector<16xi1>
          tpu.vector_store %arg15[%swap3A_266], %add3A_229 masked %and3A_250 {strides = array<i32>} : memref<208xi32, #tpu.memory_space<vmem>>, vector<16xi32>, vector<16xi1>
          %swap3A_268 = arith.index_cast %get3A_263 : i32 to index
          %swap3A_269 = tpu.vector_load %arg16[%swap3A_268] masked %and3A_250 {strides = array<i32>} : memref<208xf32, #tpu.memory_space<vmem>>, vector<16xf32>, vector<16xi1>
          tpu.vector_store %arg16[%swap3A_268], %get3A_231 masked %and3A_250 {strides = array<i32>} : memref<208xf32, #tpu.memory_space<vmem>>, vector<16xf32>, vector<16xi1>
          %convert_element_type3A_270 = arith.extui %and3A_250 : vector<16xi1> to vector<16xi32>
          %reduce_sum3A = arith.constant true
          %reduce_sum3A_271 = vector.broadcast %reduce_sum3A : i1 to vector<16xi1>
          %reduce_sum3A_272 = tpu.scan <sum>, %convert_element_type3A_270 masked %reduce_sum3A_271 : vector<16xi32>, vector<16xi1> -> vector<16xi32>
          %reduce_sum3A_273 = vector.extract %reduce_sum3A_272[15] : i32 from vector<16xi32>
          %add3A_274 = arith.addi %get3A_263, %reduce_sum3A_273 : i32
          %swap3A_275 = arith.constant 0 : i32
          %swap3A_276 = arith.index_cast %swap3A_275 : i32 to index
          %swap3A_277 = memref.load %arg18[%swap3A_276] : memref<8xi32, #tpu.memory_space<smem>>
          memref.store %add3A_274, %arg18[%swap3A_276] : memref<8xi32, #tpu.memory_space<smem>>
          %scan3A_278 = arith.constant 0 : i32
          scf.yield %scan3A_278 : i32
        }
        %scan3A_217 = arith.constant 16 : i32
        %scan3A_218 = arith.constant 0 : i32
        scf.yield %scan3A_218 : i32
      }
      %scan3A_133 = arith.constant 75 : i32
      %get3A = arith.constant 0 : i32
      %get3A_134 = arith.index_cast %get3A : i32 to index
      %get3A_135 = memref.load %arg18[%get3A_134] : memref<8xi32, #tpu.memory_space<smem>>
      %gt3A = arith.constant 0 : i32
      %gt3A_136 = arith.cmpi sgt, %get3A_135, %gt3A : i32
      %convert_element_type3A = arith.extui %gt3A_136 : i1 to i32
      %cond3A = arith.constant 0 : i32
      %cond3A_137 = arith.cmpi ne, %convert_element_type3A, %cond3A : i32
      scf.if %cond3A_137 {
        %dma_start3A_154 = arith.constant 0 : i32
        %dma_start3A_155 = arith.constant 0 : i32
        %dma_start3A_156 = tpu.memref_slice %arg2[%dma_start3A_154, %dma_start3A_155] : memref<100000x128xf32, #tpu.memory_space<hbm>> -> memref<100000x128xf32, #tpu.memory_space<hbm>>
        tpu.enqueue_indirect_dma source(%dma_start3A_156 : memref<100000x128xf32, #tpu.memory_space<hbm>>) target(%arg17 : memref<208x128xf32, #tpu.memory_space<vmem>>) offsets(%arg15 : memref<208xi32, #tpu.memory_space<vmem>>) semaphore(%arg21 : memref<!tpu.dma_semaphore, #tpu.memory_space<semaphore_mem>>)
        %dma_wait3A_157 = arith.constant 0 : i32
        %dma_wait3A_158 = arith.constant 0 : i32
        %dma_wait3A_159 = tpu.memref_slice %arg2[%dma_wait3A_157, %dma_wait3A_158] : memref<100000x128xf32, #tpu.memory_space<hbm>> -> memref<100000x128xf32, #tpu.memory_space<hbm>>
        tpu.wait_indirect_dma semaphore(%arg21 : memref<!tpu.dma_semaphore, #tpu.memory_space<semaphore_mem>>) src(%dma_wait3A_159 : memref<100000x128xf32, #tpu.memory_space<hbm>>) dst(%arg17 : memref<208x128xf32, #tpu.memory_space<vmem>>)
        %scan3A_160 = arith.constant 0 : i32
        %scan3A_161 = arith.constant 0 : i32
        %scan3A_162 = arith.constant 208 : i32
        %scan3A_163 = arith.addi %scan3A_161, %scan3A_162 : i32
        %scan3A_164 = arith.constant 1 : i32
        %scan3A_165 = scf.for %scan3A_178 = %scan3A_161 to %scan3A_163 step %scan3A_164 iter_args(%scan3A_179 = %scan3A_160) -> (i32)  : i32 {
          %broadcast_in_dim3A_180 = vector.broadcast %scan3A_178 : i32 to vector<16xi32>
          %gather3A = tpu.vector_load_idx %arg16[%broadcast_in_dim3A_180] : memref<208xf32, #tpu.memory_space<vmem>>[vector<16xi32>], vector<16xf32>,
          %get3A_181 = arith.index_cast %scan3A_178 : i32 to index
          %get3A_182 = arith.constant 0 : index
          %get3A_183 = tpu.vector_load %arg17[%get3A_181, %get3A_182] {strides = array<i32>} : memref<208x128xf32, #tpu.memory_space<vmem>>, vector<16xf32>,
          %mul3A_184 = arith.mulf %get3A_183, %gather3A : vector<16xf32>
          %swap3A_185 = arith.index_cast %scan3A_178 : i32 to index
          %swap3A_186 = arith.constant 0 : index
          %swap3A_187 = tpu.vector_load %arg17[%swap3A_185, %swap3A_186] {strides = array<i32>} : memref<208x128xf32, #tpu.memory_space<vmem>>, vector<16xf32>,
          tpu.vector_store %arg17[%swap3A_185, %swap3A_186], %mul3A_184 {strides = array<i32>} : memref<208x128xf32, #tpu.memory_space<vmem>>, vector<16xf32>,
          %get3A_188 = arith.index_cast %scan3A_178 : i32 to index
          %get3A_189 = arith.constant 16 : index
          %get3A_190 = tpu.vector_load %arg17[%get3A_188, %get3A_189] {strides = array<i32>} : memref<208x128xf32, #tpu.memory_space<vmem>>, vector<16xf32>,
          %mul3A_191 = arith.mulf %get3A_190, %gather3A : vector<16xf32>
          %swap3A_192 = arith.index_cast %scan3A_178 : i32 to index
          %swap3A_193 = arith.constant 16 : index
          %swap3A_194 = tpu.vector_load %arg17[%swap3A_192, %swap3A_193] {strides = array<i32>} : memref<208x128xf32, #tpu.memory_space<vmem>>, vector<16xf32>,
          tpu.vector_store %arg17[%swap3A_192, %swap3A_193], %mul3A_191 {strides = array<i32>} : memref<208x128xf32, #tpu.memory_space<vmem>>, vector<16xf32>,
          %get3A_195 = arith.index_cast %scan3A_178 : i32 to index
          %get3A_196 = arith.constant 32 : index
          %get3A_197 = tpu.vector_load %arg17[%get3A_195, %get3A_196] {strides = array<i32>} : memref<208x128xf32, #tpu.memory_space<vmem>>, vector<16xf32>,
          %mul3A_198 = arith.mulf %get3A_197, %gather3A : vector<16xf32>
          %swap3A_199 = arith.index_cast %scan3A_178 : i32 to index
          %swap3A_200 = arith.constant 32 : index
          %swap3A_201 = tpu.vector_load %arg17[%swap3A_199, %swap3A_200] {strides = array<i32>} : memref<208x128xf32, #tpu.memory_space<vmem>>, vector<16xf32>,
          tpu.vector_store %arg17[%swap3A_199, %swap3A_200], %mul3A_198 {strides = array<i32>} : memref<208x128xf32, #tpu.memory_space<vmem>>, vector<16xf32>,
          %get3A_202 = arith.index_cast %scan3A_178 : i32 to index
          %get3A_203 = arith.constant 48 : index
          %get3A_204 = tpu.vector_load %arg17[%get3A_202, %get3A_203] {strides = array<i32>} : memref<208x128xf32, #tpu.memory_space<vmem>>, vector<16xf32>,
          %mul3A_205 = arith.mulf %get3A_204, %gather3A : vector<16xf32>
          %swap3A_206 = arith.index_cast %scan3A_178 : i32 to index
          %swap3A_207 = arith.constant 48 : index
          %swap3A_208 = tpu.vector_load %arg17[%swap3A_206, %swap3A_207] {strides = array<i32>} : memref<208x128xf32, #tpu.memory_space<vmem>>, vector<16xf32>,
          tpu.vector_store %arg17[%swap3A_206, %swap3A_207], %mul3A_205 {strides = array<i32>} : memref<208x128xf32, #tpu.memory_space<vmem>>, vector<16xf32>,
          %get3A_209 = arith.index_cast %scan3A_178 : i32 to index
          %get3A_210 = arith.constant 64 : index
          %get3A_211 = tpu.vector_load %arg17[%get3A_209, %get3A_210] {strides = array<i32>} : memref<208x128xf32, #tpu.memory_space<vmem>>, vector<16xf32>,
          %mul3A_212 = arith.mulf %get3A_211, %gather3A : vector<16xf32>
          %swap3A_213 = arith.index_cast %scan3A_178 : i32 to index
          %swap3A_214 = arith.constant 64 : index
          %swap3A_215 = tpu.vector_load %arg17[%swap3A_213, %swap3A_214] {strides = array<i32>} : memref<208x128xf32, #tpu.memory_space<vmem>>, vector<16xf32>,
          tpu.vector_store %arg17[%swap3A_213, %swap3A_214], %mul3A_212 {strides = array<i32>} : memref<208x128xf32, #tpu.memory_space<vmem>>, vector<16xf32>,
          %get3A_216 = arith.index_cast %scan3A_178 : i32 to index
          %get3A_217 = arith.constant 80 : index
          %get3A_218 = tpu.vector_load %arg17[%get3A_216, %get3A_217] {strides = array<i32>} : memref<208x128xf32, #tpu.memory_space<vmem>>, vector<16xf32>,
          %mul3A_219 = arith.mulf %get3A_218, %gather3A : vector<16xf32>
          %swap3A_220 = arith.index_cast %scan3A_178 : i32 to index
          %swap3A_221 = arith.constant 80 : index
          %swap3A_222 = tpu.vector_load %arg17[%swap3A_220, %swap3A_221] {strides = array<i32>} : memref<208x128xf32, #tpu.memory_space<vmem>>, vector<16xf32>,
          tpu.vector_store %arg17[%swap3A_220, %swap3A_221], %mul3A_219 {strides = array<i32>} : memref<208x128xf32, #tpu.memory_space<vmem>>, vector<16xf32>,
          %get3A_223 = arith.index_cast %scan3A_178 : i32 to index
          %get3A_224 = arith.constant 96 : index
          %get3A_225 = tpu.vector_load %arg17[%get3A_223, %get3A_224] {strides = array<i32>} : memref<208x128xf32, #tpu.memory_space<vmem>>, vector<16xf32>,
          %mul3A_226 = arith.mulf %get3A_225, %gather3A : vector<16xf32>
          %swap3A_227 = arith.index_cast %scan3A_178 : i32 to index
          %swap3A_228 = arith.constant 96 : index
          %swap3A_229 = tpu.vector_load %arg17[%swap3A_227, %swap3A_228] {strides = array<i32>} : memref<208x128xf32, #tpu.memory_space<vmem>>, vector<16xf32>,
          tpu.vector_store %arg17[%swap3A_227, %swap3A_228], %mul3A_226 {strides = array<i32>} : memref<208x128xf32, #tpu.memory_space<vmem>>, vector<16xf32>,
          %get3A_230 = arith.index_cast %scan3A_178 : i32 to index
          %get3A_231 = arith.constant 112 : index
          %get3A_232 = tpu.vector_load %arg17[%get3A_230, %get3A_231] {strides = array<i32>} : memref<208x128xf32, #tpu.memory_space<vmem>>, vector<16xf32>,
          %mul3A_233 = arith.mulf %get3A_232, %gather3A : vector<16xf32>
          %swap3A_234 = arith.index_cast %scan3A_178 : i32 to index
          %swap3A_235 = arith.constant 112 : index
          %swap3A_236 = tpu.vector_load %arg17[%swap3A_234, %swap3A_235] {strides = array<i32>} : memref<208x128xf32, #tpu.memory_space<vmem>>, vector<16xf32>,
          tpu.vector_store %arg17[%swap3A_234, %swap3A_235], %mul3A_233 {strides = array<i32>} : memref<208x128xf32, #tpu.memory_space<vmem>>, vector<16xf32>,
          %scan3A_237 = arith.constant 0 : i32
          scf.yield %scan3A_237 : i32
        }
        %scan3A_166 = arith.constant 208 : i32
        "tpu.region"() ({
          %run_scoped3A = tpu.sem_alloc : memref<!tpu.dma_semaphore, #tpu.memory_space<semaphore_mem>>
          %dma_start3A_178 = arith.constant 0 : i32
          %dma_start3A_179 = arith.constant 0 : i32
          %dma_start3A_180 = tpu.memref_slice %arg7[%dma_start3A_178, %dma_start3A_179] : memref<12544x128xf32, #tpu.memory_space<vmem_shared>> -> memref<12544x128xf32, #tpu.memory_space<vmem_shared>>
          tpu.enqueue_indirect_dma source(%arg17 : memref<208x128xf32, #tpu.memory_space<vmem>>) target(%dma_start3A_180 : memref<12544x128xf32, #tpu.memory_space<vmem_shared>>) offsets(%arg14 : memref<208xi32, #tpu.memory_space<vmem>>) semaphore(%run_scoped3A : memref<!tpu.dma_semaphore, #tpu.memory_space<semaphore_mem>>) {add = true}
          %dma_wait3A_181 = arith.constant 0 : i32
          %dma_wait3A_182 = arith.constant 0 : i32
          %dma_wait3A_183 = tpu.memref_slice %arg7[%dma_wait3A_181, %dma_wait3A_182] : memref<12544x128xf32, #tpu.memory_space<vmem_shared>> -> memref<12544x128xf32, #tpu.memory_space<vmem_shared>>
          tpu.wait_indirect_dma semaphore(%run_scoped3A : memref<!tpu.dma_semaphore, #tpu.memory_space<semaphore_mem>>) src(%arg17 : memref<208x128xf32, #tpu.memory_space<vmem>>) dst(%dma_wait3A_183 : memref<12544x128xf32, #tpu.memory_space<vmem_shared>>)
          tpu.yield
        }) : () -> ()
        %scan3A_167 = arith.constant 0 : i32
        %scan3A_168 = arith.constant 0 : i32
        %scan3A_169 = arith.constant 13 : i32
        %scan3A_170 = arith.addi %scan3A_168, %scan3A_169 : i32
        %scan3A_171 = arith.constant 1 : i32
        %scan3A_172 = scf.for %scan3A_178 = %scan3A_168 to %scan3A_170 step %scan3A_171 iter_args(%scan3A_179 = %scan3A_167) -> (i32)  : i32 {
          %mul3A_180 = arith.constant 16 : i32
          %mul3A_181 = arith.muli %scan3A_178, %mul3A_180 : i32
          %swap3A_182 = arith.index_cast %mul3A_181 : i32 to index
          %swap3A_183 = tpu.vector_load %arg14[%swap3A_182] {strides = array<i32>} : memref<208xi32, #tpu.memory_space<vmem>>, vector<16xi32>,
          tpu.vector_store %arg14[%swap3A_182], %broadcast_in_dim3A_2 {strides = array<i32>} : memref<208xi32, #tpu.memory_space<vmem>>, vector<16xi32>,
          %swap3A_184 = arith.index_cast %mul3A_181 : i32 to index
          %swap3A_185 = tpu.vector_load %arg15[%swap3A_184] {strides = array<i32>} : memref<208xi32, #tpu.memory_space<vmem>>, vector<16xi32>,
          tpu.vector_store %arg15[%swap3A_184], %broadcast_in_dim3A_2 {strides = array<i32>} : memref<208xi32, #tpu.memory_space<vmem>>, vector<16xi32>,
          %swap3A_186 = arith.index_cast %mul3A_181 : i32 to index
          %swap3A_187 = tpu.vector_load %arg16[%swap3A_186] {strides = array<i32>} : memref<208xf32, #tpu.memory_space<vmem>>, vector<16xf32>,
          tpu.vector_store %arg16[%swap3A_186], %broadcast_in_dim3A_0 {strides = array<i32>} : memref<208xf32, #tpu.memory_space<vmem>>, vector<16xf32>,
          %scan3A_188 = arith.constant 0 : i32
          scf.yield %scan3A_188 : i32
        }
        %scan3A_173 = arith.constant 13 : i32
        %swap3A_174 = arith.constant 0 : i32
        %swap3A_175 = arith.constant 0 : i32
        %swap3A_176 = arith.index_cast %swap3A_175 : i32 to index
        %swap3A_177 = memref.load %arg18[%swap3A_176] : memref<8xi32, #tpu.memory_space<smem>>
        memref.store %swap3A_174, %arg18[%swap3A_176] : memref<8xi32, #tpu.memory_space<smem>>
      } else {
      }
      %barrier3A_138 = arith.constant 0 : index
      tpu.barrier barrier_id(%barrier3A_138)
      %mul3A_139 = arith.constant 784 : i32
      %mul3A_140 = arith.muli %arg1, %mul3A_139 : i32
      %add3A_141 = arith.addi %add3A, %mul3A_140 : i32
      %sub3A_142 = arith.constant 50000 : i32
      %sub3A_143 = arith.subi %sub3A_142, %add3A_141 : i32
      %jit3A = arith.constant 0 : i32
      %jit3A_144 = arith.constant 784 : i32
      %max3A = arith.maxsi %jit3A, %sub3A_143 : i32
      %min3A = arith.minsi %jit3A_144, %max3A : i32
      %eq3A = arith.constant 784 : i32
      %eq3A_145 = arith.cmpi eq, %min3A, %eq3A : i32
      %convert_element_type3A_146 = arith.extui %eq3A_145 : i1 to i32
      %cond3A_147 = arith.constant 0 : i32
      %cond3A_148 = arith.cmpi ne, %convert_element_type3A_146, %cond3A_147 : i32
      scf.if %cond3A_148 {
        %mul3A_154 = arith.constant 784 : i32
        %mul3A_155 = arith.muli %arg1, %mul3A_154 : i32
        %add3A_156 = arith.constant 0 : i32
        %add3A_157 = arith.addi %add3A_156, %add3A_141 : i32
        "tpu.region"() ({
          %run_scoped3A = tpu.sem_alloc : memref<!tpu.dma_semaphore, #tpu.memory_space<semaphore_mem>>
          %dma_start3A_158 = arith.constant 0 : i32
          %dma_start3A_159 = tpu.memref_slice %arg6[%add3A_157, %dma_start3A_158] : memref<100000x128xf32, #tpu.memory_space<hbm>> -> memref<784x128xf32, #tpu.memory_space<hbm>>
          %dma_start3A_160 = arith.constant 0 : i32
          %dma_start3A_161 = tpu.memref_slice %arg7[%mul3A_155, %dma_start3A_160] : memref<12544x128xf32, #tpu.memory_space<vmem_shared>> -> memref<784x128xf32, #tpu.memory_space<vmem_shared>>
          tpu.enqueue_dma source(%dma_start3A_161 : memref<784x128xf32, #tpu.memory_space<vmem_shared>>) target(%dma_start3A_159 : memref<784x128xf32, #tpu.memory_space<hbm>>) target_semaphore(%run_scoped3A : memref<!tpu.dma_semaphore, #tpu.memory_space<semaphore_mem>>)
          %dma_wait3A_162 = arith.constant 0 : i32
          %dma_wait3A_163 = tpu.memref_slice %arg6[%add3A_157, %dma_wait3A_162] : memref<100000x128xf32, #tpu.memory_space<hbm>> -> memref<784x128xf32, #tpu.memory_space<hbm>>
          %dma_wait3A_164 = arith.constant 0 : i32
          %dma_wait3A_165 = tpu.memref_slice %arg7[%mul3A_155, %dma_wait3A_164] : memref<12544x128xf32, #tpu.memory_space<vmem_shared>> -> memref<784x128xf32, #tpu.memory_space<vmem_shared>>
          tpu.wait_dma2 semaphore(%run_scoped3A : memref<!tpu.dma_semaphore, #tpu.memory_space<semaphore_mem>>) src(%dma_wait3A_165 : memref<784x128xf32, #tpu.memory_space<vmem_shared>>) dst(%dma_wait3A_163 : memref<784x128xf32, #tpu.memory_space<hbm>>)
          tpu.yield
        }) : () -> ()
      } else {
      }
      %lt3A = arith.constant 784 : i32
      %lt3A_149 = arith.cmpi slt, %min3A, %lt3A : i32
      %convert_element_type3A_150 = arith.extui %lt3A_149 : i1 to i32
      %cond3A_151 = arith.constant 0 : i32
      %cond3A_152 = arith.cmpi ne, %convert_element_type3A_150, %cond3A_151 : i32
      scf.if %cond3A_152 {
        %scan3A_154 = arith.constant 0 : i32
        %scan3A_155 = arith.constant 0 : i32
        %scan3A_156 = arith.constant 49 : i32
        %scan3A_157 = arith.addi %scan3A_155, %scan3A_156 : i32
        %scan3A_158 = arith.constant 1 : i32
        %scan3A_159 = scf.for %scan3A_161 = %scan3A_155 to %scan3A_157 step %scan3A_158 iter_args(%scan3A_162 = %scan3A_154) -> (i32)  : i32 {
          %mul3A_163 = arith.constant 16 : i32
          %mul3A_164 = arith.muli %scan3A_161, %mul3A_163 : i32
          %lt3A_165 = arith.cmpi slt, %mul3A_164, %min3A : i32
          %convert_element_type3A_166 = arith.extui %lt3A_165 : i1 to i32
          %cond3A_167 = arith.constant 0 : i32
          %cond3A_168 = arith.cmpi ne, %convert_element_type3A_166, %cond3A_167 : i32
          scf.if %cond3A_168 {
            %mul3A_170 = arith.constant 784 : i32
            %mul3A_171 = arith.muli %arg1, %mul3A_170 : i32
            %mul3A_172 = arith.constant 16 : i32
            %mul3A_173 = arith.muli %scan3A_161, %mul3A_172 : i32
            %add3A_174 = arith.addi %mul3A_171, %mul3A_173 : i32
            %add3A_175 = arith.constant 0 : i32
            %add3A_176 = arith.addi %add3A_175, %add3A_141 : i32
            %mul3A_177 = arith.constant 16 : i32
            %mul3A_178 = arith.muli %scan3A_161, %mul3A_177 : i32
            %add3A_179 = arith.addi %add3A_176, %mul3A_178 : i32
            "tpu.region"() ({
              %run_scoped3A = tpu.sem_alloc : memref<!tpu.dma_semaphore, #tpu.memory_space<semaphore_mem>>
              %dma_start3A_180 = arith.constant 0 : i32
              %dma_start3A_181 = tpu.memref_slice %arg6[%add3A_179, %dma_start3A_180] : memref<100000x128xf32, #tpu.memory_space<hbm>> -> memref<16x128xf32, #tpu.memory_space<hbm>>
              %dma_start3A_182 = arith.constant 0 : i32
              %dma_start3A_183 = tpu.memref_slice %arg7[%add3A_174, %dma_start3A_182] : memref<12544x128xf32, #tpu.memory_space<vmem_shared>> -> memref<16x128xf32, #tpu.memory_space<vmem_shared>>
              tpu.enqueue_dma source(%dma_start3A_183 : memref<16x128xf32, #tpu.memory_space<vmem_shared>>) target(%dma_start3A_181 : memref<16x128xf32, #tpu.memory_space<hbm>>) target_semaphore(%run_scoped3A : memref<!tpu.dma_semaphore, #tpu.memory_space<semaphore_mem>>)
              %dma_wait3A_184 = arith.constant 0 : i32
              %dma_wait3A_185 = tpu.memref_slice %arg6[%add3A_179, %dma_wait3A_184] : memref<100000x128xf32, #tpu.memory_space<hbm>> -> memref<16x128xf32, #tpu.memory_space<hbm>>
              %dma_wait3A_186 = arith.constant 0 : i32
              %dma_wait3A_187 = tpu.memref_slice %arg7[%add3A_174, %dma_wait3A_186] : memref<12544x128xf32, #tpu.memory_space<vmem_shared>> -> memref<16x128xf32, #tpu.memory_space<vmem_shared>>
              tpu.wait_dma2 semaphore(%run_scoped3A : memref<!tpu.dma_semaphore, #tpu.memory_space<semaphore_mem>>) src(%dma_wait3A_187 : memref<16x128xf32, #tpu.memory_space<vmem_shared>>) dst(%dma_wait3A_185 : memref<16x128xf32, #tpu.memory_space<hbm>>)
              tpu.yield
            }) : () -> ()
          } else {
          }
          %scan3A_169 = arith.constant 0 : i32
          scf.yield %scan3A_169 : i32
        }
        %scan3A_160 = arith.constant 49 : i32
      } else {
      }
      %scan3A_153 = arith.constant 0 : i32
      scf.yield %scan3A_153 : i32
    }
    %scan3A_8 = arith.constant 2 : i32
    %scan3A_9 = arith.constant 0 : i32
    %scan3A_10 = arith.constant 0 : i32
    %scan3A_11 = arith.constant 2 : i32
    %scan3A_12 = arith.addi %scan3A_10, %scan3A_11 : i32
    %scan3A_13 = arith.constant 1 : i32
    %scan3A_14 = scf.for %scan3A_16 = %scan3A_10 to %scan3A_12 step %scan3A_13 iter_args(%scan3A_17 = %scan3A_9) -> (i32)  : i32 {
      %mul3A = arith.constant 25088 : i32
      %mul3A_18 = arith.muli %arg0, %mul3A : i32
      %mul3A_19 = arith.constant 12544 : i32
      %mul3A_20 = arith.muli %scan3A_16, %mul3A_19 : i32
      %add3A = arith.addi %mul3A_18, %mul3A_20 : i32
      %scan3A_21 = arith.constant 0 : i32
      %scan3A_22 = arith.constant 0 : i32
      %scan3A_23 = arith.constant 208 : i32
      %scan3A_24 = arith.addi %scan3A_22, %scan3A_23 : i32
      %scan3A_25 = arith.constant 1 : i32
      %scan3A_26 = scf.for %scan3A_154 = %scan3A_22 to %scan3A_24 step %scan3A_25 iter_args(%scan3A_155 = %scan3A_21) -> (i32)  : i32 {
        %swap3A_156 = arith.index_cast %scan3A_154 : i32 to index
        %swap3A_157 = arith.constant 0 : index
        %swap3A_158 = tpu.vector_load %arg17[%swap3A_156, %swap3A_157] {strides = array<i32>} : memref<208x128xf32, #tpu.memory_space<vmem>>, vector<16xf32>,
        tpu.vector_store %arg17[%swap3A_156, %swap3A_157], %broadcast_in_dim3A_0 {strides = array<i32>} : memref<208x128xf32, #tpu.memory_space<vmem>>, vector<16xf32>,
        %swap3A_159 = arith.index_cast %scan3A_154 : i32 to index
        %swap3A_160 = arith.constant 16 : index
        %swap3A_161 = tpu.vector_load %arg17[%swap3A_159, %swap3A_160] {strides = array<i32>} : memref<208x128xf32, #tpu.memory_space<vmem>>, vector<16xf32>,
        tpu.vector_store %arg17[%swap3A_159, %swap3A_160], %broadcast_in_dim3A_0 {strides = array<i32>} : memref<208x128xf32, #tpu.memory_space<vmem>>, vector<16xf32>,
        %swap3A_162 = arith.index_cast %scan3A_154 : i32 to index
        %swap3A_163 = arith.constant 32 : index
        %swap3A_164 = tpu.vector_load %arg17[%swap3A_162, %swap3A_163] {strides = array<i32>} : memref<208x128xf32, #tpu.memory_space<vmem>>, vector<16xf32>,
        tpu.vector_store %arg17[%swap3A_162, %swap3A_163], %broadcast_in_dim3A_0 {strides = array<i32>} : memref<208x128xf32, #tpu.memory_space<vmem>>, vector<16xf32>,
        %swap3A_165 = arith.index_cast %scan3A_154 : i32 to index
        %swap3A_166 = arith.constant 48 : index
        %swap3A_167 = tpu.vector_load %arg17[%swap3A_165, %swap3A_166] {strides = array<i32>} : memref<208x128xf32, #tpu.memory_space<vmem>>, vector<16xf32>,
        tpu.vector_store %arg17[%swap3A_165, %swap3A_166], %broadcast_in_dim3A_0 {strides = array<i32>} : memref<208x128xf32, #tpu.memory_space<vmem>>, vector<16xf32>,
        %swap3A_168 = arith.index_cast %scan3A_154 : i32 to index
        %swap3A_169 = arith.constant 64 : index
        %swap3A_170 = tpu.vector_load %arg17[%swap3A_168, %swap3A_169] {strides = array<i32>} : memref<208x128xf32, #tpu.memory_space<vmem>>, vector<16xf32>,
        tpu.vector_store %arg17[%swap3A_168, %swap3A_169], %broadcast_in_dim3A_0 {strides = array<i32>} : memref<208x128xf32, #tpu.memory_space<vmem>>, vector<16xf32>,
        %swap3A_171 = arith.index_cast %scan3A_154 : i32 to index
        %swap3A_172 = arith.constant 80 : index
        %swap3A_173 = tpu.vector_load %arg17[%swap3A_171, %swap3A_172] {strides = array<i32>} : memref<208x128xf32, #tpu.memory_space<vmem>>, vector<16xf32>,
        tpu.vector_store %arg17[%swap3A_171, %swap3A_172], %broadcast_in_dim3A_0 {strides = array<i32>} : memref<208x128xf32, #tpu.memory_space<vmem>>, vector<16xf32>,
        %swap3A_174 = arith.index_cast %scan3A_154 : i32 to index
        %swap3A_175 = arith.constant 96 : index
        %swap3A_176 = tpu.vector_load %arg17[%swap3A_174, %swap3A_175] {strides = array<i32>} : memref<208x128xf32, #tpu.memory_space<vmem>>, vector<16xf32>,
        tpu.vector_store %arg17[%swap3A_174, %swap3A_175], %broadcast_in_dim3A_0 {strides = array<i32>} : memref<208x128xf32, #tpu.memory_space<vmem>>, vector<16xf32>,
        %swap3A_177 = arith.index_cast %scan3A_154 : i32 to index
        %swap3A_178 = arith.constant 112 : index
        %swap3A_179 = tpu.vector_load %arg17[%swap3A_177, %swap3A_178] {strides = array<i32>} : memref<208x128xf32, #tpu.memory_space<vmem>>, vector<16xf32>,
        tpu.vector_store %arg17[%swap3A_177, %swap3A_178], %broadcast_in_dim3A_0 {strides = array<i32>} : memref<208x128xf32, #tpu.memory_space<vmem>>, vector<16xf32>,
        %scan3A_180 = arith.constant 0 : i32
        scf.yield %scan3A_180 : i32
      }
      %scan3A_27 = arith.constant 208 : i32
      %mul3A_28 = arith.constant 784 : i32
      %mul3A_29 = arith.muli %arg1, %mul3A_28 : i32
      %add3A_30 = arith.constant 0 : i32
      %add3A_31 = arith.addi %mul3A_29, %add3A_30 : i32
      %dma_start3A = arith.constant 0 : i32
      %dma_start3A_32 = tpu.memref_slice %arg7[%add3A_31, %dma_start3A] : memref<12544x128xf32, #tpu.memory_space<vmem_shared>> -> memref<208x128xf32, #tpu.memory_space<vmem_shared>>
      %dma_start3A_33 = arith.constant 0 : i32
      %dma_start3A_34 = tpu.memref_slice %arg7[%add3A_31, %dma_start3A_33] : memref<12544x128xf32, #tpu.memory_space<vmem_shared>> -> memref<208x128xf32, #tpu.memory_space<vmem_shared>>
      tpu.enqueue_dma source(%arg17 : memref<208x128xf32, #tpu.memory_space<vmem>>) target(%dma_start3A_34 : memref<208x128xf32, #tpu.memory_space<vmem_shared>>) target_semaphore(%arg22 : memref<!tpu.dma_semaphore, #tpu.memory_space<semaphore_mem>>)
      %mul3A_35 = arith.constant 784 : i32
      %mul3A_36 = arith.muli %arg1, %mul3A_35 : i32
      %add3A_37 = arith.constant 208 : i32
      %add3A_38 = arith.addi %mul3A_36, %add3A_37 : i32
      %dma_start3A_39 = arith.constant 0 : i32
      %dma_start3A_40 = tpu.memref_slice %arg7[%add3A_38, %dma_start3A_39] : memref<12544x128xf32, #tpu.memory_space<vmem_shared>> -> memref<208x128xf32, #tpu.memory_space<vmem_shared>>
      %dma_start3A_41 = arith.constant 0 : i32
      %dma_start3A_42 = tpu.memref_slice %arg7[%add3A_38, %dma_start3A_41] : memref<12544x128xf32, #tpu.memory_space<vmem_shared>> -> memref<208x128xf32, #tpu.memory_space<vmem_shared>>
      tpu.enqueue_dma source(%arg17 : memref<208x128xf32, #tpu.memory_space<vmem>>) target(%dma_start3A_42 : memref<208x128xf32, #tpu.memory_space<vmem_shared>>) target_semaphore(%arg22 : memref<!tpu.dma_semaphore, #tpu.memory_space<semaphore_mem>>)
      %mul3A_43 = arith.constant 784 : i32
      %mul3A_44 = arith.muli %arg1, %mul3A_43 : i32
      %add3A_45 = arith.constant 416 : i32
      %add3A_46 = arith.addi %mul3A_44, %add3A_45 : i32
      %dma_start3A_47 = arith.constant 0 : i32
      %dma_start3A_48 = tpu.memref_slice %arg7[%add3A_46, %dma_start3A_47] : memref<12544x128xf32, #tpu.memory_space<vmem_shared>> -> memref<208x128xf32, #tpu.memory_space<vmem_shared>>
      %dma_start3A_49 = arith.constant 0 : i32
      %dma_start3A_50 = tpu.memref_slice %arg7[%add3A_46, %dma_start3A_49] : memref<12544x128xf32, #tpu.memory_space<vmem_shared>> -> memref<208x128xf32, #tpu.memory_space<vmem_shared>>
      tpu.enqueue_dma source(%arg17 : memref<208x128xf32, #tpu.memory_space<vmem>>) target(%dma_start3A_50 : memref<208x128xf32, #tpu.memory_space<vmem_shared>>) target_semaphore(%arg22 : memref<!tpu.dma_semaphore, #tpu.memory_space<semaphore_mem>>)
      %mul3A_51 = arith.constant 784 : i32
      %mul3A_52 = arith.muli %arg1, %mul3A_51 : i32
      %add3A_53 = arith.constant 784 : i32
      %add3A_54 = arith.addi %mul3A_52, %add3A_53 : i32
      %sub3A = arith.constant 160 : i32
      %sub3A_55 = arith.subi %add3A_54, %sub3A : i32
      %dma_start3A_56 = arith.constant 0 : i32
      %dma_start3A_57 = arith.constant 0 : i32
      %dma_start3A_58 = tpu.memref_slice %arg17[%dma_start3A_56, %dma_start3A_57] : memref<208x128xf32, #tpu.memory_space<vmem>> -> memref<160x128xf32, #tpu.memory_space<vmem>>
      %dma_start3A_59 = arith.constant 0 : i32
      %dma_start3A_60 = tpu.memref_slice %arg7[%sub3A_55, %dma_start3A_59] : memref<12544x128xf32, #tpu.memory_space<vmem_shared>> -> memref<160x128xf32, #tpu.memory_space<vmem_shared>>
      %dma_start3A_61 = arith.constant 0 : i32
      %dma_start3A_62 = tpu.memref_slice %arg7[%sub3A_55, %dma_start3A_61] : memref<12544x128xf32, #tpu.memory_space<vmem_shared>> -> memref<160x128xf32, #tpu.memory_space<vmem_shared>>
      %dma_start3A_63 = arith.constant 0 : i32
      %dma_start3A_64 = arith.constant 0 : i32
      %dma_start3A_65 = tpu.memref_slice %arg17[%dma_start3A_63, %dma_start3A_64] : memref<208x128xf32, #tpu.memory_space<vmem>> -> memref<160x128xf32, #tpu.memory_space<vmem>>
      tpu.enqueue_dma source(%dma_start3A_65 : memref<160x128xf32, #tpu.memory_space<vmem>>) target(%dma_start3A_62 : memref<160x128xf32, #tpu.memory_space<vmem_shared>>) target_semaphore(%arg22 : memref<!tpu.dma_semaphore, #tpu.memory_space<semaphore_mem>>)
      %dma_wait3A = arith.constant 0 : i32
      %dma_wait3A_66 = tpu.memref_slice %arg7[%add3A_31, %dma_wait3A] : memref<12544x128xf32, #tpu.memory_space<vmem_shared>> -> memref<208x128xf32, #tpu.memory_space<vmem_shared>>
      %dma_wait3A_67 = arith.constant 0 : i32
      %dma_wait3A_68 = tpu.memref_slice %arg7[%add3A_31, %dma_wait3A_67] : memref<12544x128xf32, #tpu.memory_space<vmem_shared>> -> memref<208x128xf32, #tpu.memory_space<vmem_shared>>
      tpu.wait_dma2 semaphore(%arg22 : memref<!tpu.dma_semaphore, #tpu.memory_space<semaphore_mem>>) src(%arg17 : memref<208x128xf32, #tpu.memory_space<vmem>>) dst(%dma_wait3A_68 : memref<208x128xf32, #tpu.memory_space<vmem_shared>>)
      %dma_wait3A_69 = arith.constant 0 : i32
      %dma_wait3A_70 = tpu.memref_slice %arg7[%add3A_38, %dma_wait3A_69] : memref<12544x128xf32, #tpu.memory_space<vmem_shared>> -> memref<208x128xf32, #tpu.memory_space<vmem_shared>>
      %dma_wait3A_71 = arith.constant 0 : i32
      %dma_wait3A_72 = tpu.memref_slice %arg7[%add3A_38, %dma_wait3A_71] : memref<12544x128xf32, #tpu.memory_space<vmem_shared>> -> memref<208x128xf32, #tpu.memory_space<vmem_shared>>
      tpu.wait_dma2 semaphore(%arg22 : memref<!tpu.dma_semaphore, #tpu.memory_space<semaphore_mem>>) src(%arg17 : memref<208x128xf32, #tpu.memory_space<vmem>>) dst(%dma_wait3A_72 : memref<208x128xf32, #tpu.memory_space<vmem_shared>>)
      %dma_wait3A_73 = arith.constant 0 : i32
      %dma_wait3A_74 = tpu.memref_slice %arg7[%add3A_46, %dma_wait3A_73] : memref<12544x128xf32, #tpu.memory_space<vmem_shared>> -> memref<208x128xf32, #tpu.memory_space<vmem_shared>>
      %dma_wait3A_75 = arith.constant 0 : i32
      %dma_wait3A_76 = tpu.memref_slice %arg7[%add3A_46, %dma_wait3A_75] : memref<12544x128xf32, #tpu.memory_space<vmem_shared>> -> memref<208x128xf32, #tpu.memory_space<vmem_shared>>
      tpu.wait_dma2 semaphore(%arg22 : memref<!tpu.dma_semaphore, #tpu.memory_space<semaphore_mem>>) src(%arg17 : memref<208x128xf32, #tpu.memory_space<vmem>>) dst(%dma_wait3A_76 : memref<208x128xf32, #tpu.memory_space<vmem_shared>>)
      %dma_wait3A_77 = arith.constant 0 : i32
      %dma_wait3A_78 = arith.constant 0 : i32
      %dma_wait3A_79 = tpu.memref_slice %arg17[%dma_wait3A_77, %dma_wait3A_78] : memref<208x128xf32, #tpu.memory_space<vmem>> -> memref<160x128xf32, #tpu.memory_space<vmem>>
      %dma_wait3A_80 = arith.constant 0 : i32
      %dma_wait3A_81 = tpu.memref_slice %arg7[%sub3A_55, %dma_wait3A_80] : memref<12544x128xf32, #tpu.memory_space<vmem_shared>> -> memref<160x128xf32, #tpu.memory_space<vmem_shared>>
      %dma_wait3A_82 = arith.constant 0 : i32
      %dma_wait3A_83 = tpu.memref_slice %arg7[%sub3A_55, %dma_wait3A_82] : memref<12544x128xf32, #tpu.memory_space<vmem_shared>> -> memref<160x128xf32, #tpu.memory_space<vmem_shared>>
      %dma_wait3A_84 = arith.constant 0 : i32
      %dma_wait3A_85 = arith.constant 0 : i32
      %dma_wait3A_86 = tpu.memref_slice %arg17[%dma_wait3A_84, %dma_wait3A_85] : memref<208x128xf32, #tpu.memory_space<vmem>> -> memref<160x128xf32, #tpu.memory_space<vmem>>
      tpu.wait_dma2 semaphore(%arg22 : memref<!tpu.dma_semaphore, #tpu.memory_space<semaphore_mem>>) src(%dma_wait3A_86 : memref<160x128xf32, #tpu.memory_space<vmem>>) dst(%dma_wait3A_83 : memref<160x128xf32, #tpu.memory_space<vmem_shared>>)
      %barrier3A = arith.constant 0 : index
      tpu.barrier barrier_id(%barrier3A)
      %swap3A = arith.constant 0 : i32
      %swap3A_87 = arith.constant 0 : i32
      %swap3A_88 = arith.index_cast %swap3A_87 : i32 to index
      %swap3A_89 = memref.load %arg18[%swap3A_88] : memref<8xi32, #tpu.memory_space<smem>>
      memref.store %swap3A, %arg18[%swap3A_88] : memref<8xi32, #tpu.memory_space<smem>>
      %swap3A_90 = arith.constant 0 : i32
      %swap3A_91 = arith.constant 1 : i32
      %swap3A_92 = arith.index_cast %swap3A_91 : i32 to index
      %swap3A_93 = memref.load %arg18[%swap3A_92] : memref<8xi32, #tpu.memory_space<smem>>
      memref.store %swap3A_90, %arg18[%swap3A_92] : memref<8xi32, #tpu.memory_space<smem>>
      %swap3A_94 = arith.constant 0 : i32
      %swap3A_95 = arith.constant 2 : i32
      %swap3A_96 = arith.index_cast %swap3A_95 : i32 to index
      %swap3A_97 = memref.load %arg18[%swap3A_96] : memref<8xi32, #tpu.memory_space<smem>>
      memref.store %swap3A_94, %arg18[%swap3A_96] : memref<8xi32, #tpu.memory_space<smem>>
      %swap3A_98 = arith.constant 0 : i32
      %swap3A_99 = arith.constant 3 : i32
      %swap3A_100 = arith.index_cast %swap3A_99 : i32 to index
      %swap3A_101 = memref.load %arg18[%swap3A_100] : memref<8xi32, #tpu.memory_space<smem>>
      memref.store %swap3A_98, %arg18[%swap3A_100] : memref<8xi32, #tpu.memory_space<smem>>
      %swap3A_102 = arith.constant 0 : i32
      %swap3A_103 = arith.constant 4 : i32
      %swap3A_104 = arith.index_cast %swap3A_103 : i32 to index
      %swap3A_105 = memref.load %arg18[%swap3A_104] : memref<8xi32, #tpu.memory_space<smem>>
      memref.store %swap3A_102, %arg18[%swap3A_104] : memref<8xi32, #tpu.memory_space<smem>>
      %swap3A_106 = arith.constant 0 : i32
      %swap3A_107 = arith.constant 5 : i32
      %swap3A_108 = arith.index_cast %swap3A_107 : i32 to index
      %swap3A_109 = memref.load %arg18[%swap3A_108] : memref<8xi32, #tpu.memory_space<smem>>
      memref.store %swap3A_106, %arg18[%swap3A_108] : memref<8xi32, #tpu.memory_space<smem>>
      %scan3A_110 = arith.constant 0 : i32
      %scan3A_111 = arith.constant 0 : i32
      %scan3A_112 = arith.constant 13 : i32
      %scan3A_113 = arith.addi %scan3A_111, %scan3A_112 : i32
      %scan3A_114 = arith.constant 1 : i32
      %scan3A_115 = scf.for %scan3A_154 = %scan3A_111 to %scan3A_113 step %scan3A_114 iter_args(%scan3A_155 = %scan3A_110) -> (i32)  : i32 {
        %mul3A_156 = arith.constant 16 : i32
        %mul3A_157 = arith.muli %scan3A_154, %mul3A_156 : i32
        %swap3A_158 = arith.index_cast %mul3A_157 : i32 to index
        %swap3A_159 = tpu.vector_load %arg14[%swap3A_158] {strides = array<i32>} : memref<208xi32, #tpu.memory_space<vmem>>, vector<16xi32>,
        tpu.vector_store %arg14[%swap3A_158], %broadcast_in_dim3A_2 {strides = array<i32>} : memref<208xi32, #tpu.memory_space<vmem>>, vector<16xi32>,
        %swap3A_160 = arith.index_cast %mul3A_157 : i32 to index
        %swap3A_161 = tpu.vector_load %arg15[%swap3A_160] {strides = array<i32>} : memref<208xi32, #tpu.memory_space<vmem>>, vector<16xi32>,
        tpu.vector_store %arg15[%swap3A_160], %broadcast_in_dim3A_2 {strides = array<i32>} : memref<208xi32, #tpu.memory_space<vmem>>, vector<16xi32>,
        %swap3A_162 = arith.index_cast %mul3A_157 : i32 to index
        %swap3A_163 = tpu.vector_load %arg16[%swap3A_162] {strides = array<i32>} : memref<208xf32, #tpu.memory_space<vmem>>, vector<16xf32>,
        tpu.vector_store %arg16[%swap3A_162], %broadcast_in_dim3A_0 {strides = array<i32>} : memref<208xf32, #tpu.memory_space<vmem>>, vector<16xf32>,
        %scan3A_164 = arith.constant 0 : i32
        scf.yield %scan3A_164 : i32
      }
      %scan3A_116 = arith.constant 13 : i32
      %mul3A_117 = arith.constant 38400 : i32
      %mul3A_118 = arith.muli %arg1, %mul3A_117 : i32
      %add3A_119 = arith.constant 0 : i32
      %add3A_120 = arith.addi %mul3A_118, %add3A_119 : i32
      %dma_start3A_121 = tpu.memref_slice %arg4[%add3A_120] : memref<614400xi32, #tpu.memory_space<hbm>> -> memref<256xi32, #tpu.memory_space<hbm>>
      %dma_start3A_122 = tpu.memref_slice %arg4[%add3A_120] : memref<614400xi32, #tpu.memory_space<hbm>> -> memref<256xi32, #tpu.memory_space<hbm>>
      tpu.enqueue_dma source(%dma_start3A_122 : memref<256xi32, #tpu.memory_space<hbm>>) target(%arg8 : memref<256xi32, #tpu.memory_space<vmem>>) target_semaphore(%arg19 : memref<!tpu.dma_semaphore, #tpu.memory_space<semaphore_mem>>)
      %dma_start3A_123 = tpu.memref_slice %arg3[%add3A_120] : memref<614400xi32, #tpu.memory_space<hbm>> -> memref<256xi32, #tpu.memory_space<hbm>>
      %dma_start3A_124 = tpu.memref_slice %arg3[%add3A_120] : memref<614400xi32, #tpu.memory_space<hbm>> -> memref<256xi32, #tpu.memory_space<hbm>>
      tpu.enqueue_dma source(%dma_start3A_124 : memref<256xi32, #tpu.memory_space<hbm>>) target(%arg9 : memref<256xi32, #tpu.memory_space<vmem>>) target_semaphore(%arg19 : memref<!tpu.dma_semaphore, #tpu.memory_space<semaphore_mem>>)
      %dma_start3A_125 = tpu.memref_slice %arg5[%add3A_120] : memref<614400xf32, #tpu.memory_space<hbm>> -> memref<256xf32, #tpu.memory_space<hbm>>
      %dma_start3A_126 = tpu.memref_slice %arg5[%add3A_120] : memref<614400xf32, #tpu.memory_space<hbm>> -> memref<256xf32, #tpu.memory_space<hbm>>
      tpu.enqueue_dma source(%dma_start3A_126 : memref<256xf32, #tpu.memory_space<hbm>>) target(%arg10 : memref<256xf32, #tpu.memory_space<vmem>>) target_semaphore(%arg19 : memref<!tpu.dma_semaphore, #tpu.memory_space<semaphore_mem>>)
      %scan3A_127 = arith.constant 0 : i32
      %scan3A_128 = arith.constant 0 : i32
      %scan3A_129 = arith.constant 75 : i32
      %scan3A_130 = arith.addi %scan3A_128, %scan3A_129 : i32
      %scan3A_131 = arith.constant 1 : i32
      %scan3A_132 = scf.for %scan3A_154 = %scan3A_128 to %scan3A_130 step %scan3A_131 iter_args(%scan3A_155 = %scan3A_127) -> (i32)  : i32 {
        %mul3A_156 = arith.constant 2 : i32
        %mul3A_157 = arith.muli %scan3A_154, %mul3A_156 : i32
        %dma_wait3A_158 = arith.constant 0 : i32
        %dma_wait3A_159 = tpu.memref_slice %arg4[%dma_wait3A_158] : memref<614400xi32, #tpu.memory_space<hbm>> -> memref<256xi32, #tpu.memory_space<hbm>>
        %dma_wait3A_160 = arith.constant 0 : i32
        %dma_wait3A_161 = tpu.memref_slice %arg4[%dma_wait3A_160] : memref<614400xi32, #tpu.memory_space<hbm>> -> memref<256xi32, #tpu.memory_space<hbm>>
        tpu.wait_dma2 semaphore(%arg19 : memref<!tpu.dma_semaphore, #tpu.memory_space<semaphore_mem>>) src(%dma_wait3A_161 : memref<256xi32, #tpu.memory_space<hbm>>) dst(%arg8 : memref<256xi32, #tpu.memory_space<vmem>>)
        %dma_wait3A_162 = arith.constant 0 : i32
        %dma_wait3A_163 = tpu.memref_slice %arg3[%dma_wait3A_162] : memref<614400xi32, #tpu.memory_space<hbm>> -> memref<256xi32, #tpu.memory_space<hbm>>
        %dma_wait3A_164 = arith.constant 0 : i32
        %dma_wait3A_165 = tpu.memref_slice %arg3[%dma_wait3A_164] : memref<614400xi32, #tpu.memory_space<hbm>> -> memref<256xi32, #tpu.memory_space<hbm>>
        tpu.wait_dma2 semaphore(%arg19 : memref<!tpu.dma_semaphore, #tpu.memory_space<semaphore_mem>>) src(%dma_wait3A_165 : memref<256xi32, #tpu.memory_space<hbm>>) dst(%arg9 : memref<256xi32, #tpu.memory_space<vmem>>)
        %dma_wait3A_166 = arith.constant 0 : i32
        %dma_wait3A_167 = tpu.memref_slice %arg5[%dma_wait3A_166] : memref<614400xf32, #tpu.memory_space<hbm>> -> memref<256xf32, #tpu.memory_space<hbm>>
        %dma_wait3A_168 = arith.constant 0 : i32
        %dma_wait3A_169 = tpu.memref_slice %arg5[%dma_wait3A_168] : memref<614400xf32, #tpu.memory_space<hbm>> -> memref<256xf32, #tpu.memory_space<hbm>>
        tpu.wait_dma2 semaphore(%arg19 : memref<!tpu.dma_semaphore, #tpu.memory_space<semaphore_mem>>) src(%dma_wait3A_169 : memref<256xf32, #tpu.memory_space<hbm>>) dst(%arg10 : memref<256xf32, #tpu.memory_space<vmem>>)
        %add3A_170 = arith.constant 1 : i32
        %add3A_171 = arith.addi %mul3A_157, %add3A_170 : i32
        %mul3A_172 = arith.constant 38400 : i32
        %mul3A_173 = arith.muli %arg1, %mul3A_172 : i32
        %mul3A_174 = arith.constant 256 : i32
        %mul3A_175 = arith.muli %add3A_171, %mul3A_174 : i32
        %add3A_176 = arith.addi %mul3A_173, %mul3A_175 : i32
        %dma_start3A_177 = tpu.memref_slice %arg4[%add3A_176] : memref<614400xi32, #tpu.memory_space<hbm>> -> memref<256xi32, #tpu.memory_space<hbm>>
        %dma_start3A_178 = tpu.memref_slice %arg4[%add3A_176] : memref<614400xi32, #tpu.memory_space<hbm>> -> memref<256xi32, #tpu.memory_space<hbm>>
        tpu.enqueue_dma source(%dma_start3A_178 : memref<256xi32, #tpu.memory_space<hbm>>) target(%arg11 : memref<256xi32, #tpu.memory_space<vmem>>) target_semaphore(%arg20 : memref<!tpu.dma_semaphore, #tpu.memory_space<semaphore_mem>>)
        %dma_start3A_179 = tpu.memref_slice %arg3[%add3A_176] : memref<614400xi32, #tpu.memory_space<hbm>> -> memref<256xi32, #tpu.memory_space<hbm>>
        %dma_start3A_180 = tpu.memref_slice %arg3[%add3A_176] : memref<614400xi32, #tpu.memory_space<hbm>> -> memref<256xi32, #tpu.memory_space<hbm>>
        tpu.enqueue_dma source(%dma_start3A_180 : memref<256xi32, #tpu.memory_space<hbm>>) target(%arg12 : memref<256xi32, #tpu.memory_space<vmem>>) target_semaphore(%arg20 : memref<!tpu.dma_semaphore, #tpu.memory_space<semaphore_mem>>)
        %dma_start3A_181 = tpu.memref_slice %arg5[%add3A_176] : memref<614400xf32, #tpu.memory_space<hbm>> -> memref<256xf32, #tpu.memory_space<hbm>>
        %dma_start3A_182 = tpu.memref_slice %arg5[%add3A_176] : memref<614400xf32, #tpu.memory_space<hbm>> -> memref<256xf32, #tpu.memory_space<hbm>>
        tpu.enqueue_dma source(%dma_start3A_182 : memref<256xf32, #tpu.memory_space<hbm>>) target(%arg13 : memref<256xf32, #tpu.memory_space<vmem>>) target_semaphore(%arg20 : memref<!tpu.dma_semaphore, #tpu.memory_space<semaphore_mem>>)
        %scan3A_183 = arith.constant 0 : i32
        %scan3A_184 = arith.constant 0 : i32
        %scan3A_185 = arith.constant 16 : i32
        %scan3A_186 = arith.addi %scan3A_184, %scan3A_185 : i32
        %scan3A_187 = arith.constant 1 : i32
        %scan3A_188 = scf.for %scan3A_219 = %scan3A_184 to %scan3A_186 step %scan3A_187 iter_args(%scan3A_220 = %scan3A_183) -> (i32)  : i32 {
          %mul3A_221 = arith.constant 16 : i32
          %mul3A_222 = arith.muli %scan3A_219, %mul3A_221 : i32
          %get3A_223 = arith.index_cast %mul3A_222 : i32 to index
          %get3A_224 = tpu.vector_load %arg8[%get3A_223] {strides = array<i32>} : memref<256xi32, #tpu.memory_space<vmem>>, vector<16xi32>,
          %get3A_225 = arith.index_cast %mul3A_222 : i32 to index
          %get3A_226 = tpu.vector_load %arg9[%get3A_225] {strides = array<i32>} : memref<256xi32, #tpu.memory_space<vmem>>, vector<16xi32>,
          %add3A_227 = arith.constant 0 : i32
          %add3A_228 = vector.broadcast %add3A_227 : i32 to vector<16xi32>
          %add3A_229 = arith.addi %get3A_226, %add3A_228 : vector<16xi32>
          %get3A_230 = arith.index_cast %mul3A_222 : i32 to index
          %get3A_231 = tpu.vector_load %arg10[%get3A_230] {strides = array<i32>} : memref<256xf32, #tpu.memory_space<vmem>>, vector<16xf32>,
          %mul3A_232 = arith.constant 38400 : i32
          %mul3A_233 = arith.muli %arg1, %mul3A_232 : i32
          %mul3A_234 = arith.constant 256 : i32
          %mul3A_235 = arith.muli %mul3A_157, %mul3A_234 : i32
          %add3A_236 = arith.addi %mul3A_233, %mul3A_235 : i32
          %mul3A_237 = arith.constant 16 : i32
          %mul3A_238 = arith.muli %scan3A_219, %mul3A_237 : i32
          %add3A_239 = arith.addi %add3A_236, %mul3A_238 : i32
          %add3A_240 = vector.broadcast %add3A_239 : i32 to vector<16xi32>
          %add3A_241 = arith.addi %add3A_240, %iota3A : vector<16xi32>
          %ge3A = vector.broadcast %add3A : i32 to vector<16xi32>
          %ge3A_242 = arith.cmpi sge, %get3A_224, %ge3A : vector<16xi32>
          %add3A_243 = arith.constant 12544 : i32
          %add3A_244 = arith.addi %add3A, %add3A_243 : i32
          %lt3A_245 = vector.broadcast %add3A_244 : i32 to vector<16xi32>
          %lt3A_246 = arith.cmpi slt, %get3A_224, %lt3A_245 : vector<16xi32>
          %and3A = arith.andi %ge3A_242, %lt3A_246 : vector<16xi1>
          %lt3A_247 = arith.constant 600000 : i32
          %lt3A_248 = vector.broadcast %lt3A_247 : i32 to vector<16xi32>
          %lt3A_249 = arith.cmpi slt, %add3A_241, %lt3A_248 : vector<16xi32>
          %and3A_250 = arith.andi %and3A, %lt3A_249 : vector<16xi1>
          %get3A_251 = arith.constant 0 : i32
          %get3A_252 = arith.index_cast %get3A_251 : i32 to index
          %get3A_253 = memref.load %arg18[%get3A_252] : memref<8xi32, #tpu.memory_space<smem>>
          %gt3A_254 = arith.constant 192 : i32
          %gt3A_255 = arith.cmpi sgt, %get3A_253, %gt3A_254 : i32
          %convert_element_type3A_256 = arith.extui %gt3A_255 : i1 to i32
          %cond3A_257 = arith.constant 0 : i32
          %cond3A_258 = arith.cmpi ne, %convert_element_type3A_256, %cond3A_257 : i32
          scf.if %cond3A_258 {
            %dma_start3A_279 = arith.constant 0 : i32
            %dma_start3A_280 = arith.constant 0 : i32
            %dma_start3A_281 = tpu.memref_slice %arg2[%dma_start3A_279, %dma_start3A_280] : memref<100000x128xf32, #tpu.memory_space<hbm>> -> memref<100000x128xf32, #tpu.memory_space<hbm>>
            tpu.enqueue_indirect_dma source(%dma_start3A_281 : memref<100000x128xf32, #tpu.memory_space<hbm>>) target(%arg17 : memref<208x128xf32, #tpu.memory_space<vmem>>) offsets(%arg15 : memref<208xi32, #tpu.memory_space<vmem>>) semaphore(%arg21 : memref<!tpu.dma_semaphore, #tpu.memory_space<semaphore_mem>>)
            %dma_wait3A_282 = arith.constant 0 : i32
            %dma_wait3A_283 = arith.constant 0 : i32
            %dma_wait3A_284 = tpu.memref_slice %arg2[%dma_wait3A_282, %dma_wait3A_283] : memref<100000x128xf32, #tpu.memory_space<hbm>> -> memref<100000x128xf32, #tpu.memory_space<hbm>>
            tpu.wait_indirect_dma semaphore(%arg21 : memref<!tpu.dma_semaphore, #tpu.memory_space<semaphore_mem>>) src(%dma_wait3A_284 : memref<100000x128xf32, #tpu.memory_space<hbm>>) dst(%arg17 : memref<208x128xf32, #tpu.memory_space<vmem>>)
            %scan3A_285 = arith.constant 0 : i32
            %scan3A_286 = arith.constant 0 : i32
            %scan3A_287 = arith.constant 208 : i32
            %scan3A_288 = arith.addi %scan3A_286, %scan3A_287 : i32
            %scan3A_289 = arith.constant 1 : i32
            %scan3A_290 = scf.for %scan3A_303 = %scan3A_286 to %scan3A_288 step %scan3A_289 iter_args(%scan3A_304 = %scan3A_285) -> (i32)  : i32 {
              %broadcast_in_dim3A_305 = vector.broadcast %scan3A_303 : i32 to vector<16xi32>
              %gather3A = tpu.vector_load_idx %arg16[%broadcast_in_dim3A_305] : memref<208xf32, #tpu.memory_space<vmem>>[vector<16xi32>], vector<16xf32>,
              %get3A_306 = arith.index_cast %scan3A_303 : i32 to index
              %get3A_307 = arith.constant 0 : index
              %get3A_308 = tpu.vector_load %arg17[%get3A_306, %get3A_307] {strides = array<i32>} : memref<208x128xf32, #tpu.memory_space<vmem>>, vector<16xf32>,
              %mul3A_309 = arith.mulf %get3A_308, %gather3A : vector<16xf32>
              %swap3A_310 = arith.index_cast %scan3A_303 : i32 to index
              %swap3A_311 = arith.constant 0 : index
              %swap3A_312 = tpu.vector_load %arg17[%swap3A_310, %swap3A_311] {strides = array<i32>} : memref<208x128xf32, #tpu.memory_space<vmem>>, vector<16xf32>,
              tpu.vector_store %arg17[%swap3A_310, %swap3A_311], %mul3A_309 {strides = array<i32>} : memref<208x128xf32, #tpu.memory_space<vmem>>, vector<16xf32>,
              %get3A_313 = arith.index_cast %scan3A_303 : i32 to index
              %get3A_314 = arith.constant 16 : index
              %get3A_315 = tpu.vector_load %arg17[%get3A_313, %get3A_314] {strides = array<i32>} : memref<208x128xf32, #tpu.memory_space<vmem>>, vector<16xf32>,
              %mul3A_316 = arith.mulf %get3A_315, %gather3A : vector<16xf32>
              %swap3A_317 = arith.index_cast %scan3A_303 : i32 to index
              %swap3A_318 = arith.constant 16 : index
              %swap3A_319 = tpu.vector_load %arg17[%swap3A_317, %swap3A_318] {strides = array<i32>} : memref<208x128xf32, #tpu.memory_space<vmem>>, vector<16xf32>,
              tpu.vector_store %arg17[%swap3A_317, %swap3A_318], %mul3A_316 {strides = array<i32>} : memref<208x128xf32, #tpu.memory_space<vmem>>, vector<16xf32>,
              %get3A_320 = arith.index_cast %scan3A_303 : i32 to index
              %get3A_321 = arith.constant 32 : index
              %get3A_322 = tpu.vector_load %arg17[%get3A_320, %get3A_321] {strides = array<i32>} : memref<208x128xf32, #tpu.memory_space<vmem>>, vector<16xf32>,
              %mul3A_323 = arith.mulf %get3A_322, %gather3A : vector<16xf32>
              %swap3A_324 = arith.index_cast %scan3A_303 : i32 to index
              %swap3A_325 = arith.constant 32 : index
              %swap3A_326 = tpu.vector_load %arg17[%swap3A_324, %swap3A_325] {strides = array<i32>} : memref<208x128xf32, #tpu.memory_space<vmem>>, vector<16xf32>,
              tpu.vector_store %arg17[%swap3A_324, %swap3A_325], %mul3A_323 {strides = array<i32>} : memref<208x128xf32, #tpu.memory_space<vmem>>, vector<16xf32>,
              %get3A_327 = arith.index_cast %scan3A_303 : i32 to index
              %get3A_328 = arith.constant 48 : index
              %get3A_329 = tpu.vector_load %arg17[%get3A_327, %get3A_328] {strides = array<i32>} : memref<208x128xf32, #tpu.memory_space<vmem>>, vector<16xf32>,
              %mul3A_330 = arith.mulf %get3A_329, %gather3A : vector<16xf32>
              %swap3A_331 = arith.index_cast %scan3A_303 : i32 to index
              %swap3A_332 = arith.constant 48 : index
              %swap3A_333 = tpu.vector_load %arg17[%swap3A_331, %swap3A_332] {strides = array<i32>} : memref<208x128xf32, #tpu.memory_space<vmem>>, vector<16xf32>,
              tpu.vector_store %arg17[%swap3A_331, %swap3A_332], %mul3A_330 {strides = array<i32>} : memref<208x128xf32, #tpu.memory_space<vmem>>, vector<16xf32>,
              %get3A_334 = arith.index_cast %scan3A_303 : i32 to index
              %get3A_335 = arith.constant 64 : index
              %get3A_336 = tpu.vector_load %arg17[%get3A_334, %get3A_335] {strides = array<i32>} : memref<208x128xf32, #tpu.memory_space<vmem>>, vector<16xf32>,
              %mul3A_337 = arith.mulf %get3A_336, %gather3A : vector<16xf32>
              %swap3A_338 = arith.index_cast %scan3A_303 : i32 to index
              %swap3A_339 = arith.constant 64 : index
              %swap3A_340 = tpu.vector_load %arg17[%swap3A_338, %swap3A_339] {strides = array<i32>} : memref<208x128xf32, #tpu.memory_space<vmem>>, vector<16xf32>,
              tpu.vector_store %arg17[%swap3A_338, %swap3A_339], %mul3A_337 {strides = array<i32>} : memref<208x128xf32, #tpu.memory_space<vmem>>, vector<16xf32>,
              %get3A_341 = arith.index_cast %scan3A_303 : i32 to index
              %get3A_342 = arith.constant 80 : index
              %get3A_343 = tpu.vector_load %arg17[%get3A_341, %get3A_342] {strides = array<i32>} : memref<208x128xf32, #tpu.memory_space<vmem>>, vector<16xf32>,
              %mul3A_344 = arith.mulf %get3A_343, %gather3A : vector<16xf32>
              %swap3A_345 = arith.index_cast %scan3A_303 : i32 to index
              %swap3A_346 = arith.constant 80 : index
              %swap3A_347 = tpu.vector_load %arg17[%swap3A_345, %swap3A_346] {strides = array<i32>} : memref<208x128xf32, #tpu.memory_space<vmem>>, vector<16xf32>,
              tpu.vector_store %arg17[%swap3A_345, %swap3A_346], %mul3A_344 {strides = array<i32>} : memref<208x128xf32, #tpu.memory_space<vmem>>, vector<16xf32>,
              %get3A_348 = arith.index_cast %scan3A_303 : i32 to index
              %get3A_349 = arith.constant 96 : index
              %get3A_350 = tpu.vector_load %arg17[%get3A_348, %get3A_349] {strides = array<i32>} : memref<208x128xf32, #tpu.memory_space<vmem>>, vector<16xf32>,
              %mul3A_351 = arith.mulf %get3A_350, %gather3A : vector<16xf32>
              %swap3A_352 = arith.index_cast %scan3A_303 : i32 to index
              %swap3A_353 = arith.constant 96 : index
              %swap3A_354 = tpu.vector_load %arg17[%swap3A_352, %swap3A_353] {strides = array<i32>} : memref<208x128xf32, #tpu.memory_space<vmem>>, vector<16xf32>,
              tpu.vector_store %arg17[%swap3A_352, %swap3A_353], %mul3A_351 {strides = array<i32>} : memref<208x128xf32, #tpu.memory_space<vmem>>, vector<16xf32>,
              %get3A_355 = arith.index_cast %scan3A_303 : i32 to index
              %get3A_356 = arith.constant 112 : index
              %get3A_357 = tpu.vector_load %arg17[%get3A_355, %get3A_356] {strides = array<i32>} : memref<208x128xf32, #tpu.memory_space<vmem>>, vector<16xf32>,
              %mul3A_358 = arith.mulf %get3A_357, %gather3A : vector<16xf32>
              %swap3A_359 = arith.index_cast %scan3A_303 : i32 to index
              %swap3A_360 = arith.constant 112 : index
              %swap3A_361 = tpu.vector_load %arg17[%swap3A_359, %swap3A_360] {strides = array<i32>} : memref<208x128xf32, #tpu.memory_space<vmem>>, vector<16xf32>,
              tpu.vector_store %arg17[%swap3A_359, %swap3A_360], %mul3A_358 {strides = array<i32>} : memref<208x128xf32, #tpu.memory_space<vmem>>, vector<16xf32>,
              %scan3A_362 = arith.constant 0 : i32
              scf.yield %scan3A_362 : i32
            }
            %scan3A_291 = arith.constant 208 : i32
            "tpu.region"() ({
              %run_scoped3A = tpu.sem_alloc : memref<!tpu.dma_semaphore, #tpu.memory_space<semaphore_mem>>
              %dma_start3A_303 = arith.constant 0 : i32
              %dma_start3A_304 = arith.constant 0 : i32
              %dma_start3A_305 = tpu.memref_slice %arg7[%dma_start3A_303, %dma_start3A_304] : memref<12544x128xf32, #tpu.memory_space<vmem_shared>> -> memref<12544x128xf32, #tpu.memory_space<vmem_shared>>
              tpu.enqueue_indirect_dma source(%arg17 : memref<208x128xf32, #tpu.memory_space<vmem>>) target(%dma_start3A_305 : memref<12544x128xf32, #tpu.memory_space<vmem_shared>>) offsets(%arg14 : memref<208xi32, #tpu.memory_space<vmem>>) semaphore(%run_scoped3A : memref<!tpu.dma_semaphore, #tpu.memory_space<semaphore_mem>>) {add = true}
              %dma_wait3A_306 = arith.constant 0 : i32
              %dma_wait3A_307 = arith.constant 0 : i32
              %dma_wait3A_308 = tpu.memref_slice %arg7[%dma_wait3A_306, %dma_wait3A_307] : memref<12544x128xf32, #tpu.memory_space<vmem_shared>> -> memref<12544x128xf32, #tpu.memory_space<vmem_shared>>
              tpu.wait_indirect_dma semaphore(%run_scoped3A : memref<!tpu.dma_semaphore, #tpu.memory_space<semaphore_mem>>) src(%arg17 : memref<208x128xf32, #tpu.memory_space<vmem>>) dst(%dma_wait3A_308 : memref<12544x128xf32, #tpu.memory_space<vmem_shared>>)
              tpu.yield
            }) : () -> ()
            %scan3A_292 = arith.constant 0 : i32
            %scan3A_293 = arith.constant 0 : i32
            %scan3A_294 = arith.constant 13 : i32
            %scan3A_295 = arith.addi %scan3A_293, %scan3A_294 : i32
            %scan3A_296 = arith.constant 1 : i32
            %scan3A_297 = scf.for %scan3A_303 = %scan3A_293 to %scan3A_295 step %scan3A_296 iter_args(%scan3A_304 = %scan3A_292) -> (i32)  : i32 {
              %mul3A_305 = arith.constant 16 : i32
              %mul3A_306 = arith.muli %scan3A_303, %mul3A_305 : i32
              %swap3A_307 = arith.index_cast %mul3A_306 : i32 to index
              %swap3A_308 = tpu.vector_load %arg14[%swap3A_307] {strides = array<i32>} : memref<208xi32, #tpu.memory_space<vmem>>, vector<16xi32>,
              tpu.vector_store %arg14[%swap3A_307], %broadcast_in_dim3A_2 {strides = array<i32>} : memref<208xi32, #tpu.memory_space<vmem>>, vector<16xi32>,
              %swap3A_309 = arith.index_cast %mul3A_306 : i32 to index
              %swap3A_310 = tpu.vector_load %arg15[%swap3A_309] {strides = array<i32>} : memref<208xi32, #tpu.memory_space<vmem>>, vector<16xi32>,
              tpu.vector_store %arg15[%swap3A_309], %broadcast_in_dim3A_2 {strides = array<i32>} : memref<208xi32, #tpu.memory_space<vmem>>, vector<16xi32>,
              %swap3A_311 = arith.index_cast %mul3A_306 : i32 to index
              %swap3A_312 = tpu.vector_load %arg16[%swap3A_311] {strides = array<i32>} : memref<208xf32, #tpu.memory_space<vmem>>, vector<16xf32>,
              tpu.vector_store %arg16[%swap3A_311], %broadcast_in_dim3A_0 {strides = array<i32>} : memref<208xf32, #tpu.memory_space<vmem>>, vector<16xf32>,
              %scan3A_313 = arith.constant 0 : i32
              scf.yield %scan3A_313 : i32
            }
            %scan3A_298 = arith.constant 13 : i32
            %swap3A_299 = arith.constant 0 : i32
            %swap3A_300 = arith.constant 0 : i32
            %swap3A_301 = arith.index_cast %swap3A_300 : i32 to index
            %swap3A_302 = memref.load %arg18[%swap3A_301] : memref<8xi32, #tpu.memory_space<smem>>
            memref.store %swap3A_299, %arg18[%swap3A_301] : memref<8xi32, #tpu.memory_space<smem>>
          } else {
          }
          %sub3A_259 = vector.broadcast %add3A : i32 to vector<16xi32>
          %sub3A_260 = arith.subi %get3A_224, %sub3A_259 : vector<16xi32>
          %get3A_261 = arith.constant 0 : i32
          %get3A_262 = arith.index_cast %get3A_261 : i32 to index
          %get3A_263 = memref.load %arg18[%get3A_262] : memref<8xi32, #tpu.memory_space<smem>>
          %swap3A_264 = arith.index_cast %get3A_263 : i32 to index
          %swap3A_265 = tpu.vector_load %arg14[%swap3A_264] masked %and3A_250 {strides = array<i32>} : memref<208xi32, #tpu.memory_space<vmem>>, vector<16xi32>, vector<16xi1>
          tpu.vector_store %arg14[%swap3A_264], %sub3A_260 masked %and3A_250 {strides = array<i32>} : memref<208xi32, #tpu.memory_space<vmem>>, vector<16xi32>, vector<16xi1>
          %swap3A_266 = arith.index_cast %get3A_263 : i32 to index
          %swap3A_267 = tpu.vector_load %arg15[%swap3A_266] masked %and3A_250 {strides = array<i32>} : memref<208xi32, #tpu.memory_space<vmem>>, vector<16xi32>, vector<16xi1>
          tpu.vector_store %arg15[%swap3A_266], %add3A_229 masked %and3A_250 {strides = array<i32>} : memref<208xi32, #tpu.memory_space<vmem>>, vector<16xi32>, vector<16xi1>
          %swap3A_268 = arith.index_cast %get3A_263 : i32 to index
          %swap3A_269 = tpu.vector_load %arg16[%swap3A_268] masked %and3A_250 {strides = array<i32>} : memref<208xf32, #tpu.memory_space<vmem>>, vector<16xf32>, vector<16xi1>
          tpu.vector_store %arg16[%swap3A_268], %get3A_231 masked %and3A_250 {strides = array<i32>} : memref<208xf32, #tpu.memory_space<vmem>>, vector<16xf32>, vector<16xi1>
          %convert_element_type3A_270 = arith.extui %and3A_250 : vector<16xi1> to vector<16xi32>
          %reduce_sum3A = arith.constant true
          %reduce_sum3A_271 = vector.broadcast %reduce_sum3A : i1 to vector<16xi1>
          %reduce_sum3A_272 = tpu.scan <sum>, %convert_element_type3A_270 masked %reduce_sum3A_271 : vector<16xi32>, vector<16xi1> -> vector<16xi32>
          %reduce_sum3A_273 = vector.extract %reduce_sum3A_272[15] : i32 from vector<16xi32>
          %add3A_274 = arith.addi %get3A_263, %reduce_sum3A_273 : i32
          %swap3A_275 = arith.constant 0 : i32
          %swap3A_276 = arith.index_cast %swap3A_275 : i32 to index
          %swap3A_277 = memref.load %arg18[%swap3A_276] : memref<8xi32, #tpu.memory_space<smem>>
          memref.store %add3A_274, %arg18[%swap3A_276] : memref<8xi32, #tpu.memory_space<smem>>
          %scan3A_278 = arith.constant 0 : i32
          scf.yield %scan3A_278 : i32
        }
        %scan3A_189 = arith.constant 16 : i32
        %dma_wait3A_190 = arith.constant 0 : i32
        %dma_wait3A_191 = tpu.memref_slice %arg4[%dma_wait3A_190] : memref<614400xi32, #tpu.memory_space<hbm>> -> memref<256xi32, #tpu.memory_space<hbm>>
        %dma_wait3A_192 = arith.constant 0 : i32
        %dma_wait3A_193 = tpu.memref_slice %arg4[%dma_wait3A_192] : memref<614400xi32, #tpu.memory_space<hbm>> -> memref<256xi32, #tpu.memory_space<hbm>>
        tpu.wait_dma2 semaphore(%arg20 : memref<!tpu.dma_semaphore, #tpu.memory_space<semaphore_mem>>) src(%dma_wait3A_193 : memref<256xi32, #tpu.memory_space<hbm>>) dst(%arg11 : memref<256xi32, #tpu.memory_space<vmem>>)
        %dma_wait3A_194 = arith.constant 0 : i32
        %dma_wait3A_195 = tpu.memref_slice %arg3[%dma_wait3A_194] : memref<614400xi32, #tpu.memory_space<hbm>> -> memref<256xi32, #tpu.memory_space<hbm>>
        %dma_wait3A_196 = arith.constant 0 : i32
        %dma_wait3A_197 = tpu.memref_slice %arg3[%dma_wait3A_196] : memref<614400xi32, #tpu.memory_space<hbm>> -> memref<256xi32, #tpu.memory_space<hbm>>
        tpu.wait_dma2 semaphore(%arg20 : memref<!tpu.dma_semaphore, #tpu.memory_space<semaphore_mem>>) src(%dma_wait3A_197 : memref<256xi32, #tpu.memory_space<hbm>>) dst(%arg12 : memref<256xi32, #tpu.memory_space<vmem>>)
        %dma_wait3A_198 = arith.constant 0 : i32
        %dma_wait3A_199 = tpu.memref_slice %arg5[%dma_wait3A_198] : memref<614400xf32, #tpu.memory_space<hbm>> -> memref<256xf32, #tpu.memory_space<hbm>>
        %dma_wait3A_200 = arith.constant 0 : i32
        %dma_wait3A_201 = tpu.memref_slice %arg5[%dma_wait3A_200] : memref<614400xf32, #tpu.memory_space<hbm>> -> memref<256xf32, #tpu.memory_space<hbm>>
        tpu.wait_dma2 semaphore(%arg20 : memref<!tpu.dma_semaphore, #tpu.memory_space<semaphore_mem>>) src(%dma_wait3A_201 : memref<256xf32, #tpu.memory_space<hbm>>) dst(%arg13 : memref<256xf32, #tpu.memory_space<vmem>>)
        %add3A_202 = arith.constant 2 : i32
        %add3A_203 = arith.addi %mul3A_157, %add3A_202 : i32
        %lt3A_204 = arith.constant 150 : i32
        %lt3A_205 = arith.cmpi slt, %add3A_203, %lt3A_204 : i32
        %convert_element_type3A_206 = arith.extui %lt3A_205 : i1 to i32
        %cond3A_207 = arith.constant 0 : i32
        %cond3A_208 = arith.cmpi ne, %convert_element_type3A_206, %cond3A_207 : i32
        scf.if %cond3A_208 {
          %add3A_219 = arith.constant 2 : i32
          %add3A_220 = arith.addi %mul3A_157, %add3A_219 : i32
          %mul3A_221 = arith.constant 38400 : i32
          %mul3A_222 = arith.muli %arg1, %mul3A_221 : i32
          %mul3A_223 = arith.constant 256 : i32
          %mul3A_224 = arith.muli %add3A_220, %mul3A_223 : i32
          %add3A_225 = arith.addi %mul3A_222, %mul3A_224 : i32
          %dma_start3A_226 = tpu.memref_slice %arg4[%add3A_225] : memref<614400xi32, #tpu.memory_space<hbm>> -> memref<256xi32, #tpu.memory_space<hbm>>
          %dma_start3A_227 = tpu.memref_slice %arg4[%add3A_225] : memref<614400xi32, #tpu.memory_space<hbm>> -> memref<256xi32, #tpu.memory_space<hbm>>
          tpu.enqueue_dma source(%dma_start3A_227 : memref<256xi32, #tpu.memory_space<hbm>>) target(%arg8 : memref<256xi32, #tpu.memory_space<vmem>>) target_semaphore(%arg19 : memref<!tpu.dma_semaphore, #tpu.memory_space<semaphore_mem>>)
          %dma_start3A_228 = tpu.memref_slice %arg3[%add3A_225] : memref<614400xi32, #tpu.memory_space<hbm>> -> memref<256xi32, #tpu.memory_space<hbm>>
          %dma_start3A_229 = tpu.memref_slice %arg3[%add3A_225] : memref<614400xi32, #tpu.memory_space<hbm>> -> memref<256xi32, #tpu.memory_space<hbm>>
          tpu.enqueue_dma source(%dma_start3A_229 : memref<256xi32, #tpu.memory_space<hbm>>) target(%arg9 : memref<256xi32, #tpu.memory_space<vmem>>) target_semaphore(%arg19 : memref<!tpu.dma_semaphore, #tpu.memory_space<semaphore_mem>>)
          %dma_start3A_230 = tpu.memref_slice %arg5[%add3A_225] : memref<614400xf32, #tpu.memory_space<hbm>> -> memref<256xf32, #tpu.memory_space<hbm>>
          %dma_start3A_231 = tpu.memref_slice %arg5[%add3A_225] : memref<614400xf32, #tpu.memory_space<hbm>> -> memref<256xf32, #tpu.memory_space<hbm>>
          tpu.enqueue_dma source(%dma_start3A_231 : memref<256xf32, #tpu.memory_space<hbm>>) target(%arg10 : memref<256xf32, #tpu.memory_space<vmem>>) target_semaphore(%arg19 : memref<!tpu.dma_semaphore, #tpu.memory_space<semaphore_mem>>)
        } else {
        }
        %add3A_209 = arith.constant 1 : i32
        %add3A_210 = arith.addi %mul3A_157, %add3A_209 : i32
        %scan3A_211 = arith.constant 0 : i32
        %scan3A_212 = arith.constant 0 : i32
        %scan3A_213 = arith.constant 16 : i32
        %scan3A_214 = arith.addi %scan3A_212, %scan3A_213 : i32
        %scan3A_215 = arith.constant 1 : i32
        %scan3A_216 = scf.for %scan3A_219 = %scan3A_212 to %scan3A_214 step %scan3A_215 iter_args(%scan3A_220 = %scan3A_211) -> (i32)  : i32 {
          %mul3A_221 = arith.constant 16 : i32
          %mul3A_222 = arith.muli %scan3A_219, %mul3A_221 : i32
          %get3A_223 = arith.index_cast %mul3A_222 : i32 to index
          %get3A_224 = tpu.vector_load %arg11[%get3A_223] {strides = array<i32>} : memref<256xi32, #tpu.memory_space<vmem>>, vector<16xi32>,
          %get3A_225 = arith.index_cast %mul3A_222 : i32 to index
          %get3A_226 = tpu.vector_load %arg12[%get3A_225] {strides = array<i32>} : memref<256xi32, #tpu.memory_space<vmem>>, vector<16xi32>,
          %add3A_227 = arith.constant 0 : i32
          %add3A_228 = vector.broadcast %add3A_227 : i32 to vector<16xi32>
          %add3A_229 = arith.addi %get3A_226, %add3A_228 : vector<16xi32>
          %get3A_230 = arith.index_cast %mul3A_222 : i32 to index
          %get3A_231 = tpu.vector_load %arg13[%get3A_230] {strides = array<i32>} : memref<256xf32, #tpu.memory_space<vmem>>, vector<16xf32>,
          %mul3A_232 = arith.constant 38400 : i32
          %mul3A_233 = arith.muli %arg1, %mul3A_232 : i32
          %mul3A_234 = arith.constant 256 : i32
          %mul3A_235 = arith.muli %add3A_210, %mul3A_234 : i32
          %add3A_236 = arith.addi %mul3A_233, %mul3A_235 : i32
          %mul3A_237 = arith.constant 16 : i32
          %mul3A_238 = arith.muli %scan3A_219, %mul3A_237 : i32
          %add3A_239 = arith.addi %add3A_236, %mul3A_238 : i32
          %add3A_240 = vector.broadcast %add3A_239 : i32 to vector<16xi32>
          %add3A_241 = arith.addi %add3A_240, %iota3A : vector<16xi32>
          %ge3A = vector.broadcast %add3A : i32 to vector<16xi32>
          %ge3A_242 = arith.cmpi sge, %get3A_224, %ge3A : vector<16xi32>
          %add3A_243 = arith.constant 12544 : i32
          %add3A_244 = arith.addi %add3A, %add3A_243 : i32
          %lt3A_245 = vector.broadcast %add3A_244 : i32 to vector<16xi32>
          %lt3A_246 = arith.cmpi slt, %get3A_224, %lt3A_245 : vector<16xi32>
          %and3A = arith.andi %ge3A_242, %lt3A_246 : vector<16xi1>
          %lt3A_247 = arith.constant 600000 : i32
          %lt3A_248 = vector.broadcast %lt3A_247 : i32 to vector<16xi32>
          %lt3A_249 = arith.cmpi slt, %add3A_241, %lt3A_248 : vector<16xi32>
          %and3A_250 = arith.andi %and3A, %lt3A_249 : vector<16xi1>
          %get3A_251 = arith.constant 0 : i32
          %get3A_252 = arith.index_cast %get3A_251 : i32 to index
          %get3A_253 = memref.load %arg18[%get3A_252] : memref<8xi32, #tpu.memory_space<smem>>
          %gt3A_254 = arith.constant 192 : i32
          %gt3A_255 = arith.cmpi sgt, %get3A_253, %gt3A_254 : i32
          %convert_element_type3A_256 = arith.extui %gt3A_255 : i1 to i32
          %cond3A_257 = arith.constant 0 : i32
          %cond3A_258 = arith.cmpi ne, %convert_element_type3A_256, %cond3A_257 : i32
          scf.if %cond3A_258 {
            %dma_start3A_279 = arith.constant 0 : i32
            %dma_start3A_280 = arith.constant 0 : i32
            %dma_start3A_281 = tpu.memref_slice %arg2[%dma_start3A_279, %dma_start3A_280] : memref<100000x128xf32, #tpu.memory_space<hbm>> -> memref<100000x128xf32, #tpu.memory_space<hbm>>
            tpu.enqueue_indirect_dma source(%dma_start3A_281 : memref<100000x128xf32, #tpu.memory_space<hbm>>) target(%arg17 : memref<208x128xf32, #tpu.memory_space<vmem>>) offsets(%arg15 : memref<208xi32, #tpu.memory_space<vmem>>) semaphore(%arg21 : memref<!tpu.dma_semaphore, #tpu.memory_space<semaphore_mem>>)
            %dma_wait3A_282 = arith.constant 0 : i32
            %dma_wait3A_283 = arith.constant 0 : i32
            %dma_wait3A_284 = tpu.memref_slice %arg2[%dma_wait3A_282, %dma_wait3A_283] : memref<100000x128xf32, #tpu.memory_space<hbm>> -> memref<100000x128xf32, #tpu.memory_space<hbm>>
            tpu.wait_indirect_dma semaphore(%arg21 : memref<!tpu.dma_semaphore, #tpu.memory_space<semaphore_mem>>) src(%dma_wait3A_284 : memref<100000x128xf32, #tpu.memory_space<hbm>>) dst(%arg17 : memref<208x128xf32, #tpu.memory_space<vmem>>)
            %scan3A_285 = arith.constant 0 : i32
            %scan3A_286 = arith.constant 0 : i32
            %scan3A_287 = arith.constant 208 : i32
            %scan3A_288 = arith.addi %scan3A_286, %scan3A_287 : i32
            %scan3A_289 = arith.constant 1 : i32
            %scan3A_290 = scf.for %scan3A_303 = %scan3A_286 to %scan3A_288 step %scan3A_289 iter_args(%scan3A_304 = %scan3A_285) -> (i32)  : i32 {
              %broadcast_in_dim3A_305 = vector.broadcast %scan3A_303 : i32 to vector<16xi32>
              %gather3A = tpu.vector_load_idx %arg16[%broadcast_in_dim3A_305] : memref<208xf32, #tpu.memory_space<vmem>>[vector<16xi32>], vector<16xf32>,
              %get3A_306 = arith.index_cast %scan3A_303 : i32 to index
              %get3A_307 = arith.constant 0 : index
              %get3A_308 = tpu.vector_load %arg17[%get3A_306, %get3A_307] {strides = array<i32>} : memref<208x128xf32, #tpu.memory_space<vmem>>, vector<16xf32>,
              %mul3A_309 = arith.mulf %get3A_308, %gather3A : vector<16xf32>
              %swap3A_310 = arith.index_cast %scan3A_303 : i32 to index
              %swap3A_311 = arith.constant 0 : index
              %swap3A_312 = tpu.vector_load %arg17[%swap3A_310, %swap3A_311] {strides = array<i32>} : memref<208x128xf32, #tpu.memory_space<vmem>>, vector<16xf32>,
              tpu.vector_store %arg17[%swap3A_310, %swap3A_311], %mul3A_309 {strides = array<i32>} : memref<208x128xf32, #tpu.memory_space<vmem>>, vector<16xf32>,
              %get3A_313 = arith.index_cast %scan3A_303 : i32 to index
              %get3A_314 = arith.constant 16 : index
              %get3A_315 = tpu.vector_load %arg17[%get3A_313, %get3A_314] {strides = array<i32>} : memref<208x128xf32, #tpu.memory_space<vmem>>, vector<16xf32>,
              %mul3A_316 = arith.mulf %get3A_315, %gather3A : vector<16xf32>
              %swap3A_317 = arith.index_cast %scan3A_303 : i32 to index
              %swap3A_318 = arith.constant 16 : index
              %swap3A_319 = tpu.vector_load %arg17[%swap3A_317, %swap3A_318] {strides = array<i32>} : memref<208x128xf32, #tpu.memory_space<vmem>>, vector<16xf32>,
              tpu.vector_store %arg17[%swap3A_317, %swap3A_318], %mul3A_316 {strides = array<i32>} : memref<208x128xf32, #tpu.memory_space<vmem>>, vector<16xf32>,
              %get3A_320 = arith.index_cast %scan3A_303 : i32 to index
              %get3A_321 = arith.constant 32 : index
              %get3A_322 = tpu.vector_load %arg17[%get3A_320, %get3A_321] {strides = array<i32>} : memref<208x128xf32, #tpu.memory_space<vmem>>, vector<16xf32>,
              %mul3A_323 = arith.mulf %get3A_322, %gather3A : vector<16xf32>
              %swap3A_324 = arith.index_cast %scan3A_303 : i32 to index
              %swap3A_325 = arith.constant 32 : index
              %swap3A_326 = tpu.vector_load %arg17[%swap3A_324, %swap3A_325] {strides = array<i32>} : memref<208x128xf32, #tpu.memory_space<vmem>>, vector<16xf32>,
              tpu.vector_store %arg17[%swap3A_324, %swap3A_325], %mul3A_323 {strides = array<i32>} : memref<208x128xf32, #tpu.memory_space<vmem>>, vector<16xf32>,
              %get3A_327 = arith.index_cast %scan3A_303 : i32 to index
              %get3A_328 = arith.constant 48 : index
              %get3A_329 = tpu.vector_load %arg17[%get3A_327, %get3A_328] {strides = array<i32>} : memref<208x128xf32, #tpu.memory_space<vmem>>, vector<16xf32>,
              %mul3A_330 = arith.mulf %get3A_329, %gather3A : vector<16xf32>
              %swap3A_331 = arith.index_cast %scan3A_303 : i32 to index
              %swap3A_332 = arith.constant 48 : index
              %swap3A_333 = tpu.vector_load %arg17[%swap3A_331, %swap3A_332] {strides = array<i32>} : memref<208x128xf32, #tpu.memory_space<vmem>>, vector<16xf32>,
              tpu.vector_store %arg17[%swap3A_331, %swap3A_332], %mul3A_330 {strides = array<i32>} : memref<208x128xf32, #tpu.memory_space<vmem>>, vector<16xf32>,
              %get3A_334 = arith.index_cast %scan3A_303 : i32 to index
              %get3A_335 = arith.constant 64 : index
              %get3A_336 = tpu.vector_load %arg17[%get3A_334, %get3A_335] {strides = array<i32>} : memref<208x128xf32, #tpu.memory_space<vmem>>, vector<16xf32>,
              %mul3A_337 = arith.mulf %get3A_336, %gather3A : vector<16xf32>
              %swap3A_338 = arith.index_cast %scan3A_303 : i32 to index
              %swap3A_339 = arith.constant 64 : index
              %swap3A_340 = tpu.vector_load %arg17[%swap3A_338, %swap3A_339] {strides = array<i32>} : memref<208x128xf32, #tpu.memory_space<vmem>>, vector<16xf32>,
              tpu.vector_store %arg17[%swap3A_338, %swap3A_339], %mul3A_337 {strides = array<i32>} : memref<208x128xf32, #tpu.memory_space<vmem>>, vector<16xf32>,
              %get3A_341 = arith.index_cast %scan3A_303 : i32 to index
              %get3A_342 = arith.constant 80 : index
              %get3A_343 = tpu.vector_load %arg17[%get3A_341, %get3A_342] {strides = array<i32>} : memref<208x128xf32, #tpu.memory_space<vmem>>, vector<16xf32>,
              %mul3A_344 = arith.mulf %get3A_343, %gather3A : vector<16xf32>
              %swap3A_345 = arith.index_cast %scan3A_303 : i32 to index
              %swap3A_346 = arith.constant 80 : index
              %swap3A_347 = tpu.vector_load %arg17[%swap3A_345, %swap3A_346] {strides = array<i32>} : memref<208x128xf32, #tpu.memory_space<vmem>>, vector<16xf32>,
              tpu.vector_store %arg17[%swap3A_345, %swap3A_346], %mul3A_344 {strides = array<i32>} : memref<208x128xf32, #tpu.memory_space<vmem>>, vector<16xf32>,
              %get3A_348 = arith.index_cast %scan3A_303 : i32 to index
              %get3A_349 = arith.constant 96 : index
              %get3A_350 = tpu.vector_load %arg17[%get3A_348, %get3A_349] {strides = array<i32>} : memref<208x128xf32, #tpu.memory_space<vmem>>, vector<16xf32>,
              %mul3A_351 = arith.mulf %get3A_350, %gather3A : vector<16xf32>
              %swap3A_352 = arith.index_cast %scan3A_303 : i32 to index
              %swap3A_353 = arith.constant 96 : index
              %swap3A_354 = tpu.vector_load %arg17[%swap3A_352, %swap3A_353] {strides = array<i32>} : memref<208x128xf32, #tpu.memory_space<vmem>>, vector<16xf32>,
              tpu.vector_store %arg17[%swap3A_352, %swap3A_353], %mul3A_351 {strides = array<i32>} : memref<208x128xf32, #tpu.memory_space<vmem>>, vector<16xf32>,
              %get3A_355 = arith.index_cast %scan3A_303 : i32 to index
              %get3A_356 = arith.constant 112 : index
              %get3A_357 = tpu.vector_load %arg17[%get3A_355, %get3A_356] {strides = array<i32>} : memref<208x128xf32, #tpu.memory_space<vmem>>, vector<16xf32>,
              %mul3A_358 = arith.mulf %get3A_357, %gather3A : vector<16xf32>
              %swap3A_359 = arith.index_cast %scan3A_303 : i32 to index
              %swap3A_360 = arith.constant 112 : index
              %swap3A_361 = tpu.vector_load %arg17[%swap3A_359, %swap3A_360] {strides = array<i32>} : memref<208x128xf32, #tpu.memory_space<vmem>>, vector<16xf32>,
              tpu.vector_store %arg17[%swap3A_359, %swap3A_360], %mul3A_358 {strides = array<i32>} : memref<208x128xf32, #tpu.memory_space<vmem>>, vector<16xf32>,
              %scan3A_362 = arith.constant 0 : i32
              scf.yield %scan3A_362 : i32
            }
            %scan3A_291 = arith.constant 208 : i32
            "tpu.region"() ({
              %run_scoped3A = tpu.sem_alloc : memref<!tpu.dma_semaphore, #tpu.memory_space<semaphore_mem>>
              %dma_start3A_303 = arith.constant 0 : i32
              %dma_start3A_304 = arith.constant 0 : i32
              %dma_start3A_305 = tpu.memref_slice %arg7[%dma_start3A_303, %dma_start3A_304] : memref<12544x128xf32, #tpu.memory_space<vmem_shared>> -> memref<12544x128xf32, #tpu.memory_space<vmem_shared>>
              tpu.enqueue_indirect_dma source(%arg17 : memref<208x128xf32, #tpu.memory_space<vmem>>) target(%dma_start3A_305 : memref<12544x128xf32, #tpu.memory_space<vmem_shared>>) offsets(%arg14 : memref<208xi32, #tpu.memory_space<vmem>>) semaphore(%run_scoped3A : memref<!tpu.dma_semaphore, #tpu.memory_space<semaphore_mem>>) {add = true}
              %dma_wait3A_306 = arith.constant 0 : i32
              %dma_wait3A_307 = arith.constant 0 : i32
              %dma_wait3A_308 = tpu.memref_slice %arg7[%dma_wait3A_306, %dma_wait3A_307] : memref<12544x128xf32, #tpu.memory_space<vmem_shared>> -> memref<12544x128xf32, #tpu.memory_space<vmem_shared>>
              tpu.wait_indirect_dma semaphore(%run_scoped3A : memref<!tpu.dma_semaphore, #tpu.memory_space<semaphore_mem>>) src(%arg17 : memref<208x128xf32, #tpu.memory_space<vmem>>) dst(%dma_wait3A_308 : memref<12544x128xf32, #tpu.memory_space<vmem_shared>>)
              tpu.yield
            }) : () -> ()
            %scan3A_292 = arith.constant 0 : i32
            %scan3A_293 = arith.constant 0 : i32
            %scan3A_294 = arith.constant 13 : i32
            %scan3A_295 = arith.addi %scan3A_293, %scan3A_294 : i32
            %scan3A_296 = arith.constant 1 : i32
            %scan3A_297 = scf.for %scan3A_303 = %scan3A_293 to %scan3A_295 step %scan3A_296 iter_args(%scan3A_304 = %scan3A_292) -> (i32)  : i32 {
              %mul3A_305 = arith.constant 16 : i32
              %mul3A_306 = arith.muli %scan3A_303, %mul3A_305 : i32
              %swap3A_307 = arith.index_cast %mul3A_306 : i32 to index
              %swap3A_308 = tpu.vector_load %arg14[%swap3A_307] {strides = array<i32>} : memref<208xi32, #tpu.memory_space<vmem>>, vector<16xi32>,
              tpu.vector_store %arg14[%swap3A_307], %broadcast_in_dim3A_2 {strides = array<i32>} : memref<208xi32, #tpu.memory_space<vmem>>, vector<16xi32>,
              %swap3A_309 = arith.index_cast %mul3A_306 : i32 to index
              %swap3A_310 = tpu.vector_load %arg15[%swap3A_309] {strides = array<i32>} : memref<208xi32, #tpu.memory_space<vmem>>, vector<16xi32>,
              tpu.vector_store %arg15[%swap3A_309], %broadcast_in_dim3A_2 {strides = array<i32>} : memref<208xi32, #tpu.memory_space<vmem>>, vector<16xi32>,
              %swap3A_311 = arith.index_cast %mul3A_306 : i32 to index
              %swap3A_312 = tpu.vector_load %arg16[%swap3A_311] {strides = array<i32>} : memref<208xf32, #tpu.memory_space<vmem>>, vector<16xf32>,
              tpu.vector_store %arg16[%swap3A_311], %broadcast_in_dim3A_0 {strides = array<i32>} : memref<208xf32, #tpu.memory_space<vmem>>, vector<16xf32>,
              %scan3A_313 = arith.constant 0 : i32
              scf.yield %scan3A_313 : i32
            }
            %scan3A_298 = arith.constant 13 : i32
            %swap3A_299 = arith.constant 0 : i32
            %swap3A_300 = arith.constant 0 : i32
            %swap3A_301 = arith.index_cast %swap3A_300 : i32 to index
            %swap3A_302 = memref.load %arg18[%swap3A_301] : memref<8xi32, #tpu.memory_space<smem>>
            memref.store %swap3A_299, %arg18[%swap3A_301] : memref<8xi32, #tpu.memory_space<smem>>
          } else {
          }
          %sub3A_259 = vector.broadcast %add3A : i32 to vector<16xi32>
          %sub3A_260 = arith.subi %get3A_224, %sub3A_259 : vector<16xi32>
          %get3A_261 = arith.constant 0 : i32
          %get3A_262 = arith.index_cast %get3A_261 : i32 to index
          %get3A_263 = memref.load %arg18[%get3A_262] : memref<8xi32, #tpu.memory_space<smem>>
          %swap3A_264 = arith.index_cast %get3A_263 : i32 to index
          %swap3A_265 = tpu.vector_load %arg14[%swap3A_264] masked %and3A_250 {strides = array<i32>} : memref<208xi32, #tpu.memory_space<vmem>>, vector<16xi32>, vector<16xi1>
          tpu.vector_store %arg14[%swap3A_264], %sub3A_260 masked %and3A_250 {strides = array<i32>} : memref<208xi32, #tpu.memory_space<vmem>>, vector<16xi32>, vector<16xi1>
          %swap3A_266 = arith.index_cast %get3A_263 : i32 to index
          %swap3A_267 = tpu.vector_load %arg15[%swap3A_266] masked %and3A_250 {strides = array<i32>} : memref<208xi32, #tpu.memory_space<vmem>>, vector<16xi32>, vector<16xi1>
          tpu.vector_store %arg15[%swap3A_266], %add3A_229 masked %and3A_250 {strides = array<i32>} : memref<208xi32, #tpu.memory_space<vmem>>, vector<16xi32>, vector<16xi1>
          %swap3A_268 = arith.index_cast %get3A_263 : i32 to index
          %swap3A_269 = tpu.vector_load %arg16[%swap3A_268] masked %and3A_250 {strides = array<i32>} : memref<208xf32, #tpu.memory_space<vmem>>, vector<16xf32>, vector<16xi1>
          tpu.vector_store %arg16[%swap3A_268], %get3A_231 masked %and3A_250 {strides = array<i32>} : memref<208xf32, #tpu.memory_space<vmem>>, vector<16xf32>, vector<16xi1>
          %convert_element_type3A_270 = arith.extui %and3A_250 : vector<16xi1> to vector<16xi32>
          %reduce_sum3A = arith.constant true
          %reduce_sum3A_271 = vector.broadcast %reduce_sum3A : i1 to vector<16xi1>
          %reduce_sum3A_272 = tpu.scan <sum>, %convert_element_type3A_270 masked %reduce_sum3A_271 : vector<16xi32>, vector<16xi1> -> vector<16xi32>
          %reduce_sum3A_273 = vector.extract %reduce_sum3A_272[15] : i32 from vector<16xi32>
          %add3A_274 = arith.addi %get3A_263, %reduce_sum3A_273 : i32
          %swap3A_275 = arith.constant 0 : i32
          %swap3A_276 = arith.index_cast %swap3A_275 : i32 to index
          %swap3A_277 = memref.load %arg18[%swap3A_276] : memref<8xi32, #tpu.memory_space<smem>>
          memref.store %add3A_274, %arg18[%swap3A_276] : memref<8xi32, #tpu.memory_space<smem>>
          %scan3A_278 = arith.constant 0 : i32
          scf.yield %scan3A_278 : i32
        }
        %scan3A_217 = arith.constant 16 : i32
        %scan3A_218 = arith.constant 0 : i32
        scf.yield %scan3A_218 : i32
      }
      %scan3A_133 = arith.constant 75 : i32
      %get3A = arith.constant 0 : i32
      %get3A_134 = arith.index_cast %get3A : i32 to index
      %get3A_135 = memref.load %arg18[%get3A_134] : memref<8xi32, #tpu.memory_space<smem>>
      %gt3A = arith.constant 0 : i32
      %gt3A_136 = arith.cmpi sgt, %get3A_135, %gt3A : i32
      %convert_element_type3A = arith.extui %gt3A_136 : i1 to i32
      %cond3A = arith.constant 0 : i32
      %cond3A_137 = arith.cmpi ne, %convert_element_type3A, %cond3A : i32
      scf.if %cond3A_137 {
        %dma_start3A_154 = arith.constant 0 : i32
        %dma_start3A_155 = arith.constant 0 : i32
        %dma_start3A_156 = tpu.memref_slice %arg2[%dma_start3A_154, %dma_start3A_155] : memref<100000x128xf32, #tpu.memory_space<hbm>> -> memref<100000x128xf32, #tpu.memory_space<hbm>>
        tpu.enqueue_indirect_dma source(%dma_start3A_156 : memref<100000x128xf32, #tpu.memory_space<hbm>>) target(%arg17 : memref<208x128xf32, #tpu.memory_space<vmem>>) offsets(%arg15 : memref<208xi32, #tpu.memory_space<vmem>>) semaphore(%arg21 : memref<!tpu.dma_semaphore, #tpu.memory_space<semaphore_mem>>)
        %dma_wait3A_157 = arith.constant 0 : i32
        %dma_wait3A_158 = arith.constant 0 : i32
        %dma_wait3A_159 = tpu.memref_slice %arg2[%dma_wait3A_157, %dma_wait3A_158] : memref<100000x128xf32, #tpu.memory_space<hbm>> -> memref<100000x128xf32, #tpu.memory_space<hbm>>
        tpu.wait_indirect_dma semaphore(%arg21 : memref<!tpu.dma_semaphore, #tpu.memory_space<semaphore_mem>>) src(%dma_wait3A_159 : memref<100000x128xf32, #tpu.memory_space<hbm>>) dst(%arg17 : memref<208x128xf32, #tpu.memory_space<vmem>>)
        %scan3A_160 = arith.constant 0 : i32
        %scan3A_161 = arith.constant 0 : i32
        %scan3A_162 = arith.constant 208 : i32
        %scan3A_163 = arith.addi %scan3A_161, %scan3A_162 : i32
        %scan3A_164 = arith.constant 1 : i32
        %scan3A_165 = scf.for %scan3A_178 = %scan3A_161 to %scan3A_163 step %scan3A_164 iter_args(%scan3A_179 = %scan3A_160) -> (i32)  : i32 {
          %broadcast_in_dim3A_180 = vector.broadcast %scan3A_178 : i32 to vector<16xi32>
          %gather3A = tpu.vector_load_idx %arg16[%broadcast_in_dim3A_180] : memref<208xf32, #tpu.memory_space<vmem>>[vector<16xi32>], vector<16xf32>,
          %get3A_181 = arith.index_cast %scan3A_178 : i32 to index
          %get3A_182 = arith.constant 0 : index
          %get3A_183 = tpu.vector_load %arg17[%get3A_181, %get3A_182] {strides = array<i32>} : memref<208x128xf32, #tpu.memory_space<vmem>>, vector<16xf32>,
          %mul3A_184 = arith.mulf %get3A_183, %gather3A : vector<16xf32>
          %swap3A_185 = arith.index_cast %scan3A_178 : i32 to index
          %swap3A_186 = arith.constant 0 : index
          %swap3A_187 = tpu.vector_load %arg17[%swap3A_185, %swap3A_186] {strides = array<i32>} : memref<208x128xf32, #tpu.memory_space<vmem>>, vector<16xf32>,
          tpu.vector_store %arg17[%swap3A_185, %swap3A_186], %mul3A_184 {strides = array<i32>} : memref<208x128xf32, #tpu.memory_space<vmem>>, vector<16xf32>,
          %get3A_188 = arith.index_cast %scan3A_178 : i32 to index
          %get3A_189 = arith.constant 16 : index
          %get3A_190 = tpu.vector_load %arg17[%get3A_188, %get3A_189] {strides = array<i32>} : memref<208x128xf32, #tpu.memory_space<vmem>>, vector<16xf32>,
          %mul3A_191 = arith.mulf %get3A_190, %gather3A : vector<16xf32>
          %swap3A_192 = arith.index_cast %scan3A_178 : i32 to index
          %swap3A_193 = arith.constant 16 : index
          %swap3A_194 = tpu.vector_load %arg17[%swap3A_192, %swap3A_193] {strides = array<i32>} : memref<208x128xf32, #tpu.memory_space<vmem>>, vector<16xf32>,
          tpu.vector_store %arg17[%swap3A_192, %swap3A_193], %mul3A_191 {strides = array<i32>} : memref<208x128xf32, #tpu.memory_space<vmem>>, vector<16xf32>,
          %get3A_195 = arith.index_cast %scan3A_178 : i32 to index
          %get3A_196 = arith.constant 32 : index
          %get3A_197 = tpu.vector_load %arg17[%get3A_195, %get3A_196] {strides = array<i32>} : memref<208x128xf32, #tpu.memory_space<vmem>>, vector<16xf32>,
          %mul3A_198 = arith.mulf %get3A_197, %gather3A : vector<16xf32>
          %swap3A_199 = arith.index_cast %scan3A_178 : i32 to index
          %swap3A_200 = arith.constant 32 : index
          %swap3A_201 = tpu.vector_load %arg17[%swap3A_199, %swap3A_200] {strides = array<i32>} : memref<208x128xf32, #tpu.memory_space<vmem>>, vector<16xf32>,
          tpu.vector_store %arg17[%swap3A_199, %swap3A_200], %mul3A_198 {strides = array<i32>} : memref<208x128xf32, #tpu.memory_space<vmem>>, vector<16xf32>,
          %get3A_202 = arith.index_cast %scan3A_178 : i32 to index
          %get3A_203 = arith.constant 48 : index
          %get3A_204 = tpu.vector_load %arg17[%get3A_202, %get3A_203] {strides = array<i32>} : memref<208x128xf32, #tpu.memory_space<vmem>>, vector<16xf32>,
          %mul3A_205 = arith.mulf %get3A_204, %gather3A : vector<16xf32>
          %swap3A_206 = arith.index_cast %scan3A_178 : i32 to index
          %swap3A_207 = arith.constant 48 : index
          %swap3A_208 = tpu.vector_load %arg17[%swap3A_206, %swap3A_207] {strides = array<i32>} : memref<208x128xf32, #tpu.memory_space<vmem>>, vector<16xf32>,
          tpu.vector_store %arg17[%swap3A_206, %swap3A_207], %mul3A_205 {strides = array<i32>} : memref<208x128xf32, #tpu.memory_space<vmem>>, vector<16xf32>,
          %get3A_209 = arith.index_cast %scan3A_178 : i32 to index
          %get3A_210 = arith.constant 64 : index
          %get3A_211 = tpu.vector_load %arg17[%get3A_209, %get3A_210] {strides = array<i32>} : memref<208x128xf32, #tpu.memory_space<vmem>>, vector<16xf32>,
          %mul3A_212 = arith.mulf %get3A_211, %gather3A : vector<16xf32>
          %swap3A_213 = arith.index_cast %scan3A_178 : i32 to index
          %swap3A_214 = arith.constant 64 : index
          %swap3A_215 = tpu.vector_load %arg17[%swap3A_213, %swap3A_214] {strides = array<i32>} : memref<208x128xf32, #tpu.memory_space<vmem>>, vector<16xf32>,
          tpu.vector_store %arg17[%swap3A_213, %swap3A_214], %mul3A_212 {strides = array<i32>} : memref<208x128xf32, #tpu.memory_space<vmem>>, vector<16xf32>,
          %get3A_216 = arith.index_cast %scan3A_178 : i32 to index
          %get3A_217 = arith.constant 80 : index
          %get3A_218 = tpu.vector_load %arg17[%get3A_216, %get3A_217] {strides = array<i32>} : memref<208x128xf32, #tpu.memory_space<vmem>>, vector<16xf32>,
          %mul3A_219 = arith.mulf %get3A_218, %gather3A : vector<16xf32>
          %swap3A_220 = arith.index_cast %scan3A_178 : i32 to index
          %swap3A_221 = arith.constant 80 : index
          %swap3A_222 = tpu.vector_load %arg17[%swap3A_220, %swap3A_221] {strides = array<i32>} : memref<208x128xf32, #tpu.memory_space<vmem>>, vector<16xf32>,
          tpu.vector_store %arg17[%swap3A_220, %swap3A_221], %mul3A_219 {strides = array<i32>} : memref<208x128xf32, #tpu.memory_space<vmem>>, vector<16xf32>,
          %get3A_223 = arith.index_cast %scan3A_178 : i32 to index
          %get3A_224 = arith.constant 96 : index
          %get3A_225 = tpu.vector_load %arg17[%get3A_223, %get3A_224] {strides = array<i32>} : memref<208x128xf32, #tpu.memory_space<vmem>>, vector<16xf32>,
          %mul3A_226 = arith.mulf %get3A_225, %gather3A : vector<16xf32>
          %swap3A_227 = arith.index_cast %scan3A_178 : i32 to index
          %swap3A_228 = arith.constant 96 : index
          %swap3A_229 = tpu.vector_load %arg17[%swap3A_227, %swap3A_228] {strides = array<i32>} : memref<208x128xf32, #tpu.memory_space<vmem>>, vector<16xf32>,
          tpu.vector_store %arg17[%swap3A_227, %swap3A_228], %mul3A_226 {strides = array<i32>} : memref<208x128xf32, #tpu.memory_space<vmem>>, vector<16xf32>,
          %get3A_230 = arith.index_cast %scan3A_178 : i32 to index
          %get3A_231 = arith.constant 112 : index
          %get3A_232 = tpu.vector_load %arg17[%get3A_230, %get3A_231] {strides = array<i32>} : memref<208x128xf32, #tpu.memory_space<vmem>>, vector<16xf32>,
          %mul3A_233 = arith.mulf %get3A_232, %gather3A : vector<16xf32>
          %swap3A_234 = arith.index_cast %scan3A_178 : i32 to index
          %swap3A_235 = arith.constant 112 : index
          %swap3A_236 = tpu.vector_load %arg17[%swap3A_234, %swap3A_235] {strides = array<i32>} : memref<208x128xf32, #tpu.memory_space<vmem>>, vector<16xf32>,
          tpu.vector_store %arg17[%swap3A_234, %swap3A_235], %mul3A_233 {strides = array<i32>} : memref<208x128xf32, #tpu.memory_space<vmem>>, vector<16xf32>,
          %scan3A_237 = arith.constant 0 : i32
          scf.yield %scan3A_237 : i32
        }
        %scan3A_166 = arith.constant 208 : i32
        "tpu.region"() ({
          %run_scoped3A = tpu.sem_alloc : memref<!tpu.dma_semaphore, #tpu.memory_space<semaphore_mem>>
          %dma_start3A_178 = arith.constant 0 : i32
          %dma_start3A_179 = arith.constant 0 : i32
          %dma_start3A_180 = tpu.memref_slice %arg7[%dma_start3A_178, %dma_start3A_179] : memref<12544x128xf32, #tpu.memory_space<vmem_shared>> -> memref<12544x128xf32, #tpu.memory_space<vmem_shared>>
          tpu.enqueue_indirect_dma source(%arg17 : memref<208x128xf32, #tpu.memory_space<vmem>>) target(%dma_start3A_180 : memref<12544x128xf32, #tpu.memory_space<vmem_shared>>) offsets(%arg14 : memref<208xi32, #tpu.memory_space<vmem>>) semaphore(%run_scoped3A : memref<!tpu.dma_semaphore, #tpu.memory_space<semaphore_mem>>) {add = true}
          %dma_wait3A_181 = arith.constant 0 : i32
          %dma_wait3A_182 = arith.constant 0 : i32
          %dma_wait3A_183 = tpu.memref_slice %arg7[%dma_wait3A_181, %dma_wait3A_182] : memref<12544x128xf32, #tpu.memory_space<vmem_shared>> -> memref<12544x128xf32, #tpu.memory_space<vmem_shared>>
          tpu.wait_indirect_dma semaphore(%run_scoped3A : memref<!tpu.dma_semaphore, #tpu.memory_space<semaphore_mem>>) src(%arg17 : memref<208x128xf32, #tpu.memory_space<vmem>>) dst(%dma_wait3A_183 : memref<12544x128xf32, #tpu.memory_space<vmem_shared>>)
          tpu.yield
        }) : () -> ()
        %scan3A_167 = arith.constant 0 : i32
        %scan3A_168 = arith.constant 0 : i32
        %scan3A_169 = arith.constant 13 : i32
        %scan3A_170 = arith.addi %scan3A_168, %scan3A_169 : i32
        %scan3A_171 = arith.constant 1 : i32
        %scan3A_172 = scf.for %scan3A_178 = %scan3A_168 to %scan3A_170 step %scan3A_171 iter_args(%scan3A_179 = %scan3A_167) -> (i32)  : i32 {
          %mul3A_180 = arith.constant 16 : i32
          %mul3A_181 = arith.muli %scan3A_178, %mul3A_180 : i32
          %swap3A_182 = arith.index_cast %mul3A_181 : i32 to index
          %swap3A_183 = tpu.vector_load %arg14[%swap3A_182] {strides = array<i32>} : memref<208xi32, #tpu.memory_space<vmem>>, vector<16xi32>,
          tpu.vector_store %arg14[%swap3A_182], %broadcast_in_dim3A_2 {strides = array<i32>} : memref<208xi32, #tpu.memory_space<vmem>>, vector<16xi32>,
          %swap3A_184 = arith.index_cast %mul3A_181 : i32 to index
          %swap3A_185 = tpu.vector_load %arg15[%swap3A_184] {strides = array<i32>} : memref<208xi32, #tpu.memory_space<vmem>>, vector<16xi32>,
          tpu.vector_store %arg15[%swap3A_184], %broadcast_in_dim3A_2 {strides = array<i32>} : memref<208xi32, #tpu.memory_space<vmem>>, vector<16xi32>,
          %swap3A_186 = arith.index_cast %mul3A_181 : i32 to index
          %swap3A_187 = tpu.vector_load %arg16[%swap3A_186] {strides = array<i32>} : memref<208xf32, #tpu.memory_space<vmem>>, vector<16xf32>,
          tpu.vector_store %arg16[%swap3A_186], %broadcast_in_dim3A_0 {strides = array<i32>} : memref<208xf32, #tpu.memory_space<vmem>>, vector<16xf32>,
          %scan3A_188 = arith.constant 0 : i32
          scf.yield %scan3A_188 : i32
        }
        %scan3A_173 = arith.constant 13 : i32
        %swap3A_174 = arith.constant 0 : i32
        %swap3A_175 = arith.constant 0 : i32
        %swap3A_176 = arith.index_cast %swap3A_175 : i32 to index
        %swap3A_177 = memref.load %arg18[%swap3A_176] : memref<8xi32, #tpu.memory_space<smem>>
        memref.store %swap3A_174, %arg18[%swap3A_176] : memref<8xi32, #tpu.memory_space<smem>>
      } else {
      }
      %barrier3A_138 = arith.constant 0 : index
      tpu.barrier barrier_id(%barrier3A_138)
      %mul3A_139 = arith.constant 784 : i32
      %mul3A_140 = arith.muli %arg1, %mul3A_139 : i32
      %add3A_141 = arith.addi %add3A, %mul3A_140 : i32
      %sub3A_142 = arith.constant 50000 : i32
      %sub3A_143 = arith.subi %sub3A_142, %add3A_141 : i32
      %jit3A = arith.constant 0 : i32
      %jit3A_144 = arith.constant 784 : i32
      %max3A = arith.maxsi %jit3A, %sub3A_143 : i32
      %min3A = arith.minsi %jit3A_144, %max3A : i32
      %eq3A = arith.constant 784 : i32
      %eq3A_145 = arith.cmpi eq, %min3A, %eq3A : i32
      %convert_element_type3A_146 = arith.extui %eq3A_145 : i1 to i32
      %cond3A_147 = arith.constant 0 : i32
      %cond3A_148 = arith.cmpi ne, %convert_element_type3A_146, %cond3A_147 : i32
      scf.if %cond3A_148 {
        %mul3A_154 = arith.constant 784 : i32
        %mul3A_155 = arith.muli %arg1, %mul3A_154 : i32
        %add3A_156 = arith.constant 50000 : i32
        %add3A_157 = arith.addi %add3A_156, %add3A_141 : i32
        "tpu.region"() ({
          %run_scoped3A = tpu.sem_alloc : memref<!tpu.dma_semaphore, #tpu.memory_space<semaphore_mem>>
          %dma_start3A_158 = arith.constant 0 : i32
          %dma_start3A_159 = tpu.memref_slice %arg6[%add3A_157, %dma_start3A_158] : memref<100000x128xf32, #tpu.memory_space<hbm>> -> memref<784x128xf32, #tpu.memory_space<hbm>>
          %dma_start3A_160 = arith.constant 0 : i32
          %dma_start3A_161 = tpu.memref_slice %arg7[%mul3A_155, %dma_start3A_160] : memref<12544x128xf32, #tpu.memory_space<vmem_shared>> -> memref<784x128xf32, #tpu.memory_space<vmem_shared>>
          tpu.enqueue_dma source(%dma_start3A_161 : memref<784x128xf32, #tpu.memory_space<vmem_shared>>) target(%dma_start3A_159 : memref<784x128xf32, #tpu.memory_space<hbm>>) target_semaphore(%run_scoped3A : memref<!tpu.dma_semaphore, #tpu.memory_space<semaphore_mem>>)
          %dma_wait3A_162 = arith.constant 0 : i32
          %dma_wait3A_163 = tpu.memref_slice %arg6[%add3A_157, %dma_wait3A_162] : memref<100000x128xf32, #tpu.memory_space<hbm>> -> memref<784x128xf32, #tpu.memory_space<hbm>>
          %dma_wait3A_164 = arith.constant 0 : i32
          %dma_wait3A_165 = tpu.memref_slice %arg7[%mul3A_155, %dma_wait3A_164] : memref<12544x128xf32, #tpu.memory_space<vmem_shared>> -> memref<784x128xf32, #tpu.memory_space<vmem_shared>>
          tpu.wait_dma2 semaphore(%run_scoped3A : memref<!tpu.dma_semaphore, #tpu.memory_space<semaphore_mem>>) src(%dma_wait3A_165 : memref<784x128xf32, #tpu.memory_space<vmem_shared>>) dst(%dma_wait3A_163 : memref<784x128xf32, #tpu.memory_space<hbm>>)
          tpu.yield
        }) : () -> ()
      } else {
      }
      %lt3A = arith.constant 784 : i32
      %lt3A_149 = arith.cmpi slt, %min3A, %lt3A : i32
      %convert_element_type3A_150 = arith.extui %lt3A_149 : i1 to i32
      %cond3A_151 = arith.constant 0 : i32
      %cond3A_152 = arith.cmpi ne, %convert_element_type3A_150, %cond3A_151 : i32
      scf.if %cond3A_152 {
        %scan3A_154 = arith.constant 0 : i32
        %scan3A_155 = arith.constant 0 : i32
        %scan3A_156 = arith.constant 49 : i32
        %scan3A_157 = arith.addi %scan3A_155, %scan3A_156 : i32
        %scan3A_158 = arith.constant 1 : i32
        %scan3A_159 = scf.for %scan3A_161 = %scan3A_155 to %scan3A_157 step %scan3A_158 iter_args(%scan3A_162 = %scan3A_154) -> (i32)  : i32 {
          %mul3A_163 = arith.constant 16 : i32
          %mul3A_164 = arith.muli %scan3A_161, %mul3A_163 : i32
          %lt3A_165 = arith.cmpi slt, %mul3A_164, %min3A : i32
          %convert_element_type3A_166 = arith.extui %lt3A_165 : i1 to i32
          %cond3A_167 = arith.constant 0 : i32
          %cond3A_168 = arith.cmpi ne, %convert_element_type3A_166, %cond3A_167 : i32
          scf.if %cond3A_168 {
            %mul3A_170 = arith.constant 784 : i32
            %mul3A_171 = arith.muli %arg1, %mul3A_170 : i32
            %mul3A_172 = arith.constant 16 : i32
            %mul3A_173 = arith.muli %scan3A_161, %mul3A_172 : i32
            %add3A_174 = arith.addi %mul3A_171, %mul3A_173 : i32
            %add3A_175 = arith.constant 50000 : i32
            %add3A_176 = arith.addi %add3A_175, %add3A_141 : i32
            %mul3A_177 = arith.constant 16 : i32
            %mul3A_178 = arith.muli %scan3A_161, %mul3A_177 : i32
            %add3A_179 = arith.addi %add3A_176, %mul3A_178 : i32
            "tpu.region"() ({
              %run_scoped3A = tpu.sem_alloc : memref<!tpu.dma_semaphore, #tpu.memory_space<semaphore_mem>>
              %dma_start3A_180 = arith.constant 0 : i32
              %dma_start3A_181 = tpu.memref_slice %arg6[%add3A_179, %dma_start3A_180] : memref<100000x128xf32, #tpu.memory_space<hbm>> -> memref<16x128xf32, #tpu.memory_space<hbm>>
              %dma_start3A_182 = arith.constant 0 : i32
              %dma_start3A_183 = tpu.memref_slice %arg7[%add3A_174, %dma_start3A_182] : memref<12544x128xf32, #tpu.memory_space<vmem_shared>> -> memref<16x128xf32, #tpu.memory_space<vmem_shared>>
              tpu.enqueue_dma source(%dma_start3A_183 : memref<16x128xf32, #tpu.memory_space<vmem_shared>>) target(%dma_start3A_181 : memref<16x128xf32, #tpu.memory_space<hbm>>) target_semaphore(%run_scoped3A : memref<!tpu.dma_semaphore, #tpu.memory_space<semaphore_mem>>)
              %dma_wait3A_184 = arith.constant 0 : i32
              %dma_wait3A_185 = tpu.memref_slice %arg6[%add3A_179, %dma_wait3A_184] : memref<100000x128xf32, #tpu.memory_space<hbm>> -> memref<16x128xf32, #tpu.memory_space<hbm>>
              %dma_wait3A_186 = arith.constant 0 : i32
              %dma_wait3A_187 = tpu.memref_slice %arg7[%add3A_174, %dma_wait3A_186] : memref<12544x128xf32, #tpu.memory_space<vmem_shared>> -> memref<16x128xf32, #tpu.memory_space<vmem_shared>>
              tpu.wait_dma2 semaphore(%run_scoped3A : memref<!tpu.dma_semaphore, #tpu.memory_space<semaphore_mem>>) src(%dma_wait3A_187 : memref<16x128xf32, #tpu.memory_space<vmem_shared>>) dst(%dma_wait3A_185 : memref<16x128xf32, #tpu.memory_space<hbm>>)
              tpu.yield
            }) : () -> ()
          } else {
          }
          %scan3A_169 = arith.constant 0 : i32
          scf.yield %scan3A_169 : i32
        }
        %scan3A_160 = arith.constant 49 : i32
      } else {
      }
      %scan3A_153 = arith.constant 0 : i32
      scf.yield %scan3A_153 : i32
    }
    %scan3A_15 = arith.constant 2 : i32
    return
  }
}

#map = affine_map<(d0, d1) -> (0, 0)>
#map1 = affine_map<(d0, d1) -> (0)>
module attributes {stable_mosaic.version = 14 : i64} {
  func.func @_weights_body(%arg0: i32, %arg1: i32, %arg2: memref<100000x128xf32, #tpu.memory_space<hbm>>, %arg3: memref<50000xf32, #tpu.memory_space<hbm>>, %arg4: memref<100000xf32, #tpu.memory_space<hbm>>, %arg5: memref<614400xi32, #tpu.memory_space<hbm>>, %arg6: memref<614400xi32, #tpu.memory_space<hbm>>, %arg7: memref<614400xf32, #tpu.memory_space<hbm>>, %arg8: memref<256xi32, #tpu.memory_space<vmem>>, %arg9: memref<256xi32, #tpu.memory_space<vmem>>, %arg10: memref<256xf32, #tpu.memory_space<vmem>>, %arg11: memref<256xf32, #tpu.memory_space<vmem>>, %arg12: memref<256xf32, #tpu.memory_space<vmem>>, %arg13: memref<256x128xf32, #tpu.memory_space<vmem>>, %arg14: memref<256x128xf32, #tpu.memory_space<vmem>>, %arg15: memref<256xf32, #tpu.memory_space<vmem>>, %arg16: memref<!tpu.dma_semaphore, #tpu.memory_space<semaphore_mem>>) attributes {dimension_semantics = [#tpu.dimension_semantics<core_parallel>, #tpu.dimension_semantics<subcore_parallel>], iteration_bounds = array<i64: 2, 16>, scalar_prefetch = 0 : i64, scratch_operands = 9 : i64, tpu.core_type = #tpu.core_type<sc_vector_subcore>, window_params = [{transform_indices = #map}, {transform_indices = #map1}, {transform_indices = #map1}, {transform_indices = #map1}, {transform_indices = #map1}, {transform_indices = #map1}]} {
    %mul3A = arith.constant 2 : i32
    %mul3A_0 = arith.muli %arg1, %mul3A : i32
    %add3A = arith.addi %mul3A_0, %arg0 : i32
    %mul3A_1 = arith.constant 19200 : i32
    %mul3A_2 = arith.muli %add3A, %mul3A_1 : i32
    %scan3A = arith.constant 0 : i32
    %scan3A_3 = arith.constant 0 : i32
    %scan3A_4 = arith.constant 75 : i32
    %scan3A_5 = arith.addi %scan3A_3, %scan3A_4 : i32
    %scan3A_6 = arith.constant 1 : i32
    %scan3A_7 = scf.for %scan3A_9 = %scan3A_3 to %scan3A_5 step %scan3A_6 iter_args(%scan3A_10 = %scan3A) -> (i32)  : i32 {
      %mul3A_11 = arith.constant 256 : i32
      %mul3A_12 = arith.muli %scan3A_9, %mul3A_11 : i32
      %add3A_13 = arith.addi %mul3A_2, %mul3A_12 : i32
      "tpu.region"() ({
        %run_scoped3A = tpu.sem_alloc : memref<!tpu.dma_semaphore, #tpu.memory_space<semaphore_mem>>
        %dma_start3A_51 = tpu.memref_slice %arg5[%add3A_13] : memref<614400xi32, #tpu.memory_space<hbm>> -> memref<256xi32, #tpu.memory_space<hbm>>
        %dma_start3A_52 = tpu.memref_slice %arg5[%add3A_13] : memref<614400xi32, #tpu.memory_space<hbm>> -> memref<256xi32, #tpu.memory_space<hbm>>
        tpu.enqueue_dma source(%dma_start3A_52 : memref<256xi32, #tpu.memory_space<hbm>>) target(%arg8 : memref<256xi32, #tpu.memory_space<vmem>>) target_semaphore(%run_scoped3A : memref<!tpu.dma_semaphore, #tpu.memory_space<semaphore_mem>>)
        %dma_wait3A_53 = tpu.memref_slice %arg5[%add3A_13] : memref<614400xi32, #tpu.memory_space<hbm>> -> memref<256xi32, #tpu.memory_space<hbm>>
        %dma_wait3A_54 = tpu.memref_slice %arg5[%add3A_13] : memref<614400xi32, #tpu.memory_space<hbm>> -> memref<256xi32, #tpu.memory_space<hbm>>
        tpu.wait_dma2 semaphore(%run_scoped3A : memref<!tpu.dma_semaphore, #tpu.memory_space<semaphore_mem>>) src(%dma_wait3A_54 : memref<256xi32, #tpu.memory_space<hbm>>) dst(%arg8 : memref<256xi32, #tpu.memory_space<vmem>>)
        tpu.yield
      }) : () -> ()
      "tpu.region"() ({
        %run_scoped3A = tpu.sem_alloc : memref<!tpu.dma_semaphore, #tpu.memory_space<semaphore_mem>>
        %dma_start3A_51 = tpu.memref_slice %arg6[%add3A_13] : memref<614400xi32, #tpu.memory_space<hbm>> -> memref<256xi32, #tpu.memory_space<hbm>>
        %dma_start3A_52 = tpu.memref_slice %arg6[%add3A_13] : memref<614400xi32, #tpu.memory_space<hbm>> -> memref<256xi32, #tpu.memory_space<hbm>>
        tpu.enqueue_dma source(%dma_start3A_52 : memref<256xi32, #tpu.memory_space<hbm>>) target(%arg9 : memref<256xi32, #tpu.memory_space<vmem>>) target_semaphore(%run_scoped3A : memref<!tpu.dma_semaphore, #tpu.memory_space<semaphore_mem>>)
        %dma_wait3A_53 = tpu.memref_slice %arg6[%add3A_13] : memref<614400xi32, #tpu.memory_space<hbm>> -> memref<256xi32, #tpu.memory_space<hbm>>
        %dma_wait3A_54 = tpu.memref_slice %arg6[%add3A_13] : memref<614400xi32, #tpu.memory_space<hbm>> -> memref<256xi32, #tpu.memory_space<hbm>>
        tpu.wait_dma2 semaphore(%run_scoped3A : memref<!tpu.dma_semaphore, #tpu.memory_space<semaphore_mem>>) src(%dma_wait3A_54 : memref<256xi32, #tpu.memory_space<hbm>>) dst(%arg9 : memref<256xi32, #tpu.memory_space<vmem>>)
        tpu.yield
      }) : () -> ()
      %scan3A_14 = arith.constant 0 : i32
      %scan3A_15 = arith.constant 0 : i32
      %scan3A_16 = arith.constant 16 : i32
      %scan3A_17 = arith.addi %scan3A_15, %scan3A_16 : i32
      %scan3A_18 = arith.constant 1 : i32
      %scan3A_19 = scf.for %scan3A_51 = %scan3A_15 to %scan3A_17 step %scan3A_18 iter_args(%scan3A_52 = %scan3A_14) -> (i32)  : i32 {
        %mul3A_53 = arith.constant 16 : i32
        %mul3A_54 = arith.muli %scan3A_51, %mul3A_53 : i32
        %get3A = arith.index_cast %mul3A_54 : i32 to index
        %get3A_55 = tpu.vector_load %arg9[%get3A] {strides = array<i32>} : memref<256xi32, #tpu.memory_space<vmem>>, vector<16xi32>,
        %add3A_56 = arith.constant 50000 : i32
        %add3A_57 = vector.broadcast %add3A_56 : i32 to vector<16xi32>
        %add3A_58 = arith.addi %get3A_55, %add3A_57 : vector<16xi32>
        %swap3A = arith.index_cast %mul3A_54 : i32 to index
        %swap3A_59 = tpu.vector_load %arg9[%swap3A] {strides = array<i32>} : memref<256xi32, #tpu.memory_space<vmem>>, vector<16xi32>,
        tpu.vector_store %arg9[%swap3A], %add3A_58 {strides = array<i32>} : memref<256xi32, #tpu.memory_space<vmem>>, vector<16xi32>,
        %scan3A_60 = arith.constant 0 : i32
        scf.yield %scan3A_60 : i32
      }
      %scan3A_20 = arith.constant 16 : i32
      %dma_start3A = arith.constant 0 : i32
      %dma_start3A_21 = arith.constant 0 : i32
      %dma_start3A_22 = tpu.memref_slice %arg2[%dma_start3A, %dma_start3A_21] : memref<100000x128xf32, #tpu.memory_space<hbm>> -> memref<100000x128xf32, #tpu.memory_space<hbm>>
      tpu.enqueue_indirect_dma source(%dma_start3A_22 : memref<100000x128xf32, #tpu.memory_space<hbm>>) target(%arg13 : memref<256x128xf32, #tpu.memory_space<vmem>>) offsets(%arg8 : memref<256xi32, #tpu.memory_space<vmem>>) semaphore(%arg16 : memref<!tpu.dma_semaphore, #tpu.memory_space<semaphore_mem>>)
      %dma_start3A_23 = arith.constant 0 : i32
      %dma_start3A_24 = arith.constant 0 : i32
      %dma_start3A_25 = tpu.memref_slice %arg2[%dma_start3A_23, %dma_start3A_24] : memref<100000x128xf32, #tpu.memory_space<hbm>> -> memref<100000x128xf32, #tpu.memory_space<hbm>>
      tpu.enqueue_indirect_dma source(%dma_start3A_25 : memref<100000x128xf32, #tpu.memory_space<hbm>>) target(%arg14 : memref<256x128xf32, #tpu.memory_space<vmem>>) offsets(%arg9 : memref<256xi32, #tpu.memory_space<vmem>>) semaphore(%arg16 : memref<!tpu.dma_semaphore, #tpu.memory_space<semaphore_mem>>)
      %dma_start3A_26 = arith.constant 0 : i32
      %dma_start3A_27 = tpu.memref_slice %arg3[%dma_start3A_26] : memref<50000xf32, #tpu.memory_space<hbm>> -> memref<50000xf32, #tpu.memory_space<hbm>>
      tpu.enqueue_indirect_dma source(%dma_start3A_27 : memref<50000xf32, #tpu.memory_space<hbm>>) target(%arg10 : memref<256xf32, #tpu.memory_space<vmem>>) offsets(%arg8 : memref<256xi32, #tpu.memory_space<vmem>>) semaphore(%arg16 : memref<!tpu.dma_semaphore, #tpu.memory_space<semaphore_mem>>)
      %dma_start3A_28 = arith.constant 0 : i32
      %dma_start3A_29 = tpu.memref_slice %arg4[%dma_start3A_28] : memref<100000xf32, #tpu.memory_space<hbm>> -> memref<100000xf32, #tpu.memory_space<hbm>>
      tpu.enqueue_indirect_dma source(%dma_start3A_29 : memref<100000xf32, #tpu.memory_space<hbm>>) target(%arg11 : memref<256xf32, #tpu.memory_space<vmem>>) offsets(%arg8 : memref<256xi32, #tpu.memory_space<vmem>>) semaphore(%arg16 : memref<!tpu.dma_semaphore, #tpu.memory_space<semaphore_mem>>)
      %dma_start3A_30 = arith.constant 0 : i32
      %dma_start3A_31 = tpu.memref_slice %arg4[%dma_start3A_30] : memref<100000xf32, #tpu.memory_space<hbm>> -> memref<100000xf32, #tpu.memory_space<hbm>>
      tpu.enqueue_indirect_dma source(%dma_start3A_31 : memref<100000xf32, #tpu.memory_space<hbm>>) target(%arg12 : memref<256xf32, #tpu.memory_space<vmem>>) offsets(%arg9 : memref<256xi32, #tpu.memory_space<vmem>>) semaphore(%arg16 : memref<!tpu.dma_semaphore, #tpu.memory_space<semaphore_mem>>)
      %dma_wait3A = arith.constant 0 : i32
      %dma_wait3A_32 = arith.constant 0 : i32
      %dma_wait3A_33 = tpu.memref_slice %arg2[%dma_wait3A, %dma_wait3A_32] : memref<100000x128xf32, #tpu.memory_space<hbm>> -> memref<100000x128xf32, #tpu.memory_space<hbm>>
      tpu.wait_indirect_dma semaphore(%arg16 : memref<!tpu.dma_semaphore, #tpu.memory_space<semaphore_mem>>) src(%dma_wait3A_33 : memref<100000x128xf32, #tpu.memory_space<hbm>>) dst(%arg13 : memref<256x128xf32, #tpu.memory_space<vmem>>)
      %dma_wait3A_34 = arith.constant 0 : i32
      %dma_wait3A_35 = arith.constant 0 : i32
      %dma_wait3A_36 = tpu.memref_slice %arg2[%dma_wait3A_34, %dma_wait3A_35] : memref<100000x128xf32, #tpu.memory_space<hbm>> -> memref<100000x128xf32, #tpu.memory_space<hbm>>
      tpu.wait_indirect_dma semaphore(%arg16 : memref<!tpu.dma_semaphore, #tpu.memory_space<semaphore_mem>>) src(%dma_wait3A_36 : memref<100000x128xf32, #tpu.memory_space<hbm>>) dst(%arg14 : memref<256x128xf32, #tpu.memory_space<vmem>>)
      %dma_wait3A_37 = arith.constant 0 : i32
      %dma_wait3A_38 = tpu.memref_slice %arg3[%dma_wait3A_37] : memref<50000xf32, #tpu.memory_space<hbm>> -> memref<50000xf32, #tpu.memory_space<hbm>>
      tpu.wait_indirect_dma semaphore(%arg16 : memref<!tpu.dma_semaphore, #tpu.memory_space<semaphore_mem>>) src(%dma_wait3A_38 : memref<50000xf32, #tpu.memory_space<hbm>>) dst(%arg10 : memref<256xf32, #tpu.memory_space<vmem>>)
      %dma_wait3A_39 = arith.constant 0 : i32
      %dma_wait3A_40 = tpu.memref_slice %arg4[%dma_wait3A_39] : memref<100000xf32, #tpu.memory_space<hbm>> -> memref<100000xf32, #tpu.memory_space<hbm>>
      tpu.wait_indirect_dma semaphore(%arg16 : memref<!tpu.dma_semaphore, #tpu.memory_space<semaphore_mem>>) src(%dma_wait3A_40 : memref<100000xf32, #tpu.memory_space<hbm>>) dst(%arg11 : memref<256xf32, #tpu.memory_space<vmem>>)
      %dma_wait3A_41 = arith.constant 0 : i32
      %dma_wait3A_42 = tpu.memref_slice %arg4[%dma_wait3A_41] : memref<100000xf32, #tpu.memory_space<hbm>> -> memref<100000xf32, #tpu.memory_space<hbm>>
      tpu.wait_indirect_dma semaphore(%arg16 : memref<!tpu.dma_semaphore, #tpu.memory_space<semaphore_mem>>) src(%dma_wait3A_42 : memref<100000xf32, #tpu.memory_space<hbm>>) dst(%arg12 : memref<256xf32, #tpu.memory_space<vmem>>)
      %iota3A = tpu.iota {dimensions = array<i32: 0>} : vector<16xi32>
      %scan3A_43 = arith.constant 0 : i32
      %scan3A_44 = arith.constant 0 : i32
      %scan3A_45 = arith.constant 16 : i32
      %scan3A_46 = arith.addi %scan3A_44, %scan3A_45 : i32
      %scan3A_47 = arith.constant 1 : i32
      %scan3A_48 = scf.for %scan3A_51 = %scan3A_44 to %scan3A_46 step %scan3A_47 iter_args(%scan3A_52 = %scan3A_43) -> (i32)  : i32 {
        %broadcast_in_dim3A = arith.constant 0.000000e+00 : f32
        %broadcast_in_dim3A_53 = vector.broadcast %broadcast_in_dim3A : f32 to vector<16xf32>
        %scan3A_54 = arith.constant 0 : i32
        %scan3A_55 = arith.constant 16 : i32
        %scan3A_56 = arith.addi %scan3A_54, %scan3A_55 : i32
        %scan3A_57 = arith.constant 1 : i32
        %scan3A_58 = scf.for %scan3A_81 = %scan3A_54 to %scan3A_56 step %scan3A_57 iter_args(%scan3A_82 = %broadcast_in_dim3A_53) -> (vector<16xf32>)  : i32 {
          %mul3A_83 = arith.constant 16 : i32
          %mul3A_84 = arith.muli %scan3A_51, %mul3A_83 : i32
          %add3A_85 = arith.addi %mul3A_84, %scan3A_81 : i32
          %get3A_86 = arith.index_cast %add3A_85 : i32 to index
          %get3A_87 = arith.constant 0 : index
          %get3A_88 = tpu.vector_load %arg13[%get3A_86, %get3A_87] {strides = array<i32>} : memref<256x128xf32, #tpu.memory_space<vmem>>, vector<16xf32>,
          %get3A_89 = arith.index_cast %add3A_85 : i32 to index
          %get3A_90 = arith.constant 0 : index
          %get3A_91 = tpu.vector_load %arg14[%get3A_89, %get3A_90] {strides = array<i32>} : memref<256x128xf32, #tpu.memory_space<vmem>>, vector<16xf32>,
          %mul3A_92 = arith.mulf %get3A_88, %get3A_91 : vector<16xf32>
          %get3A_93 = arith.index_cast %add3A_85 : i32 to index
          %get3A_94 = arith.constant 16 : index
          %get3A_95 = tpu.vector_load %arg13[%get3A_93, %get3A_94] {strides = array<i32>} : memref<256x128xf32, #tpu.memory_space<vmem>>, vector<16xf32>,
          %get3A_96 = arith.index_cast %add3A_85 : i32 to index
          %get3A_97 = arith.constant 16 : index
          %get3A_98 = tpu.vector_load %arg14[%get3A_96, %get3A_97] {strides = array<i32>} : memref<256x128xf32, #tpu.memory_space<vmem>>, vector<16xf32>,
          %mul3A_99 = arith.mulf %get3A_95, %get3A_98 : vector<16xf32>
          %add3A_100 = arith.addf %mul3A_92, %mul3A_99 : vector<16xf32>
          %get3A_101 = arith.index_cast %add3A_85 : i32 to index
          %get3A_102 = arith.constant 32 : index
          %get3A_103 = tpu.vector_load %arg13[%get3A_101, %get3A_102] {strides = array<i32>} : memref<256x128xf32, #tpu.memory_space<vmem>>, vector<16xf32>,
          %get3A_104 = arith.index_cast %add3A_85 : i32 to index
          %get3A_105 = arith.constant 32 : index
          %get3A_106 = tpu.vector_load %arg14[%get3A_104, %get3A_105] {strides = array<i32>} : memref<256x128xf32, #tpu.memory_space<vmem>>, vector<16xf32>,
          %mul3A_107 = arith.mulf %get3A_103, %get3A_106 : vector<16xf32>
          %add3A_108 = arith.addf %add3A_100, %mul3A_107 : vector<16xf32>
          %get3A_109 = arith.index_cast %add3A_85 : i32 to index
          %get3A_110 = arith.constant 48 : index
          %get3A_111 = tpu.vector_load %arg13[%get3A_109, %get3A_110] {strides = array<i32>} : memref<256x128xf32, #tpu.memory_space<vmem>>, vector<16xf32>,
          %get3A_112 = arith.index_cast %add3A_85 : i32 to index
          %get3A_113 = arith.constant 48 : index
          %get3A_114 = tpu.vector_load %arg14[%get3A_112, %get3A_113] {strides = array<i32>} : memref<256x128xf32, #tpu.memory_space<vmem>>, vector<16xf32>,
          %mul3A_115 = arith.mulf %get3A_111, %get3A_114 : vector<16xf32>
          %add3A_116 = arith.addf %add3A_108, %mul3A_115 : vector<16xf32>
          %get3A_117 = arith.index_cast %add3A_85 : i32 to index
          %get3A_118 = arith.constant 64 : index
          %get3A_119 = tpu.vector_load %arg13[%get3A_117, %get3A_118] {strides = array<i32>} : memref<256x128xf32, #tpu.memory_space<vmem>>, vector<16xf32>,
          %get3A_120 = arith.index_cast %add3A_85 : i32 to index
          %get3A_121 = arith.constant 64 : index
          %get3A_122 = tpu.vector_load %arg14[%get3A_120, %get3A_121] {strides = array<i32>} : memref<256x128xf32, #tpu.memory_space<vmem>>, vector<16xf32>,
          %mul3A_123 = arith.mulf %get3A_119, %get3A_122 : vector<16xf32>
          %add3A_124 = arith.addf %add3A_116, %mul3A_123 : vector<16xf32>
          %get3A_125 = arith.index_cast %add3A_85 : i32 to index
          %get3A_126 = arith.constant 80 : index
          %get3A_127 = tpu.vector_load %arg13[%get3A_125, %get3A_126] {strides = array<i32>} : memref<256x128xf32, #tpu.memory_space<vmem>>, vector<16xf32>,
          %get3A_128 = arith.index_cast %add3A_85 : i32 to index
          %get3A_129 = arith.constant 80 : index
          %get3A_130 = tpu.vector_load %arg14[%get3A_128, %get3A_129] {strides = array<i32>} : memref<256x128xf32, #tpu.memory_space<vmem>>, vector<16xf32>,
          %mul3A_131 = arith.mulf %get3A_127, %get3A_130 : vector<16xf32>
          %add3A_132 = arith.addf %add3A_124, %mul3A_131 : vector<16xf32>
          %get3A_133 = arith.index_cast %add3A_85 : i32 to index
          %get3A_134 = arith.constant 96 : index
          %get3A_135 = tpu.vector_load %arg13[%get3A_133, %get3A_134] {strides = array<i32>} : memref<256x128xf32, #tpu.memory_space<vmem>>, vector<16xf32>,
          %get3A_136 = arith.index_cast %add3A_85 : i32 to index
          %get3A_137 = arith.constant 96 : index
          %get3A_138 = tpu.vector_load %arg14[%get3A_136, %get3A_137] {strides = array<i32>} : memref<256x128xf32, #tpu.memory_space<vmem>>, vector<16xf32>,
          %mul3A_139 = arith.mulf %get3A_135, %get3A_138 : vector<16xf32>
          %add3A_140 = arith.addf %add3A_132, %mul3A_139 : vector<16xf32>
          %get3A_141 = arith.index_cast %add3A_85 : i32 to index
          %get3A_142 = arith.constant 112 : index
          %get3A_143 = tpu.vector_load %arg13[%get3A_141, %get3A_142] {strides = array<i32>} : memref<256x128xf32, #tpu.memory_space<vmem>>, vector<16xf32>,
          %get3A_144 = arith.index_cast %add3A_85 : i32 to index
          %get3A_145 = arith.constant 112 : index
          %get3A_146 = tpu.vector_load %arg14[%get3A_144, %get3A_145] {strides = array<i32>} : memref<256x128xf32, #tpu.memory_space<vmem>>, vector<16xf32>,
          %mul3A_147 = arith.mulf %get3A_143, %get3A_146 : vector<16xf32>
          %add3A_148 = arith.addf %add3A_140, %mul3A_147 : vector<16xf32>
          %eq3A = vector.broadcast %scan3A_81 : i32 to vector<16xi32>
          %eq3A_149 = arith.cmpi eq, %iota3A, %eq3A : vector<16xi32>
          %reduce_sum3A = arith.constant true
          %reduce_sum3A_150 = vector.broadcast %reduce_sum3A : i1 to vector<16xi1>
          %reduce_sum3A_151 = tpu.scan <sum>, %add3A_148 masked %reduce_sum3A_150 : vector<16xf32>, vector<16xi1> -> vector<16xf32>
          %reduce_sum3A_152 = vector.extract %reduce_sum3A_151[15] : f32 from vector<16xf32>
          %broadcast_in_dim3A_153 = vector.broadcast %reduce_sum3A_152 : f32 to vector<16xf32>
          %select_n3A = arith.select %eq3A_149, %broadcast_in_dim3A_153, %scan3A_82 : vector<16xi1>, vector<16xf32>
          scf.yield %select_n3A : vector<16xf32>
        }
        %scan3A_59 = arith.constant 16 : i32
        %mul3A_60 = arith.constant 16 : i32
        %mul3A_61 = arith.muli %scan3A_51, %mul3A_60 : i32
        %get3A = arith.index_cast %mul3A_61 : i32 to index
        %get3A_62 = tpu.vector_load %arg10[%get3A] {strides = array<i32>} : memref<256xf32, #tpu.memory_space<vmem>>, vector<16xf32>,
        %sub3A = arith.subf %scan3A_58, %get3A_62 : vector<16xf32>
        %exp3A = math.exp %sub3A : vector<16xf32>
        %mul3A_63 = arith.constant 4.000000e+00 : f32
        %mul3A_64 = vector.broadcast %mul3A_63 : f32 to vector<16xf32>
        %mul3A_65 = arith.mulf %mul3A_64, %exp3A : vector<16xf32>
        %add3A_66 = arith.constant 1.000000e+00 : f32
        %add3A_67 = vector.broadcast %add3A_66 : f32 to vector<16xf32>
        %add3A_68 = arith.addf %add3A_67, %exp3A : vector<16xf32>
        %add3A_69 = arith.constant 1.000000e+00 : f32
        %add3A_70 = vector.broadcast %add3A_69 : f32 to vector<16xf32>
        %add3A_71 = arith.addf %add3A_70, %exp3A : vector<16xf32>
        %mul3A_72 = arith.mulf %add3A_68, %add3A_71 : vector<16xf32>
        %div3A = arith.divf %mul3A_65, %mul3A_72 : vector<16xf32>
        %get3A_73 = arith.index_cast %mul3A_61 : i32 to index
        %get3A_74 = tpu.vector_load %arg11[%get3A_73] {strides = array<i32>} : memref<256xf32, #tpu.memory_space<vmem>>, vector<16xf32>,
        %mul3A_75 = arith.mulf %div3A, %get3A_74 : vector<16xf32>
        %get3A_76 = arith.index_cast %mul3A_61 : i32 to index
        %get3A_77 = tpu.vector_load %arg12[%get3A_76] {strides = array<i32>} : memref<256xf32, #tpu.memory_space<vmem>>, vector<16xf32>,
        %mul3A_78 = arith.mulf %mul3A_75, %get3A_77 : vector<16xf32>
        %swap3A = arith.index_cast %mul3A_61 : i32 to index
        %swap3A_79 = tpu.vector_load %arg15[%swap3A] {strides = array<i32>} : memref<256xf32, #tpu.memory_space<vmem>>, vector<16xf32>,
        tpu.vector_store %arg15[%swap3A], %mul3A_78 {strides = array<i32>} : memref<256xf32, #tpu.memory_space<vmem>>, vector<16xf32>,
        %scan3A_80 = arith.constant 0 : i32
        scf.yield %scan3A_80 : i32
      }
      %scan3A_49 = arith.constant 16 : i32
      "tpu.region"() ({
        %run_scoped3A = tpu.sem_alloc : memref<!tpu.dma_semaphore, #tpu.memory_space<semaphore_mem>>
        %dma_start3A_51 = tpu.memref_slice %arg7[%add3A_13] : memref<614400xf32, #tpu.memory_space<hbm>> -> memref<256xf32, #tpu.memory_space<hbm>>
        %dma_start3A_52 = tpu.memref_slice %arg7[%add3A_13] : memref<614400xf32, #tpu.memory_space<hbm>> -> memref<256xf32, #tpu.memory_space<hbm>>
        tpu.enqueue_dma source(%arg15 : memref<256xf32, #tpu.memory_space<vmem>>) target(%dma_start3A_52 : memref<256xf32, #tpu.memory_space<hbm>>) target_semaphore(%run_scoped3A : memref<!tpu.dma_semaphore, #tpu.memory_space<semaphore_mem>>)
        %dma_wait3A_53 = tpu.memref_slice %arg7[%add3A_13] : memref<614400xf32, #tpu.memory_space<hbm>> -> memref<256xf32, #tpu.memory_space<hbm>>
        %dma_wait3A_54 = tpu.memref_slice %arg7[%add3A_13] : memref<614400xf32, #tpu.memory_space<hbm>> -> memref<256xf32, #tpu.memory_space<hbm>>
        tpu.wait_dma2 semaphore(%run_scoped3A : memref<!tpu.dma_semaphore, #tpu.memory_space<semaphore_mem>>) src(%arg15 : memref<256xf32, #tpu.memory_space<vmem>>) dst(%dma_wait3A_54 : memref<256xf32, #tpu.memory_space<hbm>>)
        tpu.yield
      }) : () -> ()
      %scan3A_50 = arith.constant 0 : i32
      scf.yield %scan3A_50 : i32
    }
    %scan3A_8 = arith.constant 75 : i32
    return
  }
}

module attributes {stable_mosaic.version = 14 : i64} {
  func.func @_prep_body(%arg0: i32, %arg1: memref<1000x128xf32, #tpu.memory_space<vmem>>, %arg2: memref<8x128xf32, #tpu.memory_space<vmem>>, %arg3: memref<1000x128xf32, #tpu.memory_space<vmem>>, %arg4: memref<8x128xf32, #tpu.memory_space<vmem>>) attributes {dimension_semantics = [#tpu.dimension_semantics<arbitrary>], iteration_bounds = array<i64: 100>, scalar_prefetch = 0 : i64, scratch_operands = 0 : i64, tpu.core_type = #tpu.core_type<tc>, window_params = [{transform_indices = @transform_0, window_bounds = array<i64: 1000, 128>}, {transform_indices = @transform_1, window_bounds = array<i64: 8, 128>}, {transform_indices = @transform_2, window_bounds = array<i64: 1000, 128>}, {transform_indices = @transform_3, window_bounds = array<i64: 8, 128>}]} {
    %get3A = arith.constant 0 : index
    %get3A_0 = arith.constant 0 : index
    %get3A_1 = vector.load %arg1[%get3A, %get3A_0] : memref<1000x128xf32, #tpu.memory_space<vmem>>, vector<1000x128xf32>
    %mul3A = arith.mulf %get3A_1, %get3A_1 : vector<1000x128xf32>
    %reduce_sum3A = arith.constant dense<0.000000e+00> : vector<1000xf32>
    %reduce_sum3A_2 = vector.multi_reduction <add>, %mul3A, %reduce_sum3A [1] : vector<1000x128xf32> to vector<1000xf32>
    %broadcast_in_dim3A = vector.shape_cast %reduce_sum3A_2 : vector<1000xf32> to vector<1000x1xf32>
    %sqrt3A = math.sqrt %broadcast_in_dim3A : vector<1000x1xf32>
    %max3A = arith.constant 9.99999996E-13 : f32
    %max3A_3 = vector.broadcast %max3A : f32 to vector<1000x1xf32>
    %max3A_4 = arith.maximumf %sqrt3A, %max3A_3 : vector<1000x1xf32>
    %div3A = vector.broadcast %max3A_4 : vector<1000x1xf32> to vector<1000x128xf32>
    %div3A_5 = arith.divf %get3A_1, %div3A : vector<1000x128xf32>
    %swap3A = arith.constant 0 : index
    %swap3A_6 = arith.constant 0 : index
    %swap3A_7 = vector.load %arg3[%swap3A, %swap3A_6] : memref<1000x128xf32, #tpu.memory_space<vmem>>, vector<1000x128xf32>
    tpu.vector_store %arg3[%swap3A, %swap3A_6], %div3A_5 {strides = array<i32>} : memref<1000x128xf32, #tpu.memory_space<vmem>>, vector<1000x128xf32>,
    %get3A_8 = arith.constant 0 : index
    %get3A_9 = arith.constant 0 : index
    %get3A_10 = vector.load %arg2[%get3A_8, %get3A_9] : memref<8x128xf32, #tpu.memory_space<vmem>>, vector<8x128xf32>
    %sqrt3A_11 = math.sqrt %get3A_10 : vector<8x128xf32>
    %div3A_12 = arith.constant 1.000000e+00 : f32
    %div3A_13 = vector.broadcast %div3A_12 : f32 to vector<8x128xf32>
    %div3A_14 = arith.divf %div3A_13, %sqrt3A_11 : vector<8x128xf32>
    %swap3A_15 = arith.constant 0 : index
    %swap3A_16 = arith.constant 0 : index
    %swap3A_17 = vector.load %arg4[%swap3A_15, %swap3A_16] : memref<8x128xf32, #tpu.memory_space<vmem>>, vector<8x128xf32>
    tpu.vector_store %arg4[%swap3A_15, %swap3A_16], %div3A_14 {strides = array<i32>} : memref<8x128xf32, #tpu.memory_space<vmem>>, vector<8x128xf32>,
    return
  }
  func.func @transform_0(%arg0: i32) -> (i32, i32) {
    %c0_i32 = arith.constant 0 : i32
    %c0_i32_0 = arith.constant 0 : i32
    return %arg0, %c0_i32 : i32, i32
  }
  func.func @transform_1(%arg0: i32) -> (i32, i32) {
    %c0_i32 = arith.constant 0 : i32
    %c0_i32_0 = arith.constant 0 : i32
    return %arg0, %c0_i32 : i32, i32
  }
  func.func @transform_2(%arg0: i32) -> (i32, i32) {
    %c0_i32 = arith.constant 0 : i32
    %c0_i32_0 = arith.constant 0 : i32
    return %arg0, %c0_i32 : i32, i32
  }
  func.func @transform_3(%arg0: i32) -> (i32, i32) {
    %c0_i32 = arith.constant 0 : i32
    %c0_i32_0 = arith.constant 0 : i32
    return %arg0, %c0_i32 : i32, i32
  }
}

</mosaic_0001>

<sc_bundles>
// kernel: kernel.5.cloned.1.call-start
scs
__scs_entry_jumppad:
0x0: {  	(pc) =	sbr.rel $0x88, $3  }
0x1: {  	(tag) =	ssettag $0x0;
	lr =	simm.s32 $0x1  }
0x2: {  	[smem:$0x3F9B] =	sst lr;
	_ =	strace $0xD0000000  }
0x3: {  	_ = 	snop  }
0x4: {  	_ = 	snop  }
0x5: {  	_ = 	snop  }
0x6: {  	_ = 	snop  }
0x7: {  	_ = 	snop  }
__scs_overlays_trampoline_lowered:
0x8: {  	[smem:$0x3FAA] =	sst s0  }
0x9: {  	[smem:$0x3FAB] =	sst s1  }
0xa: {  	[smem:$0x3FAC] =	sst s2  }
0xb: {  	[smem:$0x3FAD] =	sst s3  }
0xc: {  	[smem:$0x3FAE] =	sst s4  }
0xd: {  	[smem:$0x3FAF] =	sst s5  }
0xe: {  	[smem:$0x3FB0] =	sst s6  }
0xf: {  	[smem:$0x3FB1] =	sst s7  }
0x10: {  	[smem:$0x3FB2] =	sst s8  }
0x11: {  	[smem:$0x3FB3] =	sst s9;
	s0 =	simm.s32 @!p0 $0x0  }
0x12: {  	s1 =	sld [smem:$0x3F99];
	s0 =	simm.s32 @p0 $0x1  }
0x13: {  	[smem:$0x3FB4] =	sst s0;
	s0 =	simm.s32 @!p1 $0x0  }
0x14: {  	s2 =	sld [smem:$0x3F98];
	s0 =	simm.s32 @p1 $0x1  }
0x15: {  	[smem:$0x3FB5] =	sst s0;
	s0 =	simm.s32 @!p2 $0x0  }
0x16: {  	s3 =	sld [smem:$0x3FDB];
	s0 =	simm.s32 @p2 $0x1  }
0x17: {  	s4 =	simm.s32 $0x1BF5;
	[smem:$0x3FB7] =	sst s0  }
0x18: {  	s0 =	sld [smem:$0x3F9A];
	_ =	swait.ge [sflag:s4], $0x0  }
0x19: {  	s7 =	sld [smem:$0x3F9B]  }
0x1a: {  	s8 =	sadd.s32 $0xFFFFE003, lr  }
0x1b: {  	s9 =	sadd.s32 $0xFFFFFEF7, lr;
	s5 =	simm.s32 $0xFFFFFFFF;
	p2 =	slt.u32 s8, $0xFFFFF086  }
0x1c: {  	p1 =	slt.u32 s9, $0xF7A;
	s5 =	simm.s32 @!p2 $0x0  }
0x1d: {  	s5 =	simm.s32 @p1 $0x1;
	p0 =	seq.s32 s7, s2  }
0x1e: {  	s7 =	smul.u32 @!p0 $0xF7A, s2;
	p2 =	seq.s32 @!p0 s5, $0x0  }
0x1f: {  	s9 =	smul.u32 $0xF7A, s1;
	s8 =	simm.s32 @!p0 $0x1BF5;
	p2 =	por !p2, p0  }
0x20: {  	[sflag:s8] =	ssyncset.s32 @!p0 $0xFFFFF086;
	s6 =	sadd.s32 @!p0 s3, s7;
	s7 =	simm.s32 @!p0 $0x108  }
0x21: {  	s3 =	sadd.s32 s3, s9;
	s6 =	sadd.s32 @!p0 $0x88, s6;
	s7 =	simm.s32 @p2 $0x1082  }
0x22: {  	[simem:s7], [sflag:s8] =	dma.local @!p0 [hbm:s6], $0xF7A  }
0x23: {  	s9 =	sor.u32 $0xD0000000, s2;
	s6 =	simm.s32 $0x108;
	_ =	swait.ge @!p0 [sflag:s8], $0x0  }
0x24: {  	s3 =	sadd.s32 $0x88, s3;
	s6 =	simm.s32 @!p1 $0x1082;
	[sflag:s4] =	ssyncset.s32 $0xFFFFF086  }
0x25: {  	[simem:s6], [sflag:s4] =	dma.local [hbm:s3], $0xF7A  }
0x26: {  	[smem:$0x3F9B] =	sst s1;
	(tag) =	ssettag s2;
	_ =	strace s9  }
0x27: {  	s1 =	sld [smem:$0x3FAB]  }
0x28: {  	s2 =	sld [smem:$0x3FAC]  }
0x29: {  	s4 =	sld [smem:$0x3FAE]  }
0x2a: {  	p0 =	seq.s32 s5, $0x0;
	s5 =	sld [smem:$0x3FAF]  }
0x2b: {  	s6 =	sld [smem:$0x3FB0]  }
0x2c: {  	s7 =	sld [smem:$0x3FB1]  }
0x2d: {  	s3 =	simm.s32 $0x108;
	s8 =	sld [smem:$0x3FB2]  }
0x2e: {  	s3 =	simm.s32 @!p0 $0x1082;
	s9 =	sld [smem:$0x3FB3]  }
0x2f: {  	lr =	sadd.s32 s0, s3;
	s0 =	sld [smem:$0x3FAA]  }
0x30: {  	s3 =	sld [smem:$0x3FAD]  }
0x31: {  	[smem:$0x3FB6] =	sst s10  }
0x32: {  	s10 =	sld [smem:$0x3FB4];
	_ =	sdelay $0x3  }
0x33: {  	p0 =	seq.s32 s10, $0x1;
	s10 =	sld [smem:$0x3FB6];
	_ =	sdelay $0x3  }
0x34: {  	[smem:$0x3FB6] =	sst s10  }
0x35: {  	s10 =	sld [smem:$0x3FB5];
	_ =	sdelay $0x3  }
0x36: {  	p1 =	seq.s32 s10, $0x1;
	s10 =	sld [smem:$0x3FB6];
	_ =	sdelay $0x3  }
0x37: {  	[smem:$0x3FB6] =	sst s10  }
0x38: {  	s10 =	sld [smem:$0x3FB7]  }
0x39: {  	_ = 	snop;
	(pc) =	sbr.ind lr, $3  }
0x3a: {  	_ = 	snop  }
0x3b: {  	_ = 	snop  }
0x3c: {  	p2 =	seq.s32 s10, $0x1;
	s10 =	sld [smem:$0x3FB6]  }
0x3d: {  	_ =	shalt  }
0x3e: {  	_ =	shalt  }
0x3f: {  	_ =	shalt  }
0x40: {  	_ =	shalt  }
0x41: {  	_ =	shalt  }
0x42: {  	_ =	shalt  }
0x43: {  	_ =	shalt  }
0x44: {  	_ =	shalt  }
0x45: {  	_ =	shalt  }
0x46: {  	_ =	shalt  }
0x47: {  	_ =	shalt  }
0x48: {  	_ =	shalt  }
0x49: {  	_ =	shalt  }
0x4a: {  	_ =	shalt  }
0x4b: {  	_ =	shalt  }
0x4c: {  	_ =	shalt  }
0x4d: {  	_ =	shalt  }
0x4e: {  	_ =	shalt  }
0x4f: {  	_ =	shalt  }
0x50: {  	_ =	shalt  }
0x51: {  	_ =	shalt  }
0x52: {  	_ =	shalt  }
0x53: {  	_ =	shalt  }
0x54: {  	_ =	shalt  }
0x55: {  	_ =	shalt  }
0x56: {  	_ =	shalt  }
0x57: {  	_ =	shalt  }
0x58: {  	_ =	shalt  }
0x59: {  	_ =	shalt  }
0x5a: {  	_ =	shalt  }
0x5b: {  	_ =	shalt  }
0x5c: {  	_ =	shalt  }
0x5d: {  	_ =	shalt  }
0x5e: {  	_ =	shalt  }
0x5f: {  	_ =	shalt  }
0x60: {  	_ =	shalt  }
0x61: {  	_ =	shalt  }
0x62: {  	_ =	shalt  }
0x63: {  	_ =	shalt  }
0x64: {  	_ =	shalt  }
0x65: {  	_ =	shalt  }
0x66: {  	_ =	shalt  }
0x67: {  	_ =	shalt  }
0x68: {  	_ =	shalt  }
0x69: {  	_ =	shalt  }
0x6a: {  	_ =	shalt  }
0x6b: {  	_ =	shalt  }
0x6c: {  	_ =	shalt  }
0x6d: {  	_ =	shalt  }
0x6e: {  	_ =	shalt  }
0x6f: {  	_ =	shalt  }
0x70: {  	_ =	shalt  }
0x71: {  	_ =	shalt  }
0x72: {  	_ =	shalt  }
0x73: {  	_ =	shalt  }
0x74: {  	_ =	shalt  }
0x75: {  	_ =	shalt  }
0x76: {  	_ =	shalt  }
0x77: {  	_ =	shalt  }
0x78: {  	_ =	shalt  }
0x79: {  	_ =	shalt  }
0x7a: {  	_ =	shalt  }
0x7b: {  	_ =	shalt  }
0x7c: {  	_ =	shalt  }
0x7d: {  	_ =	shalt  }
0x7e: {  	_ =	shalt  }
0x7f: {  	_ =	shalt  }
0x80: {  	_ =	shalt  }
0x81: {  	_ =	shalt  }
0x82: {  	_ =	shalt  }
0x83: {  	_ =	shalt  }
0x84: {  	_ =	shalt  }
0x85: {  	_ =	shalt  }
0x86: {  	_ =	shalt  }
0x87: {  	_ =	shalt  }
.Lfunc_end0:
.L_simem_size_0:
called_computation_lowered:
.L_overlay_start_0:
0x88: {  	s2 =	sld [smem:$0x3FD9]  }
0x89: {  	s3 =	sld [smem:$0x3FFE];
	_ =	sdelay $0x1  }
0x8a: {  	s1 =	srdreg.scid  }
0x8b: {  	s0 =	sand.u32 $0x1, s1  }
0x8c: {  	s17 =	sshll.u32 s0, $0xA;
	s2 =	sadd.s32 s3, s2  }
0x8d: {  	s2 =	sadd.s32 s2, s17  }
0x8e: {  	[smem:$0x3FC2] =	sst s2  }
0x8f: {  	_ = 	snop  }
0x90: {  	s2 =	sld [smem:$0x3FC8]  }
0x91: {  	s18 =	sld [smem:$0x3FD0];
	(tm) =	ssettm $0x1  }
0x92: {  	s4 =	sld [smem:$0x3FFB];
	_ =	sdelay $0x3  }
0x93: {  	_ =	strace s4  }
0x94: {  	s4 =	sld [smem:$0x3FFC];
	_ =	sdelay $0x3  }
0x95: {  	_ =	strace s4  }
0x96: {  	s4 =	sld [smem:$0x3FFD];
	_ =	sdelay $0x3  }
0x97: {  	_ =	strace s4  }
0x98: {  	_ =	strace $0x8FFFFFFF  }
0x99: {  	s19 =	sld [smem:$0x3FDB];
	_ =	sdelay $0x1  }
0x9a: {  	s5 =	simm.s32 $_scs_section_size  }
0x9b: {  	s6 =	simm.s32 $_size__tile_overlayer_lowered;
	s7 =	simm.s32 $_tile_overlayer_lowered  }
0x9c: {  	s22 =	simm.s32 $0x1BFF;
	s21 =	sshll.u32 s7, $0x1;
	s4 =	sadd.s32 s5, s19  }
0x9d: {  	s8 =	simm.s32 $0x0;
	s20 =	sshll.u32 s6, $0x1;
	s6 =	sadd.s32 s21, s4  }
0x9e: {  	[timem:s8], [sflag:s22] =	dma.local [hbm:s6], s20  }
0x9f: {  	_ =	swait.ge [sflag:s22], s20  }
0xa0: {  	s5 =	ssub.s32 $0x0, s20;
	[sflag:s22] =	ssyncset.done $0x0  }
0xa1: {  	[sflag:s22] =	ssyncadd.s32 s5;
	_ =	sdelay $0x1  }
0xa2: {  	s23 =	simm.s32 $0x1B8B  }
0xa3: {  	_ =	swait.ge [sflag:s23], $0x1  }
0xa4: {  	[sflag:s23] =	ssyncset.done $0x0  }
0xa5: {  	s25 =	simm.s32 $0x1B8E;
	s24 =	sld [smem:$0x3FFE];
	[sflag:s23] =	ssyncadd.s32 $0xFFFFFFFF  }
0xa6: {  	s26 =	simm.s32 $execute0_lowered;
	[smem:$0x3FD2] =	sst s25  }
0xa7: {  	s6 =	sshll.u32 s26, $0x1;
	_ =	strace $0x80000046;
	[dreg:$0x1] =	wrdreg $0xFFFFFFFF  }
0xa8: {  	s28 =	simm.s32 $_size_execute0_lowered;
	s4 =	sadd.s32 s4, s6;
	[dreg:$0x0] =	wrdreg $0x0  }
0xa9: {  	s6 =	sshll.u32 s28, $0x1;
	[dreg:$0x2] =	wrdreg s4  }
0xaa: {  	[dreg:$0x3] =	wrdreg s6  }
0xab: {  	[dreg:$0x4] =	wrdreg $0xC0  }
0xac: {  	_ =	task [dreg:s8], $0x5FFFF  }
0xad: {  	[dreg:$0x1] =	wrdreg $0xFFFFFFFF  }
0xae: {  	[dreg:$0x0] =	wrdreg $0x60  }
0xaf: {  	[dreg:$0x2] =	wrdreg s18  }
0xb0: {  	[dreg:$0x3] =	wrdreg s2  }
0xb1: {  	[dreg:$0x4] =	wrdreg s24  }
0xb2: {  	[dreg:$0x5] =	wrdreg $0x9  }
0xb3: {  	_ =	task.clear_ibuf [dreg:s8], $0x6FFFF;
	_ =	strace $0x90000046  }
0xb4: {  	s29 =	simm.s32 $0x9;
	_ =	strace $0x80000048  }
0xb5: {  	_ =	swait.ge [sflag:s29], $0x1  }
0xb6: {  	[sflag:s29] =	ssyncadd.s32 $0xFFFFFFFF  }
0xb7: {  	_ =	strace $0x90000048  }
0xb8: {  	_ =	sfence  }
0xb9: {  	s30 =	sld [smem:$0x0];
	_ =	sdelay $0x2  }
0xba: {  	s31 =	sshll.u32 s1, $0xD;
	s1 =	sshrl.u32 s1, $0x2  }
0xbb: {  	s3 =	sand.u32 $0x4000, s31;
	s1 =	sadd.s32 s1, s30  }
0xbc: {  	s0 =	sor.u32 s3, s0;
	s1 =	sshll.u32 s1, $0x11  }
0xbd: {  	s0 =	sor.u32 s1, s0  }
0xbe: {  	s0 =	sadd.s32 $0x8F2B, s0  }
0xbf: {  	[sflag:s0] =	ssyncadd.remote.s32 $0x1  }
0xc0: {  	_ =	sfence.sel $0xFFFF  }
0xc1: {  	[dreg:$0x0] =	wrdreg $0xFFFFFFFF;
	(pc) =	sbr.abs _section_cstart, $3  }
0xc2: {  	[dreg:$0x1] =	wrdreg $0xFFFFFFFF  }
0xc3: {  	_ =	task.clear_ibuf [dreg:s8], $0x2FFFF;
	_ =	strace $0x9FFFFFFF  }
0xc4: {  	(tm) =	ssettm $0x7FFFFFFF  }
0xc5: {  	_ =	shalt  }
tec
execute0_lowered:
.L_overlay_start_1:
0x0: {  	(tag) =	ssettag $0x1  }
0x1: {  	s1 =	rddreg [dreg:$0x0]  }
0x2: {  	s2 =	rddreg [dreg:$0x1]  }
0x3: {  	s0 =	rddreg [dreg:$0x2];
	s3 =	simm.s32 $0x0  }
0x4: {  	s4 =	srdreg.scid;
	s13 =	simm.s32 $0x500;
	s14 =	simm.s32 $0x8500  }
0x5: {  	s15 =	simm.s32 $0x200;
	s16 =	simm.s32 $0x300;
	s17 =	simm.s32 $0x400  }
0x6: {  	s18 =	simm.s32 $0x1;
	s19 =	simm.s32 $0x10500;
	s20 =	simm.s32 $0x0  }
0x7: {  	s23 =	simm.s32 $0x0;
	[smem:$0x7FF] =	sst s3;
	s5 =	sadd.s32 $0x26800, s0  }
0x8: {  	s9 =	sand.u32 $0x1, s4;
	s6 =	sadd.s32 $0x1000, s0;
	s4 =	stileid.u32  }
0x9: {  	s7 =	sadd.s32 $0x13C00, s0;
	s8 =	sadd.s32 $0x29A00, s0;
	s10 =	ssub.s32 $0x2, s9  }
0xa: {  	_ =	strace $0x80000047;
	s12 =	sshll.u32 s4, $0x1;
	s11 =	sshrl.u32 s10, $0x1  }
0xb: {  	s9 =	sor.u32 s9, s12;
	s12 =	simm.s32 $0x100;
	s31 =	ssub.s32 s10, s11  }
0xc: {  	v0 =	vlaneseq.u32;
	s9 =	smul.u32 $0x4B00, s9;
	s11 =	simm.s32 $0x2;
	s10 =	smax.u32 s31, $0x1  }
.LBB2_1:
0xd: {  	s21 =	simm.s32 $0x0  }
.LBB2_2:
0xe: {  	s0 =	sshll.u32 s21, $0x8  }
0xf: {  	s0 =	sadd.s32 s9, s0  }
0x10: {  	s22 =	sshrl.u32 s0, $0x3  }
0x11: {  	s0 =	sadd.s32 s6, s22  }
0x12: {  	[tilespmem:s23], [sflag:$0x2] =	stream.linear.gather [hbm4b:s0+s23], $0x100, $0x38;
	[tilespmem:$0x10600] =	vst v63  }
0x13: {  	_ =	swait.ge [sflag:s11], $0x100  }
0x14: {  	[sflag:s11] =	ssyncset.done $0x0  }
0x15: {  	s31 =	sadd.s32 s7, s22;
	[sflag:s11] =	ssyncadd.s32 $0xFFFFFF00  }
0x16: {  	[tilespmem:s12], [sflag:$0x2] =	stream.linear.gather [hbm4b:s31+s23], $0x100, $0x38;
	[tilespmem:$0x10600] =	vst v63  }
0x17: {  	_ =	swait.ge [sflag:s11], $0x100  }
0x18: {  	[sflag:s11] =	ssyncset.done $0x0  }
0x19: {  	[sflag:s11] =	ssyncadd.s32 $0xFFFFFF00  }
0x1a: {  	v1 =	vld [tilespmem:$0x100]  }
0x1b: {  	v2 =	vld [tilespmem:$0x110]  }
0x1c: {  	v3 =	vld [tilespmem:$0x120]  }
0x1d: {  	v4 =	vld [tilespmem:$0x130]  }
0x1e: {  	v5 =	vld [tilespmem:$0x140]  }
0x1f: {  	v6 =	vld [tilespmem:$0x150];
	v1 =	vadd.s32 $0xC350, v1  }
0x20: {  	[tilespmem:$0x100] =	vst v1;
	v1 =	vadd.s32 $0xC350, v2;
	v2 =	vld [tilespmem:$0x160]  }
0x21: {  	[tilespmem:$0x110] =	vst v1;
	v1 =	vadd.s32 $0xC350, v3;
	v3 =	vld [tilespmem:$0x170]  }
0x22: {  	v58 =	vld [tilespmem:$0x180];
	[tilespmem:$0x120] =	vst v1;
	v1 =	vadd.s32 $0xC350, v4  }
0x23: {  	v59 =	vld [tilespmem:$0x190];
	[tilespmem:$0x130] =	vst v1;
	v1 =	vadd.s32 $0xC350, v5  }
0x24: {  	v60 =	vld [tilespmem:$0x1A0];
	[tilespmem:$0x140] =	vst v1;
	v1 =	vadd.s32 $0xC350, v6  }
0x25: {  	[tilespmem:$0x150] =	vst v1;
	v1 =	vadd.s32 $0xC350, v2;
	v2 =	vld [tilespmem:$0x1B0]  }
0x26: {  	[tilespmem:$0x160] =	vst v1;
	v1 =	vadd.s32 $0xC350, v3;
	v3 =	vld [tilespmem:$0x1C0]  }
0x27: {  	v61 =	vld [tilespmem:$0x1D0];
	[tilespmem:$0x170] =	vst v1;
	v1 =	vadd.s32 $0xC350, v58  }
0x28: {  	v62 =	vld [tilespmem:$0x1E0];
	[tilespmem:$0x180] =	vst v1;
	v1 =	vadd.s32 $0xC350, v59  }
0x29: {  	v63 =	vld [tilespmem:$0x1F0];
	[tilespmem:$0x190] =	vst v1;
	v1 =	vadd.s32 $0xC350, v60  }
0x2a: {  	[tilespmem:$0x1A0] =	vst v1;
	v1 =	vadd.s32 $0xC350, v2  }
0x2b: {  	[tilespmem:$0x1B0] =	vst v1;
	v1 =	vadd.s32 $0xC350, v3  }
0x2c: {  	[tilespmem:$0x1C0] =	vst v1;
	v1 =	vadd.s32 $0xC350, v61  }
0x2d: {  	[tilespmem:$0x1D0] =	vst v1;
	v1 =	vadd.s32 $0xC350, v62  }
0x2e: {  	[tilespmem:$0x1E0] =	vst v1;
	v1 =	vadd.s32 $0xC350, v63  }
0x2f: {  	[tilespmem:$0x1F0] =	vst v1  }
0x30: {  	[tilespmem:s13], [sflag:$0x1] =	stream.indirect.gather [hbm4b:s1+s12], $0x80, s23, s12, $0xb8;
	[tilespmem:$0x10600] =	vst v63  }
0x31: {  	_ = 	snop  }
0x32: {  	[tilespmem:s14], [sflag:$0x1] =	stream.indirect.gather [hbm4b:s1+s12], $0x80, s12, s12, $0xb8;
	[tilespmem:$0x10600] =	vst v63  }
0x33: {  	_ = 	snop  }
0x34: {  	[tilespmem:s15], [sflag:$0x1] =	stream.indirect.gather [hbm4b:s2+s12], $0x1, s23, s12, $0xb8;
	[tilespmem:$0x10600] =	vst v63  }
0x35: {  	_ = 	snop  }
0x36: {  	[tilespmem:s16], [sflag:$0x1] =	stream.indirect.gather [hbm4b:s5+s12], $0x1, s23, s12, $0xb8;
	[tilespmem:$0x10600] =	vst v63  }
0x37: {  	_ = 	snop  }
0x38: {  	[tilespmem:s17], [sflag:$0x1] =	stream.indirect.gather [hbm4b:s5+s12], $0x1, s12, s12, $0xb8;
	[tilespmem:$0x10600] =	vst v63  }
0x39: {  	_ =	swait.ge [sflag:s18], $0x8000  }
0x3a: {  	[sflag:s18] =	ssyncset.done $0x0  }
0x3b: {  	[sflag:s18] =	ssyncadd.s32 $0xFFFF8000  }
0x3c: {  	_ =	swait.ge [sflag:s18], $0x8000  }
0x3d: {  	[sflag:s18] =	ssyncset.done $0x0  }
0x3e: {  	[sflag:s18] =	ssyncadd.s32 $0xFFFF8000  }
0x3f: {  	_ =	swait.ge [sflag:s18], $0x100  }
0x40: {  	[sflag:s18] =	ssyncset.done $0x0  }
0x41: {  	[sflag:s18] =	ssyncadd.s32 $0xFFFFFF00  }
0x42: {  	_ =	swait.ge [sflag:s18], $0x100  }
0x43: {  	[sflag:s18] =	ssyncset.done $0x0  }
0x44: {  	[sflag:s18] =	ssyncadd.s32 $0xFFFFFF00  }
0x45: {  	_ =	swait.ge [sflag:s18], $0x100  }
0x46: {  	s24 =	simm.s32 $0x540;
	[sflag:s18] =	ssyncset.done $0x0  }
0x47: {  	s25 =	simm.s32 $0x8540;
	s26 =	simm.s32 $0x0;
	[sflag:s18] =	ssyncadd.s32 $0xFFFFFF00  }
.LBB2_3:
0x48: {  	v1 =	vld [tilespmem:s24+$0xFFFFFFC0]  }
0x49: {  	v2 =	vld [tilespmem:s25+$0xFFFFFFC0]  }
0x4a: {  	v3 =	vld [tilespmem:s24+$0xFFFFFFD0]  }
0x4b: {  	v4 =	vld [tilespmem:s25+$0xFFFFFFD0]  }
0x4c: {  	v5 =	vld [tilespmem:s24+$0xFFFFFFE0]  }
0x4d: {  	v6 =	vld [tilespmem:s25+$0xFFFFFFE0]  }
0x4e: {  	v7 =	vld [tilespmem:s24+$0xFFFFFFF0]  }
0x4f: {  	v8 =	vld [tilespmem:s25+$0xFFFFFFF0]  }
0x50: {  	v1 =	vmul.f32 v2, v1;
	v2 =	vmul.f32 v4, v3;
	v3 =	vld [tilespmem:s24+$0x0]  }
0x51: {  	v4 =	vld [tilespmem:s25+$0x0]  }
0x52: {  	v1 =	vadd.f32 v2, v1;
	v2 =	vmul.f32 v6, v5;
	v5 =	vld [tilespmem:s24+$0x10]  }
0x53: {  	v6 =	vld [tilespmem:s25+$0x10]  }
0x54: {  	v1 =	vadd.f32 v2, v1;
	v2 =	vmul.f32 v8, v7;
	v7 =	vld [tilespmem:s24+$0x20]  }
0x55: {  	v8 =	vld [tilespmem:s25+$0x20]  }
0x56: {  	v1 =	vadd.f32 v2, v1;
	v2 =	vmul.f32 v4, v3;
	v3 =	vld [tilespmem:s24+$0x30]  }
0x57: {  	s0 =	sadd.s32 $0x80, s24;
	v4 =	vld [tilespmem:s25+$0x30]  }
0x58: {  	s28 =	sadd.s32 $0x80, s25;
	v9 =	vld [tilespmem:s0+$0xFFFFFFC0];
	v1 =	vadd.f32 v2, v1;
	v2 =	vmul.f32 v6, v5  }
0x59: {  	v5 =	vld [tilespmem:s28+$0xFFFFFFC0]  }
0x5a: {  	v6 =	vld [tilespmem:s0+$0xFFFFFFD0];
	v1 =	vadd.f32 v2, v1;
	v2 =	vmul.f32 v8, v7  }
0x5b: {  	v7 =	vld [tilespmem:s28+$0xFFFFFFD0]  }
0x5c: {  	v8 =	vld [tilespmem:s0+$0xFFFFFFE0];
	v1 =	vadd.f32 v2, v1;
	v2 =	vmul.f32 v4, v3  }
0x5d: {  	v3 =	vld [tilespmem:s28+$0xFFFFFFE0]  }
0x5e: {  	v4 =	vld [tilespmem:s0+$0xFFFFFFF0];
	v1 =	vadd.f32 v2, v1  }
0x5f: {  	v2 =	vld [tilespmem:s28+$0xFFFFFFF0]  }
0x60: {  	v5 =	vmul.f32 v5, v9;
	v6 =	vmul.f32 v7, v6;
	v7 =	vld [tilespmem:s0+$0x0];
	(xrf2) =	vadd.scan.msk.f32 $0xffff, v1  }
0x61: {  	v1 =	vld [tilespmem:s28+$0x0]  }
0x62: {  	v5 =	vadd.f32 v6, v5;
	v3 =	vmul.f32 v3, v8;
	v6 =	vld [tilespmem:s0+$0x10]  }
0x63: {  	v8 =	vld [tilespmem:s28+$0x10]  }
0x64: {  	v10 =	vld [tilespmem:s28+$0x20];
	v3 =	vadd.f32 v3, v5;
	v2 =	vmul.f32 v2, v4  }
0x65: {  	v5 =	vld [tilespmem:s0+$0x20]  }
0x66: {  	v9 =	vadd.f32 v2, v3;
	v1 =	vmul.f32 v1, v7;
	v2 =	vld [tilespmem:s0+$0x30]  }
0x67: {  	s31 =	sadd.s32 $0x80, s28;
	v3 =	vld [tilespmem:s28+$0x30]  }
0x68: {  	s30 =	sadd.s32 $0x80, s0;
	v11 =	vld [tilespmem:s31+$0xFFFFFFD0];
	v6 =	vmul.f32 v8, v6;
	v7 =	vadd.f32 v1, v9  }
0x69: {  	v4 =	vld [tilespmem:s30+$0xFFFFFFC0]  }
0x6a: {  	v8 =	vld [tilespmem:s31+$0xFFFFFFC0];
	v10 =	vmul.f32 v10, v5;
	v6 =	vadd.f32 v6, v7;
	v12, _, _ =	vpop (xrf2)  }
0x6b: {  	s29 =	simm.s32 $0x1;
	s28 =	simm.s32 $0x2;
	s0 =	simm.s32 $0x3;
	v1 =	vimm.f32 $0.0e+00;
	v9 =	vld [tilespmem:s30+$0xFFFFFFD0];
	v7 =	vmov s23;
	v5 =	vbroadcast v12, $0xF  }
.LBB2_4:
0x6c: {  	p0 =	sne.s32 s0, $0xF;
	v12 =	vld [tilespmem:s30+$0xFFFFFFE0];
	v6 =	vadd.f32 v10, v6;
	v2 =	vmul.f32 v3, v2;
	vm0 =	veq.s32 v7, v0  }
0x6d: {  	v3 =	vld [tilespmem:s31+$0xFFFFFFE0];
	v1 =	vsel vm0, v5, v1  }
0x6e: {  	v5 =	vld [tilespmem:s30+$0xFFFFFFF0];
	v2 =	vadd.f32 v2, v6  }
0x6f: {  	v6 =	vld [tilespmem:s31+$0xFFFFFFF0]  }
0x70: {  	v4 =	vmul.f32 v8, v4;
	v7 =	vmul.f32 v11, v9;
	v8 =	vld [tilespmem:s30+$0x0];
	(xrf2) =	vadd.scan.msk.f32 $0xffff, v2  }
0x71: {  	v2 =	vld [tilespmem:s31+$0x0]  }
0x72: {  	v4 =	vadd.f32 v7, v4;
	v3 =	vmul.f32 v3, v12;
	v7 =	vld [tilespmem:s30+$0x10]  }
0x73: {  	v9 =	vld [tilespmem:s31+$0x10]  }
0x74: {  	v3 =	vadd.f32 v3, v4;
	v4 =	vmul.f32 v6, v5;
	v5 =	vld [tilespmem:s30+$0x20]  }
0x75: {  	v10 =	vld [tilespmem:s31+$0x20]  }
0x76: {  	v6 =	vadd.f32 v4, v3;
	v8 =	vmul.f32 v2, v8;
	v2 =	vld [tilespmem:s30+$0x30]  }
.Ltmp0:
0x77: {  	s30 =	sadd.s32 $0x80, s30;
	v3 =	vld [tilespmem:s31+$0x30];
	(pc) =	sbr.rel @p0 .LBB2_4-.Ltmp0, $4  }
0x78: {  	s31 =	sadd.s32 $0x80, s31;
	v4 =	vld [tilespmem:s30+$0xFFFFFFC0];
	v6 =	vadd.f32 v8, v6;
	v7 =	vmul.f32 v9, v7  }
0x79: {  	v8 =	vld [tilespmem:s31+$0xFFFFFFC0]  }
0x7a: {  	v9 =	vld [tilespmem:s30+$0xFFFFFFD0];
	v6 =	vadd.f32 v7, v6;
	v10 =	vmul.f32 v10, v5;
	v5, _, _ =	vpop (xrf2)  }
0x7b: {  	v7 =	vmov s29;
	s29 =	smov.u32 s28;
	s28 =	smov.u32 s0;
	s0 =	sadd.s32 $0x1, s0;
	v11 =	vld [tilespmem:s31+$0xFFFFFFD0];
	v5 =	vbroadcast v5, $0xF  }
0x7c: {  	v12 =	vld [tilespmem:s30+$0xFFFFFFE0]  }
0x7d: {  	v13 =	vld [tilespmem:s31+$0xFFFFFFE0]  }
0x7e: {  	v14 =	vld [tilespmem:s30+$0xFFFFFFF0]  }
0x7f: {  	v15 =	vld [tilespmem:s31+$0xFFFFFFF0]  }
0x80: {  	v46 =	vld [tilespmem:s30+$0x0];
	v4 =	vmul.f32 v8, v4;
	v45 =	vmul.f32 v11, v9  }
0x81: {  	v47 =	vld [tilespmem:s31+$0x0]  }
0x82: {  	v49 =	vld [tilespmem:s30+$0x10];
	v48 =	vmul.f32 v13, v12;
	v4 =	vadd.f32 v45, v4  }
0x83: {  	v50 =	vld [tilespmem:s31+$0x10]  }
0x84: {  	v52 =	vld [tilespmem:s30+$0x20];
	v51 =	vmul.f32 v15, v14;
	v4 =	vadd.f32 v48, v4  }
0x85: {  	v53 =	vld [tilespmem:s31+$0x20]  }
0x86: {  	v55 =	vld [tilespmem:s30+$0x30];
	v54 =	vmul.f32 v47, v46;
	v4 =	vadd.f32 v51, v4  }
0x87: {  	v56 =	vld [tilespmem:s31+$0x30]  }
0x88: {  	v57 =	vmul.f32 v50, v49;
	v4 =	vadd.f32 v54, v4;
	_ =	sdelay $0x1  }
0x89: {  	v58 =	vmul.f32 v53, v52;
	v4 =	vadd.f32 v57, v4  }
0x8a: {  	v6 =	vadd.f32 v10, v6;
	v2 =	vmul.f32 v3, v2  }
0x8b: {  	v59 =	vmul.f32 v56, v55;
	v3 =	vadd.f32 v58, v4  }
0x8c: {  	v2 =	vadd.f32 v2, v6  }
0x8d: {  	v3 =	vadd.f32 v59, v3  }
0x8e: {  	(xrf2) =	vadd.scan.msk.f32 $0xffff, v2  }
0x8f: {  	(xrf2) =	vadd.scan.msk.f32 $0xffff, v3;
	_ =	sdelay $0x7  }
0x90: {  	s0 =	sshll.u32 s26, $0x4  }
0x91: {  	vm0 =	veq.s32 v7, v0;
	v2, _, _ =	vpop (xrf2);
	v3 =	vld [tilespmem:s0+$0x200]  }
0x92: {  	v60 =	vmov s29;
	v62 =	vmov s28;
	v2 =	vbroadcast v2, $0xF;
	v61, _, _ =	vpop (xrf2)  }
0x93: {  	v1 =	vsel vm0, v5, v1;
	vm14 =	veq.s32 v60, v0;
	v5 =	vbroadcast v61, $0xF  }
0x94: {  	vm15 =	veq.s32 v62, v0;
	v1 =	vsel vm14, v2, v1  }
0x95: {  	v1 =	vsel vm15, v5, v1  }
0x96: {  	v1 =	vsub.f32 v1, v3;
	_ =	sdelay $0x1  }
0x97: {  	v1 =	vmul.f32 $1.442695020e+00, v1;
	_ =	sdelay $0x1  }
0x98: {  	(erf) = vpow2.f32 v1;
	_ =	sdelay $0x8  }
0x99: {  	v1 =	vpop (erf)  }
0x9a: {  	v2 =	vadd.f32 $1.000000000e+00, v1;
	_ =	sdelay $0x1  }
0x9b: {  	v2 =	vmul.f32 v2, v2;
	_ =	sdelay $0x1  }
0x9c: {  	(erf) = vrcp.f32 v2;
	_ =	sdelay $0x6  }
0x9d: {  	v2 =	vld [tilespmem:s0+$0x300]  }
0x9e: {  	v1 =	vmul.f32 $4.000000000e+00, v1  }
0x9f: {  	v63 =	vld [tilespmem:s0+$0x400];
	v3 =	vpop (erf)  }
0xa0: {  	s26 =	sadd.s32 $0x1, s26;
	v1 =	vmul.f32 v3, v1  }
0xa1: {  	p0 =	sne.s32 s26, $0x10  }
.Ltmp1:
0xa2: {  	v1 =	vmul.f32 v1, v2;
	(pc) =	sbr.rel @p0 .LBB2_3-.Ltmp1, $3  }
0xa3: {  	_ = 	snop  }
0xa4: {  	v1 =	vmul.f32 v1, v63;
	_ =	sdelay $0x1  }
0xa5: {  	s24 =	sadd.s32 $0x800, s24;
	s25 =	sadd.s32 $0x800, s25;
	[tilespmem:s0+$0x10500] =	vst v1  }
0xa6: {  	s21 =	sadd.s32 $0x1, s21  }
0xa7: {  	p0 =	sne.s32 s21, $0x4B  }
.Ltmp2:
0xa8: {  	s0 =	sadd.s32 s8, s22;
	(pc) =	sbr.rel @p0 .LBB2_2-.Ltmp2, $4  }
0xa9: {  	[hbm4b:s0+s3] =	stream.linear.scatter [tilespmem:s19], [sflag:$0x2], $0x100, $0x38;
	[tilespmem:$0x10600] =	vst v63  }
0xaa: {  	_ =	swait.ge [sflag:s11], $0x100  }
0xab: {  	[sflag:s11] =	ssyncset.done $0x0  }
0xac: {  	[sflag:s11] =	ssyncadd.s32 $0xFFFFFF00  }
0xad: {  	s20 =	sadd.s32 $0x1, s20  }
0xae: {  	p0 =	sne.s32 s20, s10  }
.Ltmp3:
0xaf: {  	_ = 	snop;
	(pc) =	sbr.rel @p0 .LBB2_1-.Ltmp3, $1  }
0xb0: {  	_ =	sdelay $0x3  }
0xb1: {  	_ =	sfence.sel $0x180000  }
0xb2: {  	[bflag:$0x0] =	sbarrier.arrive $0xFFFF  }
0xb3: {  	_ =	strace $0x90000047  }
0xb4: {  	[bflag:$0x2] =	sbarrier.arrive $0xFFFF  }
0xb5: {  	p0 =	sne.s32 s4, $0x0;
	s0 =	rddreg [dreg:$0x3]  }
0xb6: {  	s0 =	sadd.s32 @!p0 $0x100000, s0  }
0xb7: {  	[sflag:s0] =	ssyncadd.tile.s32 @!p0 $0x1;
	_ =	shalt  }
.Lfunc_end2:
_tile_overlayer_lowered:
.L_overlay_start_2:
0xb8: {  	(tag) =	ssettag $0x2  }
0xb9: {  	s0 =	rddreg [dreg:$0x0];
	s2 =	stileid.u32  }
0xba: {  	s1 =	rddreg [dreg:$0x1];
	p0 =	sne.s32 s2, $0x0  }
0xbb: {  	s3 =	rddreg [dreg:$0x2];
	[bflag:$0x3] =	sbarrier.arrive $0xFFFF;
	s2 =	simm.s32 @!p0 $0x1C02  }
0xbc: {  	[timem:s3], [sflag:s2] =	dma.local @!p0 [hbm:s0], s1  }
0xbd: {  	s0 =	simm.s32 @!p0 $0x2  }
0xbe: {  	_ =	swait.ge @!p0 [sflag:s0], s1  }
0xbf: {  	s1 =	ssub.s32 @!p0 $0x0, s1;
	[sflag:s0] =	ssyncset.done @!p0 $0x0  }
0xc0: {  	[sflag:s0] =	ssyncadd.s32 @!p0 s1  }
0xc1: {  	[bflag:$0x3] =	sbarrier.arrive $0xFFFF  }
0xc2: {  	_ =	shalt  }

// kernel: kernel.8.cloned.1.call-start
scs
__scs_entry_jumppad:
0x0: {  	(pc) =	sbr.rel $0x88, $3  }
0x1: {  	(tag) =	ssettag $0x0;
	lr =	simm.s32 $0x1  }
0x2: {  	[smem:$0x3F9B] =	sst lr;
	_ =	strace $0xD0000000  }
0x3: {  	_ = 	snop  }
0x4: {  	_ = 	snop  }
0x5: {  	_ = 	snop  }
0x6: {  	_ = 	snop  }
0x7: {  	_ = 	snop  }
__scs_overlays_trampoline_lowered:
0x8: {  	[smem:$0x3FAA] =	sst s0  }
0x9: {  	[smem:$0x3FAB] =	sst s1  }
0xa: {  	[smem:$0x3FAC] =	sst s2  }
0xb: {  	[smem:$0x3FAD] =	sst s3  }
0xc: {  	[smem:$0x3FAE] =	sst s4  }
0xd: {  	[smem:$0x3FAF] =	sst s5  }
0xe: {  	[smem:$0x3FB0] =	sst s6  }
0xf: {  	[smem:$0x3FB1] =	sst s7  }
0x10: {  	[smem:$0x3FB2] =	sst s8  }
0x11: {  	[smem:$0x3FB3] =	sst s9;
	s0 =	simm.s32 @!p0 $0x0  }
0x12: {  	s1 =	sld [smem:$0x3F99];
	s0 =	simm.s32 @p0 $0x1  }
0x13: {  	[smem:$0x3FB4] =	sst s0;
	s0 =	simm.s32 @!p1 $0x0  }
0x14: {  	s2 =	sld [smem:$0x3F98];
	s0 =	simm.s32 @p1 $0x1  }
0x15: {  	[smem:$0x3FB5] =	sst s0;
	s0 =	simm.s32 @!p2 $0x0  }
0x16: {  	s3 =	sld [smem:$0x3FDB];
	s0 =	simm.s32 @p2 $0x1  }
0x17: {  	s4 =	simm.s32 $0x1BF5;
	[smem:$0x3FB7] =	sst s0  }
0x18: {  	s0 =	sld [smem:$0x3F9A];
	_ =	swait.ge [sflag:s4], $0x0  }
0x19: {  	s7 =	sld [smem:$0x3F9B]  }
0x1a: {  	s8 =	sadd.s32 $0xFFFFE003, lr  }
0x1b: {  	s9 =	sadd.s32 $0xFFFFFEF7, lr;
	s5 =	simm.s32 $0xFFFFFFFF;
	p2 =	slt.u32 s8, $0xFFFFF086  }
0x1c: {  	p1 =	slt.u32 s9, $0xF7A;
	s5 =	simm.s32 @!p2 $0x0  }
0x1d: {  	s5 =	simm.s32 @p1 $0x1;
	p0 =	seq.s32 s7, s2  }
0x1e: {  	s7 =	smul.u32 @!p0 $0xF7A, s2;
	p2 =	seq.s32 @!p0 s5, $0x0  }
0x1f: {  	s9 =	smul.u32 $0xF7A, s1;
	s8 =	simm.s32 @!p0 $0x1BF5;
	p2 =	por !p2, p0  }
0x20: {  	[sflag:s8] =	ssyncset.s32 @!p0 $0xFFFFF086;
	s6 =	sadd.s32 @!p0 s3, s7;
	s7 =	simm.s32 @!p0 $0x108  }
0x21: {  	s3 =	sadd.s32 s3, s9;
	s6 =	sadd.s32 @!p0 $0x88, s6;
	s7 =	simm.s32 @p2 $0x1082  }
0x22: {  	[simem:s7], [sflag:s8] =	dma.local @!p0 [hbm:s6], $0xF7A  }
0x23: {  	s9 =	sor.u32 $0xD0000000, s2;
	s6 =	simm.s32 $0x108;
	_ =	swait.ge @!p0 [sflag:s8], $0x0  }
0x24: {  	s3 =	sadd.s32 $0x88, s3;
	s6 =	simm.s32 @!p1 $0x1082;
	[sflag:s4] =	ssyncset.s32 $0xFFFFF086  }
0x25: {  	[simem:s6], [sflag:s4] =	dma.local [hbm:s3], $0xF7A  }
0x26: {  	[smem:$0x3F9B] =	sst s1;
	(tag) =	ssettag s2;
	_ =	strace s9  }
0x27: {  	s1 =	sld [smem:$0x3FAB]  }
0x28: {  	s2 =	sld [smem:$0x3FAC]  }
0x29: {  	s4 =	sld [smem:$0x3FAE]  }
0x2a: {  	p0 =	seq.s32 s5, $0x0;
	s5 =	sld [smem:$0x3FAF]  }
0x2b: {  	s6 =	sld [smem:$0x3FB0]  }
0x2c: {  	s7 =	sld [smem:$0x3FB1]  }
0x2d: {  	s3 =	simm.s32 $0x108;
	s8 =	sld [smem:$0x3FB2]  }
0x2e: {  	s3 =	simm.s32 @!p0 $0x1082;
	s9 =	sld [smem:$0x3FB3]  }
0x2f: {  	lr =	sadd.s32 s0, s3;
	s0 =	sld [smem:$0x3FAA]  }
0x30: {  	s3 =	sld [smem:$0x3FAD]  }
0x31: {  	[smem:$0x3FB6] =	sst s10  }
0x32: {  	s10 =	sld [smem:$0x3FB4];
	_ =	sdelay $0x3  }
0x33: {  	p0 =	seq.s32 s10, $0x1;
	s10 =	sld [smem:$0x3FB6];
	_ =	sdelay $0x3  }
0x34: {  	[smem:$0x3FB6] =	sst s10  }
0x35: {  	s10 =	sld [smem:$0x3FB5];
	_ =	sdelay $0x3  }
0x36: {  	p1 =	seq.s32 s10, $0x1;
	s10 =	sld [smem:$0x3FB6];
	_ =	sdelay $0x3  }
0x37: {  	[smem:$0x3FB6] =	sst s10  }
0x38: {  	s10 =	sld [smem:$0x3FB7]  }
0x39: {  	_ = 	snop;
	(pc) =	sbr.ind lr, $3  }
0x3a: {  	_ = 	snop  }
0x3b: {  	_ = 	snop  }
0x3c: {  	p2 =	seq.s32 s10, $0x1;
	s10 =	sld [smem:$0x3FB6]  }
0x3d: {  	_ =	shalt  }
0x3e: {  	_ =	shalt  }
0x3f: {  	_ =	shalt  }
0x40: {  	_ =	shalt  }
0x41: {  	_ =	shalt  }
0x42: {  	_ =	shalt  }
0x43: {  	_ =	shalt  }
0x44: {  	_ =	shalt  }
0x45: {  	_ =	shalt  }
0x46: {  	_ =	shalt  }
0x47: {  	_ =	shalt  }
0x48: {  	_ =	shalt  }
0x49: {  	_ =	shalt  }
0x4a: {  	_ =	shalt  }
0x4b: {  	_ =	shalt  }
0x4c: {  	_ =	shalt  }
0x4d: {  	_ =	shalt  }
0x4e: {  	_ =	shalt  }
0x4f: {  	_ =	shalt  }
0x50: {  	_ =	shalt  }
0x51: {  	_ =	shalt  }
0x52: {  	_ =	shalt  }
0x53: {  	_ =	shalt  }
0x54: {  	_ =	shalt  }
0x55: {  	_ =	shalt  }
0x56: {  	_ =	shalt  }
0x57: {  	_ =	shalt  }
0x58: {  	_ =	shalt  }
0x59: {  	_ =	shalt  }
0x5a: {  	_ =	shalt  }
0x5b: {  	_ =	shalt  }
0x5c: {  	_ =	shalt  }
0x5d: {  	_ =	shalt  }
0x5e: {  	_ =	shalt  }
0x5f: {  	_ =	shalt  }
0x60: {  	_ =	shalt  }
0x61: {  	_ =	shalt  }
0x62: {  	_ =	shalt  }
0x63: {  	_ =	shalt  }
0x64: {  	_ =	shalt  }
0x65: {  	_ =	shalt  }
0x66: {  	_ =	shalt  }
0x67: {  	_ =	shalt  }
0x68: {  	_ =	shalt  }
0x69: {  	_ =	shalt  }
0x6a: {  	_ =	shalt  }
0x6b: {  	_ =	shalt  }
0x6c: {  	_ =	shalt  }
0x6d: {  	_ =	shalt  }
0x6e: {  	_ =	shalt  }
0x6f: {  	_ =	shalt  }
0x70: {  	_ =	shalt  }
0x71: {  	_ =	shalt  }
0x72: {  	_ =	shalt  }
0x73: {  	_ =	shalt  }
0x74: {  	_ =	shalt  }
0x75: {  	_ =	shalt  }
0x76: {  	_ =	shalt  }
0x77: {  	_ =	shalt  }
0x78: {  	_ =	shalt  }
0x79: {  	_ =	shalt  }
0x7a: {  	_ =	shalt  }
0x7b: {  	_ =	shalt  }
0x7c: {  	_ =	shalt  }
0x7d: {  	_ =	shalt  }
0x7e: {  	_ =	shalt  }
0x7f: {  	_ =	shalt  }
0x80: {  	_ =	shalt  }
0x81: {  	_ =	shalt  }
0x82: {  	_ =	shalt  }
0x83: {  	_ =	shalt  }
0x84: {  	_ =	shalt  }
0x85: {  	_ =	shalt  }
0x86: {  	_ =	shalt  }
0x87: {  	_ =	shalt  }
.Lfunc_end0:
.L_simem_size_0:
called_computation.1_lowered:
.L_overlay_start_0:
0x88: {  	s2 =	sld [smem:$0x3FD9]  }
0x89: {  	s3 =	sld [smem:$0x3FFE];
	_ =	sdelay $0x1  }
0x8a: {  	s1 =	srdreg.scid  }
0x8b: {  	s0 =	sand.u32 $0x1, s1  }
0x8c: {  	s17 =	sshll.u32 s0, $0xA;
	s2 =	sadd.s32 s3, s2  }
0x8d: {  	s2 =	sadd.s32 s2, s17  }
0x8e: {  	[smem:$0x3FC2] =	sst s2  }
0x8f: {  	_ = 	snop  }
0x90: {  	s2 =	sld [smem:$0x3FC9]  }
0x91: {  	s18 =	sld [smem:$0x3FD0];
	(tm) =	ssettm $0x1  }
0x92: {  	s4 =	sld [smem:$0x3FFB];
	_ =	sdelay $0x3  }
0x93: {  	_ =	strace s4  }
0x94: {  	s4 =	sld [smem:$0x3FFC];
	_ =	sdelay $0x3  }
0x95: {  	_ =	strace s4  }
0x96: {  	s4 =	sld [smem:$0x3FFD];
	_ =	sdelay $0x3  }
0x97: {  	_ =	strace s4  }
0x98: {  	_ =	strace $0x8FFFFFFF  }
0x99: {  	s19 =	sld [smem:$0x3FDB];
	_ =	sdelay $0x1  }
0x9a: {  	s5 =	simm.s32 $_scs_section_size  }
0x9b: {  	s6 =	simm.s32 $_size__tile_overlayer_lowered;
	s7 =	simm.s32 $_tile_overlayer_lowered  }
0x9c: {  	s22 =	simm.s32 $0x1BFF;
	s21 =	sshll.u32 s7, $0x1;
	s4 =	sadd.s32 s5, s19  }
0x9d: {  	s8 =	simm.s32 $0x0;
	s20 =	sshll.u32 s6, $0x1;
	s6 =	sadd.s32 s21, s4  }
0x9e: {  	[timem:s8], [sflag:s22] =	dma.local [hbm:s6], s20  }
0x9f: {  	_ =	swait.ge [sflag:s22], s20  }
0xa0: {  	s5 =	ssub.s32 $0x0, s20;
	[sflag:s22] =	ssyncset.done $0x0  }
0xa1: {  	[sflag:s22] =	ssyncadd.s32 s5;
	_ =	sdelay $0x1  }
0xa2: {  	s23 =	simm.s32 $0x1B8B  }
0xa3: {  	_ =	swait.ge [sflag:s23], $0x1  }
0xa4: {  	[sflag:s23] =	ssyncset.done $0x0  }
0xa5: {  	s25 =	simm.s32 $0x1B8E;
	s24 =	sld [smem:$0x3FFE];
	[sflag:s23] =	ssyncadd.s32 $0xFFFFFFFF  }
0xa6: {  	s26 =	simm.s32 $execute0_lowered;
	[smem:$0x3FD2] =	sst s25  }
0xa7: {  	s6 =	sshll.u32 s26, $0x1;
	_ =	strace $0x80000049;
	[dreg:$0x1] =	wrdreg $0xFFFFFFFF  }
0xa8: {  	s28 =	simm.s32 $_size_execute0_lowered;
	s4 =	sadd.s32 s4, s6;
	[dreg:$0x0] =	wrdreg $0x0  }
0xa9: {  	s6 =	sshll.u32 s28, $0x1;
	[dreg:$0x2] =	wrdreg s4  }
0xaa: {  	[dreg:$0x3] =	wrdreg s6  }
0xab: {  	[dreg:$0x4] =	wrdreg $0xC0  }
0xac: {  	_ =	task [dreg:s8], $0x5FFFF  }
0xad: {  	[dreg:$0x1] =	wrdreg $0xFFFFFFFF  }
0xae: {  	[dreg:$0x0] =	wrdreg $0x60  }
0xaf: {  	[dreg:$0x2] =	wrdreg s2  }
0xb0: {  	[dreg:$0x3] =	wrdreg s24  }
0xb1: {  	[dreg:$0x4] =	wrdreg s18  }
0xb2: {  	[dreg:$0x5] =	wrdreg $0x0  }
0xb3: {  	[dreg:$0x6] =	wrdreg $0x9  }
0xb4: {  	_ =	task.clear_ibuf [dreg:s8], $0x7FFFF;
	_ =	strace $0x90000049  }
0xb5: {  	s29 =	simm.s32 $0x9;
	_ =	strace $0x8000004B  }
0xb6: {  	_ =	swait.ge [sflag:s29], $0x1  }
0xb7: {  	[sflag:s29] =	ssyncadd.s32 $0xFFFFFFFF  }
0xb8: {  	_ =	strace $0x9000004B  }
0xb9: {  	_ =	sfence  }
0xba: {  	s30 =	sld [smem:$0x0];
	_ =	sdelay $0x2  }
0xbb: {  	s31 =	sshll.u32 s1, $0xD;
	s1 =	sshrl.u32 s1, $0x2  }
0xbc: {  	s3 =	sand.u32 $0x4000, s31;
	s1 =	sadd.s32 s1, s30  }
0xbd: {  	s0 =	sor.u32 s3, s0;
	s1 =	sshll.u32 s1, $0x11  }
0xbe: {  	s0 =	sor.u32 s1, s0  }
0xbf: {  	s0 =	sadd.s32 $0x8F2B, s0  }
0xc0: {  	[sflag:s0] =	ssyncadd.remote.s32 $0x1  }
0xc1: {  	_ =	sfence.sel $0xFFFF  }
0xc2: {  	[dreg:$0x0] =	wrdreg $0xFFFFFFFF;
	(pc) =	sbr.abs _section_cstart, $3  }
0xc3: {  	[dreg:$0x1] =	wrdreg $0xFFFFFFFF  }
0xc4: {  	_ =	task.clear_ibuf [dreg:s8], $0x2FFFF;
	_ =	strace $0x9FFFFFFF  }
0xc5: {  	(tm) =	ssettm $0x7FFFFFFF  }
tec
execute0_lowered:
.L_overlay_start_1:
0x0: {  	(tag) =	ssettag $0x1  }
0x1: {  	s1 =	rddreg [dreg:$0x0]  }
0x2: {  	s0 =	rddreg [dreg:$0x1]  }
0x3: {  	s10 =	rddreg [dreg:$0x2]  }
0x4: {  	s3 =	rddreg [dreg:$0x3];
	s2 =	simm.s32 $0x0;
	s17 =	srdreg.scid  }
0x5: {  	s4 =	stileid.u32;
	s29 =	simm.s32 $0x1;
	s30 =	simm.s32 $0x18B00  }
0x6: {  	s31 =	simm.s32 $0x18C00;
	[smem:$0x7FF] =	sst s2;
	s5 =	smul.u32 $0x62000, s4  }
0x7: {  	s6 =	sadd.s32 $0x1000, s0;
	s2 =	sand.u32 $0x1, s17;
	s19 =	smul.u32 $0x310, s4  }
0x8: {  	s7 =	sadd.s32 $0x13C00, s0;
	s8 =	sadd.s32 $0x29A00, s0;
	s25 =	smul.u32 $0x3100, s4  }
0x9: {  	s26 =	sadd.s32 $0xC3500, s10;
	_ =	strace $0x8000004A;
	s11 =	smul.u32 $0x6200, s2  }
0xa: {  	s18 =	ssub.s32 $0x2, s2;
	s2 =	smul.u32 $0x62000, s2;
	[dreg:$0xe] =	wrdreg s26  }
0xb: {  	s26 =	simm.s32 $0x2;
	s9 =	sshrl.u32 s18, $0x1;
	[dreg:$0x7] =	wrdreg s19  }
0xc: {  	s5 =	sshrl.u32 s5, $0x2;
	[dreg:$0x5] =	wrdreg s11;
	s0 =	ssub.s32 s18, s9  }
0xd: {  	s5 =	sadd.s32 s5, s3;
	s11 =	smul.u32 $0x9600, s4;
	s2 =	sadd.s32 s2, s10  }
0xe: {  	s10 =	simm.s32 $0x0;
	s20 =	sadd.s32 $0x6800, s5;
	[dreg:$0x6] =	wrdreg s5  }
0xf: {  	s21 =	sadd.s32 $0xD000, s5;
	s5 =	sadd.s32 $0x13800, s5;
	[dreg:$0x8] =	wrdreg s20  }
0x10: {  	s0 =	smax.u32 s0, $0x1;
	s28 =	sadd.s32 s25, s2;
	[dreg:$0x9] =	wrdreg s21  }
0x11: {  	s2 =	simm.s32 $0x18F00;
	s25 =	simm.s32 $0x5;
	[dreg:$0xa] =	wrdreg s5  }
0x12: {  	s22 =	sshrl.u32 s11, $0x3;
	s19 =	sadd.s32 $0x200, s11;
	[dreg:$0xf] =	wrdreg s0  }
.Ltmp0:
0x13: {  	s0 =	sadd.s32 $0xC3500, s28;
	s21 =	simm.s32 $0xD0;
	(pc) =	sbr.rel .LBB2_1-.Ltmp0, $4  }
0x14: {  	s20 =	simm.s32 $0x3;
	s23 =	sadd.s32 s6, s22;
	[dreg:$0x10] =	wrdreg s0  }
0x15: {  	s24 =	sadd.s32 s7, s22;
	s5 =	sadd.s32 s8, s22;
	[dreg:$0xb] =	wrdreg s23  }
0x16: {  	s0 =	simm.s32 $0x18D00;
	s22 =	simm.s32 $0x19000;
	[dreg:$0xc] =	wrdreg s24  }
0x17: {  	v0 =	vimm.f32 $0.0e+00;
	v1 =	vimm.s32 $0x0;
	vm0 =	vmxor vm0, vm0;
	[dreg:$0xd] =	wrdreg s5;
	s23 =	simm.s32 $0x19100;
	s5 =	simm.s32 $0x18E00  }
.LBB2_52:
0x18: {  	s10 =	rddreg [dreg:$0x11]  }
0x19: {  	s9 =	rddreg [dreg:$0xf];
	s10 =	sadd.s32 $0x1, s10  }
0x1a: {  	p0 =	sne.s32 s10, s9  }
.Ltmp1:
0x1b: {  	_ = 	snop;
	(pc) =	sbr.rel @!p0 .LBB2_53-.Ltmp1, $1  }
0x1c: {  	_ =	sdelay $0x3  }
.LBB2_1:
.Ltmp2:
0x1d: {  	(pc) =	sbr.rel .LBB2_2-.Ltmp2, $2  }
0x1e: {  	_ =	sdelay $0x2  }
0x1f: {  	[dreg:$0x11] =	wrdreg s10;
	p2 =	por $0x1, $0x1;
	s9 =	simm.s32 $0x0  }
.LBB2_54:
0x20: {  	s9 =	rddreg [dreg:$0x2]  }
0x21: {  	s9 =	sadd.s32 s9, s10  }
0x22: {  	[hbm:s9], [sflag:s18] =	dma.local [spmem:s24], $0x3100  }
0x23: {  	_ =	swait.ge [sflag:s25], $0x3100  }
0x24: {  	[sflag:s25] =	ssyncset.done $0x0  }
0x25: {  	[sflag:s25] =	ssyncadd.s32 $0xFFFFCF00  }
.LBB2_26:
.Ltmp3:
0x26: {  	(pc) =	sbr.rel @!p0 .LBB2_27-.Ltmp3, $3  }
0x27: {  	_ =	sdelay $0x1  }
0x28: {  	s12 =	simm.s32 $0x0  }
0x29: {  	p1 =	por $0x1, $0x1;
	s9 =	simm.s32 $0x3100;
	p2 =	por $0x0, $0x0  }
.LBB2_2:
0x2a: {  	p0 =	por p2, p2;
	s10 =	simm.s32 $0x0;
	s12 =	simm.s32 $0x200  }
.LBB2_3:
0x2b: {  	p1 =	sne.s32 s12, $0x19E00;
	[tilespmem:s10+$0x19170] =	vst v0  }
0x2c: {  	[tilespmem:s10+$0x19100] =	vst v0  }
0x2d: {  	[tilespmem:s10+$0x19110] =	vst v0  }
.Ltmp4:
0x2e: {  	[tilespmem:s10+$0x19120] =	vst v0;
	(pc) =	sbr.rel @p1 .LBB2_3-.Ltmp4, $4  }
0x2f: {  	[tilespmem:s10+$0x19130] =	vst v0  }
0x30: {  	[tilespmem:s10+$0x19140] =	vst v0  }
0x31: {  	[tilespmem:s10+$0x19150] =	vst v0  }
0x32: {  	[tilespmem:s10+$0x19160] =	vst v0;
	s10 =	sshra.s32 s12, $0x2;
	s12 =	sadd.s32 $0x200, s12  }
0x33: {  	[tilespmem:s10+$0x19170] =	vst v0  }
0x34: {  	[tilespmem:s10+$0x19100] =	vst v0  }
0x35: {  	[tilespmem:s10+$0x19110] =	vst v0  }
0x36: {  	[tilespmem:s10+$0x19120] =	vst v0  }
0x37: {  	[tilespmem:s10+$0x19130] =	vst v0  }
0x38: {  	[tilespmem:s10+$0x19140] =	vst v0  }
0x39: {  	[tilespmem:s10+$0x19150] =	vst v0  }
0x3a: {  	[tilespmem:s10+$0x19160] =	vst v0;
	s15 =	rddreg [dreg:$0x6]  }
0x3b: {  	[spmem:s15] =	stream.linear.scatter [tilespmem:s23], [sflag:$0x4], $0x6800, $0x38;
	[tilespmem:$0x1F900] =	vst v63  }
0x3c: {  	s16 =	rddreg [dreg:$0x8]  }
0x3d: {  	[spmem:s16] =	stream.linear.scatter [tilespmem:s23], [sflag:$0x4], $0x6800, $0x38;
	[tilespmem:$0x1F900] =	vst v63  }
0x3e: {  	s17 =	rddreg [dreg:$0x9]  }
0x3f: {  	[spmem:s17] =	stream.linear.scatter [tilespmem:s23], [sflag:$0x4], $0x6800, $0x38;
	[tilespmem:$0x1F900] =	vst v63  }
0x40: {  	s18 =	rddreg [dreg:$0xa];
	s24 =	simm.s32 $0x4  }
0x41: {  	[spmem:s18] =	stream.linear.scatter [tilespmem:s23], [sflag:$0x4], $0x5000, $0x38;
	[tilespmem:$0x1F900] =	vst v63  }
0x42: {  	_ =	swait.ge [sflag:s24], $0x6800  }
0x43: {  	[sflag:s24] =	ssyncset.done $0x0  }
0x44: {  	[sflag:s24] =	ssyncadd.s32 $0xFFFF9800  }
0x45: {  	_ =	swait.ge [sflag:s24], $0x6800  }
0x46: {  	[sflag:s24] =	ssyncset.done $0x0  }
0x47: {  	[sflag:s24] =	ssyncadd.s32 $0xFFFF9800  }
0x48: {  	_ =	swait.ge [sflag:s24], $0x6800  }
0x49: {  	[sflag:s24] =	ssyncset.done $0x0  }
0x4a: {  	[sflag:s24] =	ssyncadd.s32 $0xFFFF9800  }
0x4b: {  	_ =	swait.ge [sflag:s24], $0x5000  }
0x4c: {  	[sflag:s24] =	ssyncset.done $0x0  }
0x4d: {  	[sflag:s24] =	ssyncadd.s32 $0xFFFFB000  }
0x4e: {  	[bflag:$0x0] =	sbarrier.arrive $0xFFFF  }
0x4f: {  	[tilespmem:$0x18E00] =	vst v1  }
0x50: {  	[tilespmem:$0x18F00] =	vst v1  }
0x51: {  	[tilespmem:$0x19000] =	vst v0  }
0x52: {  	[tilespmem:$0x18E10] =	vst v1  }
0x53: {  	[tilespmem:$0x18F10] =	vst v1  }
0x54: {  	[tilespmem:$0x19010] =	vst v0  }
0x55: {  	[tilespmem:$0x18E20] =	vst v1  }
0x56: {  	[tilespmem:$0x18F20] =	vst v1  }
0x57: {  	[tilespmem:$0x19020] =	vst v0  }
0x58: {  	[tilespmem:$0x18E30] =	vst v1  }
0x59: {  	[tilespmem:$0x18F30] =	vst v1  }
0x5a: {  	[tilespmem:$0x19030] =	vst v0  }
0x5b: {  	[tilespmem:$0x18E40] =	vst v1  }
0x5c: {  	[tilespmem:$0x18F40] =	vst v1  }
0x5d: {  	[tilespmem:$0x19040] =	vst v0  }
0x5e: {  	[tilespmem:$0x18E50] =	vst v1  }
0x5f: {  	[tilespmem:$0x18F50] =	vst v1  }
0x60: {  	[tilespmem:$0x19050] =	vst v0  }
0x61: {  	[tilespmem:$0x18E60] =	vst v1  }
0x62: {  	[tilespmem:$0x18F60] =	vst v1  }
0x63: {  	[tilespmem:$0x19060] =	vst v0  }
0x64: {  	[tilespmem:$0x18E70] =	vst v1  }
0x65: {  	[tilespmem:$0x18F70] =	vst v1  }
0x66: {  	[tilespmem:$0x19070] =	vst v0  }
0x67: {  	[tilespmem:$0x18E80] =	vst v1  }
0x68: {  	[tilespmem:$0x18F80] =	vst v1  }
0x69: {  	[tilespmem:$0x19080] =	vst v0  }
0x6a: {  	[tilespmem:$0x18E90] =	vst v1  }
0x6b: {  	[tilespmem:$0x18F90] =	vst v1  }
0x6c: {  	[tilespmem:$0x19090] =	vst v0  }
0x6d: {  	[tilespmem:$0x18EA0] =	vst v1  }
0x6e: {  	[tilespmem:$0x18FA0] =	vst v1  }
0x6f: {  	s12 =	simm.s32 $0x0;
	[tilespmem:$0x190A0] =	vst v0  }
0x70: {  	[tilespmem:$0x18EB0] =	vst v1;
	[smem:$0x0] =	sst s12  }
0x71: {  	[tilespmem:$0x18FB0] =	vst v1;
	s28 =	rddreg [dreg:$0xb]  }
0x72: {  	[tilespmem:$0x190B0] =	vst v0;
	s14 =	rddreg [dreg:$0xc]  }
0x73: {  	[tilespmem:$0x18EC0] =	vst v1;
	s16 =	rddreg [dreg:$0x5]  }
0x74: {  	[tilespmem:$0x18FC0] =	vst v1;
	s18 =	rddreg [dreg:$0xd]  }
0x75: {  	s13 =	simm.s32 $0x18800;
	[tilespmem:$0x190C0] =	vst v0;
	[smem:$0x1] =	sst s12  }
0x76: {  	[tilespmem:s13], [sflag:$0x1] =	stream.linear.gather [hbm4b:s28+s12], $0x100, $0x38;
	[tilespmem:$0x1F900] =	vst v63  }
0x77: {  	s15 =	simm.s32 $0x18900;
	s17 =	sadd.s32 s16, s9;
	[smem:$0x2] =	sst s12  }
0x78: {  	[tilespmem:s15], [sflag:$0x1] =	stream.linear.gather [hbm4b:s14+s12], $0x100, $0x38;
	[tilespmem:$0x1F900] =	vst v63  }
.Ltmp5:
0x79: {  	[dreg:$0x15] =	wrdreg s17;
	(pc) =	sbr.rel .LBB2_5-.Ltmp5, $4  }
0x7a: {  	[smem:$0x3] =	sst s12  }
0x7b: {  	s24 =	simm.s32 $0x18A00;
	s28 =	sadd.s32 $0x3100, s17;
	[smem:$0x4] =	sst s12  }
0x7c: {  	[tilespmem:s24], [sflag:$0x1] =	stream.linear.gather [hbm4b:s18+s12], $0x100, $0x38;
	[tilespmem:$0x1F900] =	vst v63  }
0x7d: {  	s13 =	simm.s32 $0x0;
	v2 =	vmov s17;
	v3 =	vmov s28;
	[smem:$0x5] =	sst s12  }
.LBB2_17:
0x7e: {  	s13 =	sadd.s32 $0x1, s13  }
0x7f: {  	p1 =	sne.s32 s13, $0x4B  }
.Ltmp6:
0x80: {  	_ = 	snop;
	(pc) =	sbr.rel @!p1 .LBB2_18-.Ltmp6, $1  }
0x81: {  	_ =	sdelay $0x3  }
.LBB2_5:
0x82: {  	_ =	swait.ge [sflag:s29], $0x100  }
0x83: {  	[sflag:s29] =	ssyncset.done $0x0  }
0x84: {  	[sflag:s29] =	ssyncadd.s32 $0xFFFFFF00  }
0x85: {  	_ =	swait.ge [sflag:s29], $0x100  }
0x86: {  	s15 =	sshll.u32 s13, $0x9;
	[sflag:s29] =	ssyncset.done $0x0  }
0x87: {  	s16 =	sadd.s32 s11, s15;
	[sflag:s29] =	ssyncadd.s32 $0xFFFFFF00  }
0x88: {  	s14 =	sadd.s32 $0x100, s16;
	_ =	swait.ge [sflag:s29], $0x100  }
0x89: {  	s9 =	sshrl.u32 s14, $0x3;
	[sflag:s29] =	ssyncset.done $0x0  }
0x8a: {  	s10 =	sadd.s32 s6, s9;
	[sflag:s29] =	ssyncadd.s32 $0xFFFFFF00  }
0x8b: {  	[tilespmem:s30], [sflag:$0x2] =	stream.linear.gather [hbm4b:s10+s12], $0x100, $0x38;
	[tilespmem:$0x1F900] =	vst v63  }
.Ltmp7:
0x8c: {  	_ = 	snop;
	(pc) =	sbr.rel .LBB2_6-.Ltmp7, $4  }
0x8d: {  	s28 =	sadd.s32 s7, s9  }
0x8e: {  	[tilespmem:s31], [sflag:$0x2] =	stream.linear.gather [hbm4b:s28+s12], $0x100, $0x38;
	[tilespmem:$0x1F900] =	vst v63  }
0x8f: {  	s17 =	simm.s32 $0x0;
	s9 =	sadd.s32 s8, s9;
	s10 =	sld [smem:$0x0]  }
0x90: {  	[tilespmem:s0], [sflag:$0x2] =	stream.linear.gather [hbm4b:s9+s12], $0x100, $0x38;
	[tilespmem:$0x1F900] =	vst v63  }
.LBB2_10:
0x91: {  	s9 =	sadd.s32 s16, s18  }
0x92: {  	vm1 =	vge.s32 v5, v2;
	vm2 =	vlt.s32 v5, v3;
	vm3 =	vmmov vm0;
	p1 =	slt.u32 s9, $0x927C0  }
0x93: {  	vm1 =	vmand vm1, vm2;
	vm3 =	vmneg @p1 vm3  }
0x94: {  	vm1 =	vmand vm3, vm1  }
0x95: {  	v7 =	vsel vm1, $0x1, v1  }
0x96: {  	(xrf0) =	vadd.scan.msk.s32 $0xffff, v7;
	_ =	sdelay $0x5  }
0x97: {  	v7, _, _ =	vpop (xrf0)  }
0x98: {  	(v2sf) =	vpush v7, $0xF;
	_ =	sdelay $0xa  }
0x99: {  	s17 =	sadd.s32 $0x1, s17  }
0x9a: {  	p1 =	sne.s32 s17, $0x10  }
.Ltmp8:
0x9b: {  	v5 =	vsub.s32 v5, v2;
	(pc) =	sbr.rel @!p1 .LBB2_11-.Ltmp8, $4  }
0x9c: {  	v6 =	vadd.s32 $0xC350, v6;
	[tilespmem:s10+$0x18E00] =	vst.msk vm1, v5  }
0x9d: {  	[tilespmem:s10+$0x18F00] =	vst.msk vm1, v6;
	s28 =	spop (v2sf)  }
0x9e: {  	[tilespmem:s10+$0x19000] =	vst.msk vm1, v4;
	s10 =	sadd.s32 s28, s10  }
0x9f: {  	[smem:$0x0] =	sst s10  }
.LBB2_6:
0xa0: {  	_ = 	snop  }
0xa1: {  	p1 =	slt.s32 s10, $0xC1  }
.Ltmp9:
0xa2: {  	s18 =	sshll.u32 s17, $0x4;
	(pc) =	sbr.rel @p1 .LBB2_10-.Ltmp9, $3  }
0xa3: {  	v5 =	vld [tilespmem:s18+$0x18800];
	_ =	sdelay $0x1  }
0xa4: {  	v6 =	vld [tilespmem:s18+$0x18900]  }
0xa5: {  	v4 =	vld [tilespmem:s18+$0x18A00]  }
0xa6: {  	[tilespmem:s23], [sflag:$0x3] =	stream.indirect.gather [hbm4b:s1+s21], $0x80, s2, s21, $0xb8;
	[tilespmem:$0x1F900] =	vst v63  }
0xa7: {  	s9 =	simm.s32 $0x0;
	_ =	swait.ge [sflag:s20], $0x6800  }
0xa8: {  	v7 =	vmov s9;
	[sflag:s20] =	ssyncset.done $0x0  }
0xa9: {  	s10 =	simm.s32 $0x19140;
	[sflag:s20] =	ssyncadd.s32 $0xFFFF9800  }
0xaa: {  	v11 =	vld [tilespmem:s10+$0x30]  }
0xab: {  	v14 =	vld [tilespmem:s10+$0x10]  }
0xac: {  	v12 =	vld [tilespmem:s10+$0xFFFFFFC0]  }
0xad: {  	v8 =	vld.idx.msk [tilespmem:v7+s22+$0x0], $0xffff  }
0xae: {  	v16 =	vld [tilespmem:s10+$0xFFFFFFE0]  }
0xaf: {  	v9 =	vld [tilespmem:s10+$0x20]  }
0xb0: {  	v10 =	vld [tilespmem:s10+$0xFFFFFFD0]  }
0xb1: {  	v7 =	vld [tilespmem:s10+$0xFFFFFFF0]  }
0xb2: {  	v15 =	vmul.f32 v11, v8;
	v11 =	vld [tilespmem:s10+$0x0]  }
0xb3: {  	v13 =	vmul.f32 v12, v8  }
0xb4: {  	s28 =	simm.s32 $0x1;
	s9 =	simm.s32 $0x19140;
	v12 =	vmul.f32 v16, v8;
	v14 =	vmul.f32 v14, v8  }
.LBB2_8:
0xb5: {  	p1 =	sne.s32 s28, $0xCF  }
0xb6: {  	v10 =	vmul.f32 v10, v8;
	v9 =	vmul.f32 v9, v8;
	[tilespmem:s10+$0x30] =	vst v15;
	s9 =	sadd.s32 $0x80, s9;
	s24 =	smov.u32 s28;
	s28 =	sadd.s32 $0x1, s28  }
0xb7: {  	[tilespmem:s10+$0xFFFFFFC0] =	vst v13;
	v13 =	vmul.f32 v7, v8;
	v8 =	vmul.f32 v11, v8  }
0xb8: {  	[tilespmem:s10+$0x10] =	vst v14  }
0xb9: {  	v11 =	vmov s24;
	[tilespmem:s10+$0xFFFFFFE0] =	vst v12  }
0xba: {  	v7 =	vld [tilespmem:s9+$0xFFFFFFF0];
	[tilespmem:s10+$0xFFFFFFF0] =	vst v13  }
0xbb: {  	v12 =	vld [tilespmem:s9+$0x30];
	[tilespmem:s10+$0x0] =	vst v8  }
0xbc: {  	v14 =	vld [tilespmem:s9+$0x10];
	[tilespmem:s10+$0x20] =	vst v9  }
0xbd: {  	v13 =	vld [tilespmem:s9+$0xFFFFFFC0];
	[tilespmem:s10+$0xFFFFFFD0] =	vst v10;
	s10 =	smov.u32 s9  }
0xbe: {  	v8 =	vld.idx.msk [tilespmem:v11+s22+$0x0], $0xffff  }
0xbf: {  	v16 =	vld [tilespmem:s9+$0xFFFFFFE0]  }
0xc0: {  	v9 =	vld [tilespmem:s9+$0x20]  }
.Ltmp10:
0xc1: {  	v10 =	vld [tilespmem:s9+$0xFFFFFFD0];
	(pc) =	sbr.rel @p1 .LBB2_8-.Ltmp10, $3  }
0xc2: {  	v11 =	vld [tilespmem:s9+$0x0];
	_ =	sdelay $0x1  }
0xc3: {  	v13 =	vmul.f32 v13, v8;
	v15 =	vmul.f32 v12, v8  }
0xc4: {  	v14 =	vmul.f32 v14, v8;
	v12 =	vmul.f32 v16, v8  }
0xc5: {  	[tilespmem:s10+$0x30] =	vst v15  }
0xc6: {  	[tilespmem:s10+$0xFFFFFFC0] =	vst v13  }
0xc7: {  	v7 =	vmul.f32 v7, v8;
	[tilespmem:s10+$0x10] =	vst v14  }
0xc8: {  	v9 =	vmul.f32 v9, v8;
	[tilespmem:s10+$0xFFFFFFE0] =	vst v12  }
0xc9: {  	v11 =	vmul.f32 v11, v8;
	[tilespmem:s10+$0xFFFFFFF0] =	vst v7  }
0xca: {  	v7 =	vmul.f32 v10, v8;
	[tilespmem:s10+$0x20] =	vst v9  }
0xcb: {  	[tilespmem:s10+$0x0] =	vst v11  }
0xcc: {  	[tilespmem:s10+$0xFFFFFFD0] =	vst v7  }
0xcd: {  	[spmem:s3] =	stream.indirect.scatter.add.f32 [tilespmem:s23], [sflag:$0x5], $0x80, s5, s21, $0xb8;
	[tilespmem:$0x1F900] =	vst v63  }
0xce: {  	_ =	swait.ge [sflag:s25], $0x6800  }
0xcf: {  	[sflag:s25] =	ssyncset.done $0x0  }
0xd0: {  	[sflag:s25] =	ssyncadd.s32 $0xFFFF9800  }
0xd1: {  	[tilespmem:$0x18E00] =	vst v1  }
0xd2: {  	[tilespmem:$0x18F00] =	vst v1  }
0xd3: {  	[tilespmem:$0x19000] =	vst v0  }
0xd4: {  	[tilespmem:$0x18E10] =	vst v1  }
0xd5: {  	[tilespmem:$0x18F10] =	vst v1  }
0xd6: {  	[tilespmem:$0x19010] =	vst v0  }
0xd7: {  	[tilespmem:$0x18E20] =	vst v1  }
0xd8: {  	[tilespmem:$0x18F20] =	vst v1  }
0xd9: {  	[tilespmem:$0x19020] =	vst v0  }
0xda: {  	[tilespmem:$0x18E30] =	vst v1  }
0xdb: {  	[tilespmem:$0x18F30] =	vst v1  }
0xdc: {  	[tilespmem:$0x19030] =	vst v0  }
0xdd: {  	[tilespmem:$0x18E40] =	vst v1  }
0xde: {  	[tilespmem:$0x18F40] =	vst v1  }
0xdf: {  	[tilespmem:$0x19040] =	vst v0  }
0xe0: {  	[tilespmem:$0x18E50] =	vst v1  }
0xe1: {  	[tilespmem:$0x18F50] =	vst v1  }
0xe2: {  	[tilespmem:$0x19050] =	vst v0  }
0xe3: {  	[tilespmem:$0x18E60] =	vst v1  }
0xe4: {  	[tilespmem:$0x18F60] =	vst v1  }
0xe5: {  	[tilespmem:$0x19060] =	vst v0  }
0xe6: {  	[tilespmem:$0x18E70] =	vst v1  }
0xe7: {  	[tilespmem:$0x18F70] =	vst v1  }
0xe8: {  	[tilespmem:$0x19070] =	vst v0  }
0xe9: {  	[tilespmem:$0x18E80] =	vst v1  }
0xea: {  	[tilespmem:$0x18F80] =	vst v1  }
0xeb: {  	[tilespmem:$0x19080] =	vst v0  }
0xec: {  	[tilespmem:$0x18E90] =	vst v1  }
0xed: {  	[tilespmem:$0x18F90] =	vst v1  }
0xee: {  	[tilespmem:$0x19090] =	vst v0  }
0xef: {  	[tilespmem:$0x18EA0] =	vst v1  }
0xf0: {  	[tilespmem:$0x18FA0] =	vst v1  }
0xf1: {  	[tilespmem:$0x190A0] =	vst v0  }
0xf2: {  	[tilespmem:$0x18EB0] =	vst v1  }
.Ltmp11:
0xf3: {  	[tilespmem:$0x18FB0] =	vst v1;
	(pc) =	sbr.rel .LBB2_10-.Ltmp11, $4  }
0xf4: {  	[tilespmem:$0x190B0] =	vst v0  }
0xf5: {  	[tilespmem:$0x18EC0] =	vst v1  }
0xf6: {  	[tilespmem:$0x18FC0] =	vst v1  }
0xf7: {  	s10 =	simm.s32 $0x0;
	[tilespmem:$0x190C0] =	vst v0  }
.LBB2_11:
0xf8: {  	_ =	swait.ge [sflag:s26], $0x100  }
0xf9: {  	[sflag:s26] =	ssyncset.done $0x0  }
0xfa: {  	[sflag:s26] =	ssyncadd.s32 $0xFFFFFF00  }
0xfb: {  	_ =	swait.ge [sflag:s26], $0x100  }
0xfc: {  	[sflag:s26] =	ssyncset.done $0x0  }
0xfd: {  	p1 =	seq.s32 s13, $0x4A;
	[sflag:s26] =	ssyncadd.s32 $0xFFFFFF00  }
0xfe: {  	s9 =	sadd.s32 @!p1 s15, s19;
	_ =	swait.ge [sflag:s26], $0x100  }
0xff: {  	s16 =	simm.s32 @!p1 $0x0;
	s9 =	sshrl.u32 @!p1 s9, $0x3;
	[sflag:s26] =	ssyncset.done $0x0  }
0x100: {  	s17 =	simm.s32 @!p1 $0x18800;
	s15 =	sadd.s32 @!p1 s6, s9;
	[sflag:s26] =	ssyncadd.s32 $0xFFFFFF00  }
0x101: {  	[tilespmem:s17], [sflag:$0x1] =	stream.linear.gather @!p1 [hbm4b:s15+s16], $0x100, $0x38;
	[tilespmem:$0x1F900] =	vst v63  }
.Ltmp12:
0x102: {  	s15 =	sadd.s32 @!p1 s7, s9;
	s17 =	simm.s32 @!p1 $0x18900;
	(pc) =	sbr.rel .LBB2_12-.Ltmp12, $4  }
0x103: {  	[tilespmem:s17], [sflag:$0x1] =	stream.linear.gather @!p1 [hbm4b:s15+s16], $0x100, $0x38;
	[tilespmem:$0x1F900] =	vst v63  }
0x104: {  	s9 =	sadd.s32 @!p1 s8, s9;
	s15 =	simm.s32 @!p1 $0x18A00  }
0x105: {  	[tilespmem:s15], [sflag:$0x1] =	stream.linear.gather @!p1 [hbm4b:s9+s16], $0x100, $0x38;
	[tilespmem:$0x1F900] =	vst v63  }
0x106: {  	s15 =	simm.s32 $0x0  }
.LBB2_16:
0x107: {  	s9 =	sor.u32 s14, s16  }
0x108: {  	vm1 =	vge.s32 v5, v2;
	vm2 =	vlt.s32 v5, v3;
	vm3 =	vmmov vm0;
	p1 =	slt.u32 s9, $0x927C0  }
0x109: {  	vm1 =	vmand vm1, vm2;
	vm3 =	vmneg @p1 vm3  }
0x10a: {  	vm1 =	vmand vm3, vm1  }
0x10b: {  	v7 =	vsel vm1, $0x1, v1  }
0x10c: {  	(xrf0) =	vadd.scan.msk.s32 $0xffff, v7;
	_ =	sdelay $0x5  }
0x10d: {  	v7, _, _ =	vpop (xrf0)  }
0x10e: {  	(v2sf) =	vpush v7, $0xF;
	_ =	sdelay $0xa  }
0x10f: {  	s15 =	sadd.s32 $0x1, s15  }
0x110: {  	p1 =	sne.s32 s15, $0x10  }
.Ltmp13:
0x111: {  	v5 =	vsub.s32 v5, v2;
	(pc) =	sbr.rel @!p1 .LBB2_17-.Ltmp13, $4  }
0x112: {  	v6 =	vadd.s32 $0xC350, v6;
	[tilespmem:s10+$0x18E00] =	vst.msk vm1, v5  }
0x113: {  	[tilespmem:s10+$0x18F00] =	vst.msk vm1, v6;
	s28 =	spop (v2sf)  }
0x114: {  	[tilespmem:s10+$0x19000] =	vst.msk vm1, v4;
	s10 =	sadd.s32 s28, s10  }
0x115: {  	[smem:$0x0] =	sst s10  }
.LBB2_12:
0x116: {  	p1 =	slt.s32 s10, $0xC1  }
.Ltmp14:
0x117: {  	s16 =	sshll.u32 s15, $0x4;
	(pc) =	sbr.rel @p1 .LBB2_16-.Ltmp14, $3  }
0x118: {  	v5 =	vld [tilespmem:s16+$0x18B00];
	_ =	sdelay $0x1  }
0x119: {  	v6 =	vld [tilespmem:s16+$0x18C00]  }
0x11a: {  	v4 =	vld [tilespmem:s16+$0x18D00]  }
0x11b: {  	[tilespmem:s23], [sflag:$0x3] =	stream.indirect.gather [hbm4b:s1+s21], $0x80, s2, s21, $0xb8;
	[tilespmem:$0x1F900] =	vst v63  }
0x11c: {  	s9 =	simm.s32 $0x0;
	_ =	swait.ge [sflag:s20], $0x6800  }
0x11d: {  	v7 =	vmov s9;
	[sflag:s20] =	ssyncset.done $0x0  }
0x11e: {  	s10 =	simm.s32 $0x19140;
	[sflag:s20] =	ssyncadd.s32 $0xFFFF9800  }
0x11f: {  	v11 =	vld [tilespmem:s10+$0x30]  }
0x120: {  	v14 =	vld [tilespmem:s10+$0x10]  }
0x121: {  	v12 =	vld [tilespmem:s10+$0xFFFFFFC0]  }
0x122: {  	v8 =	vld.idx.msk [tilespmem:v7+s22+$0x0], $0xffff  }
0x123: {  	v16 =	vld [tilespmem:s10+$0xFFFFFFE0]  }
0x124: {  	v9 =	vld [tilespmem:s10+$0x20]  }
0x125: {  	v10 =	vld [tilespmem:s10+$0xFFFFFFD0]  }
0x126: {  	v7 =	vld [tilespmem:s10+$0xFFFFFFF0]  }
0x127: {  	v15 =	vmul.f32 v11, v8;
	v11 =	vld [tilespmem:s10+$0x0]  }
0x128: {  	v13 =	vmul.f32 v12, v8  }
0x129: {  	s17 =	simm.s32 $0x1;
	s9 =	simm.s32 $0x19140;
	v12 =	vmul.f32 v16, v8;
	v14 =	vmul.f32 v14, v8  }
.LBB2_14:
0x12a: {  	p1 =	sne.s32 s17, $0xCF  }
0x12b: {  	v10 =	vmul.f32 v10, v8;
	v9 =	vmul.f32 v9, v8;
	[tilespmem:s10+$0x30] =	vst v15;
	s9 =	sadd.s32 $0x80, s9;
	s18 =	smov.u32 s17;
	s17 =	sadd.s32 $0x1, s17  }
0x12c: {  	[tilespmem:s10+$0xFFFFFFC0] =	vst v13;
	v13 =	vmul.f32 v7, v8;
	v8 =	vmul.f32 v11, v8  }
0x12d: {  	[tilespmem:s10+$0x10] =	vst v14  }
0x12e: {  	v11 =	vmov s18;
	[tilespmem:s10+$0xFFFFFFE0] =	vst v12  }
0x12f: {  	v7 =	vld [tilespmem:s9+$0xFFFFFFF0];
	[tilespmem:s10+$0xFFFFFFF0] =	vst v13  }
0x130: {  	v12 =	vld [tilespmem:s9+$0x30];
	[tilespmem:s10+$0x0] =	vst v8  }
0x131: {  	v14 =	vld [tilespmem:s9+$0x10];
	[tilespmem:s10+$0x20] =	vst v9  }
0x132: {  	v13 =	vld [tilespmem:s9+$0xFFFFFFC0];
	[tilespmem:s10+$0xFFFFFFD0] =	vst v10;
	s10 =	smov.u32 s9  }
0x133: {  	v8 =	vld.idx.msk [tilespmem:v11+s22+$0x0], $0xffff  }
0x134: {  	v16 =	vld [tilespmem:s9+$0xFFFFFFE0]  }
0x135: {  	v9 =	vld [tilespmem:s9+$0x20]  }
.Ltmp15:
0x136: {  	v10 =	vld [tilespmem:s9+$0xFFFFFFD0];
	(pc) =	sbr.rel @p1 .LBB2_14-.Ltmp15, $3  }
0x137: {  	v11 =	vld [tilespmem:s9+$0x0];
	_ =	sdelay $0x1  }
0x138: {  	v13 =	vmul.f32 v13, v8;
	v15 =	vmul.f32 v12, v8  }
0x139: {  	v14 =	vmul.f32 v14, v8;
	v12 =	vmul.f32 v16, v8  }
0x13a: {  	[tilespmem:s10+$0x30] =	vst v15  }
0x13b: {  	[tilespmem:s10+$0xFFFFFFC0] =	vst v13  }
0x13c: {  	v7 =	vmul.f32 v7, v8;
	[tilespmem:s10+$0x10] =	vst v14  }
0x13d: {  	v9 =	vmul.f32 v9, v8;
	[tilespmem:s10+$0xFFFFFFE0] =	vst v12  }
0x13e: {  	v11 =	vmul.f32 v11, v8;
	[tilespmem:s10+$0xFFFFFFF0] =	vst v7  }
0x13f: {  	v7 =	vmul.f32 v10, v8;
	[tilespmem:s10+$0x20] =	vst v9  }
0x140: {  	[tilespmem:s10+$0x0] =	vst v11  }
0x141: {  	[tilespmem:s10+$0xFFFFFFD0] =	vst v7  }
0x142: {  	[spmem:s3] =	stream.indirect.scatter.add.f32 [tilespmem:s23], [sflag:$0x5], $0x80, s5, s21, $0xb8;
	[tilespmem:$0x1F900] =	vst v63  }
0x143: {  	_ =	swait.ge [sflag:s25], $0x6800  }
0x144: {  	[sflag:s25] =	ssyncset.done $0x0  }
0x145: {  	[sflag:s25] =	ssyncadd.s32 $0xFFFF9800  }
0x146: {  	[tilespmem:$0x18E00] =	vst v1  }
0x147: {  	[tilespmem:$0x18F00] =	vst v1  }
0x148: {  	[tilespmem:$0x19000] =	vst v0  }
0x149: {  	[tilespmem:$0x18E10] =	vst v1  }
0x14a: {  	[tilespmem:$0x18F10] =	vst v1  }
0x14b: {  	[tilespmem:$0x19010] =	vst v0  }
0x14c: {  	[tilespmem:$0x18E20] =	vst v1  }
0x14d: {  	[tilespmem:$0x18F20] =	vst v1  }
0x14e: {  	[tilespmem:$0x19020] =	vst v0  }
0x14f: {  	[tilespmem:$0x18E30] =	vst v1  }
0x150: {  	[tilespmem:$0x18F30] =	vst v1  }
0x151: {  	[tilespmem:$0x19030] =	vst v0  }
0x152: {  	[tilespmem:$0x18E40] =	vst v1  }
0x153: {  	[tilespmem:$0x18F40] =	vst v1  }
0x154: {  	[tilespmem:$0x19040] =	vst v0  }
0x155: {  	[tilespmem:$0x18E50] =	vst v1  }
0x156: {  	[tilespmem:$0x18F50] =	vst v1  }
0x157: {  	[tilespmem:$0x19050] =	vst v0  }
0x158: {  	[tilespmem:$0x18E60] =	vst v1  }
0x159: {  	[tilespmem:$0x18F60] =	vst v1  }
0x15a: {  	[tilespmem:$0x19060] =	vst v0  }
0x15b: {  	[tilespmem:$0x18E70] =	vst v1  }
0x15c: {  	[tilespmem:$0x18F70] =	vst v1  }
0x15d: {  	[tilespmem:$0x19070] =	vst v0  }
0x15e: {  	[tilespmem:$0x18E80] =	vst v1  }
0x15f: {  	[tilespmem:$0x18F80] =	vst v1  }
0x160: {  	[tilespmem:$0x19080] =	vst v0  }
0x161: {  	[tilespmem:$0x18E90] =	vst v1  }
0x162: {  	[tilespmem:$0x18F90] =	vst v1  }
0x163: {  	[tilespmem:$0x19090] =	vst v0  }
0x164: {  	[tilespmem:$0x18EA0] =	vst v1  }
0x165: {  	[tilespmem:$0x18FA0] =	vst v1  }
0x166: {  	[tilespmem:$0x190A0] =	vst v0  }
0x167: {  	[tilespmem:$0x18EB0] =	vst v1  }
.Ltmp16:
0x168: {  	[tilespmem:$0x18FB0] =	vst v1;
	(pc) =	sbr.rel .LBB2_16-.Ltmp16, $4  }
0x169: {  	[tilespmem:$0x190B0] =	vst v0  }
0x16a: {  	[tilespmem:$0x18EC0] =	vst v1  }
0x16b: {  	[tilespmem:$0x18FC0] =	vst v1  }
0x16c: {  	s10 =	simm.s32 $0x0;
	[tilespmem:$0x190C0] =	vst v0  }
.LBB2_18:
0x16d: {  	p1 =	slt.s32 s10, $0x1  }
.Ltmp17:
0x16e: {  	_ = 	snop;
	(pc) =	sbr.rel @p1 .LBB2_22-.Ltmp17, $1  }
0x16f: {  	_ =	sdelay $0x3  }
0x170: {  	[tilespmem:s23], [sflag:$0x3] =	stream.indirect.gather [hbm4b:s1+s21], $0x80, s2, s21, $0xb8;
	[tilespmem:$0x1F900] =	vst v63  }
0x171: {  	s9 =	simm.s32 $0x0;
	_ =	swait.ge [sflag:s20], $0x6800  }
0x172: {  	v2 =	vmov s9;
	[sflag:s20] =	ssyncset.done $0x0  }
0x173: {  	s10 =	simm.s32 $0x19140;
	[sflag:s20] =	ssyncadd.s32 $0xFFFF9800  }
0x174: {  	v6 =	vld [tilespmem:s10+$0x30]  }
0x175: {  	v9 =	vld [tilespmem:s10+$0x10]  }
0x176: {  	v7 =	vld [tilespmem:s10+$0xFFFFFFC0]  }
0x177: {  	v3 =	vld.idx.msk [tilespmem:v2+s22+$0x0], $0xffff  }
0x178: {  	v11 =	vld [tilespmem:s10+$0xFFFFFFE0]  }
0x179: {  	v4 =	vld [tilespmem:s10+$0x20]  }
0x17a: {  	v5 =	vld [tilespmem:s10+$0xFFFFFFD0]  }
0x17b: {  	v2 =	vld [tilespmem:s10+$0xFFFFFFF0]  }
0x17c: {  	v10 =	vmul.f32 v6, v3;
	v6 =	vld [tilespmem:s10+$0x0]  }
0x17d: {  	v8 =	vmul.f32 v7, v3  }
0x17e: {  	s12 =	simm.s32 $0x1;
	s9 =	simm.s32 $0x19140;
	v7 =	vmul.f32 v11, v3;
	v9 =	vmul.f32 v9, v3  }
.LBB2_20:
0x17f: {  	p1 =	sne.s32 s12, $0xCF  }
0x180: {  	v5 =	vmul.f32 v5, v3;
	v4 =	vmul.f32 v4, v3;
	[tilespmem:s10+$0x30] =	vst v10;
	s9 =	sadd.s32 $0x80, s9;
	s13 =	smov.u32 s12;
	s12 =	sadd.s32 $0x1, s12  }
0x181: {  	[tilespmem:s10+$0xFFFFFFC0] =	vst v8;
	v8 =	vmul.f32 v2, v3;
	v3 =	vmul.f32 v6, v3  }
0x182: {  	[tilespmem:s10+$0x10] =	vst v9  }
0x183: {  	v6 =	vmov s13;
	[tilespmem:s10+$0xFFFFFFE0] =	vst v7  }
0x184: {  	v2 =	vld [tilespmem:s9+$0xFFFFFFF0];
	[tilespmem:s10+$0xFFFFFFF0] =	vst v8  }
0x185: {  	v7 =	vld [tilespmem:s9+$0x30];
	[tilespmem:s10+$0x0] =	vst v3  }
0x186: {  	v9 =	vld [tilespmem:s9+$0x10];
	[tilespmem:s10+$0x20] =	vst v4  }
0x187: {  	v8 =	vld [tilespmem:s9+$0xFFFFFFC0];
	[tilespmem:s10+$0xFFFFFFD0] =	vst v5;
	s10 =	smov.u32 s9  }
0x188: {  	v3 =	vld.idx.msk [tilespmem:v6+s22+$0x0], $0xffff  }
0x189: {  	v11 =	vld [tilespmem:s9+$0xFFFFFFE0]  }
0x18a: {  	v4 =	vld [tilespmem:s9+$0x20]  }
.Ltmp18:
0x18b: {  	v5 =	vld [tilespmem:s9+$0xFFFFFFD0];
	(pc) =	sbr.rel @p1 .LBB2_20-.Ltmp18, $3  }
0x18c: {  	v6 =	vld [tilespmem:s9+$0x0];
	_ =	sdelay $0x1  }
0x18d: {  	v8 =	vmul.f32 v8, v3;
	v10 =	vmul.f32 v7, v3  }
0x18e: {  	v9 =	vmul.f32 v9, v3;
	v7 =	vmul.f32 v11, v3  }
0x18f: {  	[tilespmem:s10+$0x30] =	vst v10  }
0x190: {  	[tilespmem:s10+$0xFFFFFFC0] =	vst v8  }
0x191: {  	v2 =	vmul.f32 v2, v3;
	[tilespmem:s10+$0x10] =	vst v9  }
0x192: {  	v4 =	vmul.f32 v4, v3;
	[tilespmem:s10+$0xFFFFFFE0] =	vst v7  }
0x193: {  	v6 =	vmul.f32 v6, v3;
	[tilespmem:s10+$0xFFFFFFF0] =	vst v2  }
0x194: {  	v2 =	vmul.f32 v5, v3;
	[tilespmem:s10+$0x20] =	vst v4  }
0x195: {  	[tilespmem:s10+$0x0] =	vst v6  }
0x196: {  	[tilespmem:s10+$0xFFFFFFD0] =	vst v2  }
0x197: {  	[spmem:s3] =	stream.indirect.scatter.add.f32 [tilespmem:s23], [sflag:$0x5], $0x80, s5, s21, $0xb8;
	[tilespmem:$0x1F900] =	vst v63  }
0x198: {  	_ =	swait.ge [sflag:s25], $0x6800  }
0x199: {  	[sflag:s25] =	ssyncset.done $0x0  }
0x19a: {  	[sflag:s25] =	ssyncadd.s32 $0xFFFF9800  }
0x19b: {  	[tilespmem:$0x18E00] =	vst v1  }
0x19c: {  	[tilespmem:$0x18F00] =	vst v1  }
0x19d: {  	[tilespmem:$0x19000] =	vst v0  }
0x19e: {  	[tilespmem:$0x18E10] =	vst v1  }
0x19f: {  	[tilespmem:$0x18F10] =	vst v1  }
0x1a0: {  	[tilespmem:$0x19010] =	vst v0  }
0x1a1: {  	[tilespmem:$0x18E20] =	vst v1  }
0x1a2: {  	[tilespmem:$0x18F20] =	vst v1  }
0x1a3: {  	[tilespmem:$0x19020] =	vst v0  }
0x1a4: {  	[tilespmem:$0x18E30] =	vst v1  }
0x1a5: {  	[tilespmem:$0x18F30] =	vst v1  }
0x1a6: {  	[tilespmem:$0x19030] =	vst v0  }
0x1a7: {  	[tilespmem:$0x18E40] =	vst v1  }
0x1a8: {  	[tilespmem:$0x18F40] =	vst v1  }
0x1a9: {  	[tilespmem:$0x19040] =	vst v0  }
0x1aa: {  	[tilespmem:$0x18E50] =	vst v1  }
0x1ab: {  	[tilespmem:$0x18F50] =	vst v1  }
0x1ac: {  	[tilespmem:$0x19050] =	vst v0  }
0x1ad: {  	[tilespmem:$0x18E60] =	vst v1  }
0x1ae: {  	[tilespmem:$0x18F60] =	vst v1  }
0x1af: {  	[tilespmem:$0x19060] =	vst v0  }
0x1b0: {  	[tilespmem:$0x18E70] =	vst v1  }
0x1b1: {  	[tilespmem:$0x18F70] =	vst v1  }
0x1b2: {  	[tilespmem:$0x19070] =	vst v0  }
0x1b3: {  	[tilespmem:$0x18E80] =	vst v1  }
0x1b4: {  	[tilespmem:$0x18F80] =	vst v1  }
0x1b5: {  	[tilespmem:$0x19080] =	vst v0  }
0x1b6: {  	[tilespmem:$0x18E90] =	vst v1  }
0x1b7: {  	[tilespmem:$0x18F90] =	vst v1  }
0x1b8: {  	[tilespmem:$0x19090] =	vst v0  }
0x1b9: {  	[tilespmem:$0x18EA0] =	vst v1  }
0x1ba: {  	[tilespmem:$0x18FA0] =	vst v1  }
0x1bb: {  	[tilespmem:$0x190A0] =	vst v0  }
0x1bc: {  	[tilespmem:$0x18EB0] =	vst v1  }
0x1bd: {  	[tilespmem:$0x18FB0] =	vst v1  }
0x1be: {  	[tilespmem:$0x190B0] =	vst v0  }
0x1bf: {  	[tilespmem:$0x18EC0] =	vst v1  }
0x1c0: {  	s9 =	simm.s32 $0x0;
	[tilespmem:$0x18FC0] =	vst v1  }
0x1c1: {  	[tilespmem:$0x190C0] =	vst v0;
	[smem:$0x0] =	sst s9  }
.LBB2_22:
0x1c2: {  	s9 =	rddreg [dreg:$0x7]  }
0x1c3: {  	s10 =	rddreg [dreg:$0x15]  }
0x1c4: {  	s9 =	sadd.s32 s9, s10  }
0x1c5: {  	p1 =	slt.u32 s9, $0xC041  }
.Ltmp19:
0x1c6: {  	_ = 	snop;
	(pc) =	sbr.rel @p1 .LBB2_54-.Ltmp19, $4  }
0x1c7: {  	_ = 	snop  }
0x1c8: {  	[bflag:$0x0] =	sbarrier.arrive $0xFFFF  }
0x1c9: {  	s12 =	sshll.u32 s4, $0x6;
	s28 =	rddreg [dreg:$0x6]  }
0x1ca: {  	s18 =	sor.u32 $0x1C05, s12;
	s10 =	sshll.u32 s9, $0x4;
	s24 =	sshrl.u32 s28, $0x3  }
0x1cb: {  	s9 =	ssub.s32 $0xC350, s9  }
0x1cc: {  	s9 =	smin.u32 s9, $0x310  }
0x1cd: {  	s12 =	rddreg [dreg:$0x2];
	p1 =	sle.u32 s9, $0x0  }
0x1ce: {  	s16 =	rddreg [dreg:$0x6];
	s10 =	sadd.s32 s10, s12;
	s12 =	sshll.u32 @!p1 s4, $0x6  }
0x1cf: {  	s13 =	sshrl.u32 @!p1 s16, $0x3;
	s15 =	simm.s32 @!p1 $0x5;
	s12 =	sor.u32 @!p1 $0x1C05, s12  }
0x1d0: {  	[hbm:s10], [sflag:s12] =	dma.local @!p1 [spmem:s13], $0x100  }
0x1d1: {  	s14 =	simm.s32 $0x20;
	s12 =	simm.s32 $0x10;
	_ =	swait.ge @!p1 [sflag:s15], $0x100  }
0x1d2: {  	s13 =	sadd.s32 $0x800, s16;
	s10 =	sadd.s32 $0x100, s10;
	[sflag:s15] =	ssyncset.done @!p1 $0x0  }
.LBB2_24:
0x1d3: {  	[sflag:s15] =	ssyncadd.s32 @!p1 $0xFFFFFF00  }
0x1d4: {  	p1 =	sge.u32 s12, s9;
	s12 =	smov.u32 s14;
	s14 =	sadd.s32 $0x10, s14  }
0x1d5: {  	p2 =	sne.s32 s14, $0x310  }
.Ltmp20:
0x1d6: {  	s15 =	sshll.u32 @!p1 s4, $0x6;
	s16 =	sshrl.u32 @!p1 s13, $0x3;
	(pc) =	sbr.rel @p2 .LBB2_24-.Ltmp20, $4  }
0x1d7: {  	s17 =	sor.u32 @!p1 $0x1C05, s15;
	s15 =	simm.s32 @!p1 $0x5  }
0x1d8: {  	[hbm:s10], [sflag:s17] =	dma.local @!p1 [spmem:s16], $0x100  }
0x1d9: {  	_ =	swait.ge @!p1 [sflag:s15], $0x100  }
0x1da: {  	s13 =	sadd.s32 $0x800, s13;
	s10 =	sadd.s32 $0x100, s10;
	[sflag:s15] =	ssyncset.done @!p1 $0x0  }
0x1db: {  	p2 =	sge.u32 s12, s9  }
0x1dc: {  	[sflag:s15] =	ssyncadd.s32 @!p1 $0xFFFFFF00;
	s9 =	sshll.u32 @!p2 s4, $0x6;
	s12 =	sshrl.u32 @!p2 s13, $0x3  }
.Ltmp21:
0x1dd: {  	s13 =	simm.s32 @!p2 $0x5;
	s9 =	sor.u32 @!p2 $0x1C05, s9;
	(pc) =	sbr.rel .LBB2_26-.Ltmp21, $4  }
0x1de: {  	[hbm:s10], [sflag:s9] =	dma.local @!p2 [spmem:s12], $0x100  }
0x1df: {  	_ =	swait.ge @!p2 [sflag:s13], $0x100  }
0x1e0: {  	[sflag:s13] =	ssyncset.done @!p2 $0x0  }
0x1e1: {  	[sflag:s13] =	ssyncadd.s32 @!p2 $0xFFFFFF00  }
.LBB2_55:
0x1e2: {  	s10 =	rddreg [dreg:$0xe]  }
0x1e3: {  	s9 =	sshll.u32 s9, $0x4;
	s18 =	rddreg [dreg:$0x12]  }
0x1e4: {  	s24 =	rddreg [dreg:$0x13];
	s9 =	sadd.s32 s9, s10  }
0x1e5: {  	[hbm:s9], [sflag:s18] =	dma.local [spmem:s24], $0x3100  }
0x1e6: {  	_ =	swait.ge [sflag:s25], $0x3100  }
0x1e7: {  	[sflag:s25] =	ssyncset.done $0x0  }
0x1e8: {  	[sflag:s25] =	ssyncadd.s32 $0xFFFFCF00  }
.LBB2_51:
.Ltmp22:
0x1e9: {  	(pc) =	sbr.rel @!p0 .LBB2_52-.Ltmp22, $2  }
0x1ea: {  	_ =	sdelay $0x2  }
0x1eb: {  	s12 =	simm.s32 $0x3100;
	p1 =	por $0x0, $0x0  }
.LBB2_27:
0x1ec: {  	[dreg:$0x13] =	wrdreg s24  }
0x1ed: {  	[dreg:$0x12] =	wrdreg s18  }
0x1ee: {  	p0 =	por p1, p1;
	s9 =	simm.s32 $0x0;
	s10 =	simm.s32 $0x200  }
.LBB2_28:
0x1ef: {  	p1 =	sne.s32 s10, $0x19E00;
	[tilespmem:s9+$0x19170] =	vst v0  }
0x1f0: {  	[tilespmem:s9+$0x19100] =	vst v0  }
0x1f1: {  	[tilespmem:s9+$0x19110] =	vst v0  }
.Ltmp23:
0x1f2: {  	[tilespmem:s9+$0x19120] =	vst v0;
	(pc) =	sbr.rel @p1 .LBB2_28-.Ltmp23, $4  }
0x1f3: {  	[tilespmem:s9+$0x19130] =	vst v0  }
0x1f4: {  	[tilespmem:s9+$0x19140] =	vst v0  }
0x1f5: {  	[tilespmem:s9+$0x19150] =	vst v0  }
0x1f6: {  	[tilespmem:s9+$0x19160] =	vst v0;
	s9 =	sshra.s32 s10, $0x2;
	s10 =	sadd.s32 $0x200, s10  }
0x1f7: {  	[tilespmem:s9+$0x19170] =	vst v0  }
0x1f8: {  	[tilespmem:s9+$0x19100] =	vst v0  }
0x1f9: {  	[tilespmem:s9+$0x19110] =	vst v0  }
0x1fa: {  	[tilespmem:s9+$0x19120] =	vst v0  }
0x1fb: {  	[tilespmem:s9+$0x19130] =	vst v0  }
0x1fc: {  	[tilespmem:s9+$0x19140] =	vst v0  }
0x1fd: {  	[tilespmem:s9+$0x19150] =	vst v0  }
0x1fe: {  	[tilespmem:s9+$0x19160] =	vst v0;
	s15 =	rddreg [dreg:$0x6]  }
0x1ff: {  	[spmem:s15] =	stream.linear.scatter [tilespmem:s23], [sflag:$0x4], $0x6800, $0x38;
	[tilespmem:$0x1F900] =	vst v63  }
0x200: {  	s16 =	rddreg [dreg:$0x8]  }
0x201: {  	[spmem:s16] =	stream.linear.scatter [tilespmem:s23], [sflag:$0x4], $0x6800, $0x38;
	[tilespmem:$0x1F900] =	vst v63  }
0x202: {  	s17 =	rddreg [dreg:$0x9]  }
0x203: {  	[spmem:s17] =	stream.linear.scatter [tilespmem:s23], [sflag:$0x4], $0x6800, $0x38;
	[tilespmem:$0x1F900] =	vst v63  }
0x204: {  	s18 =	rddreg [dreg:$0xa];
	s24 =	simm.s32 $0x4  }
0x205: {  	[spmem:s18] =	stream.linear.scatter [tilespmem:s23], [sflag:$0x4], $0x5000, $0x38;
	[tilespmem:$0x1F900] =	vst v63  }
0x206: {  	_ =	swait.ge [sflag:s24], $0x6800  }
0x207: {  	[sflag:s24] =	ssyncset.done $0x0  }
0x208: {  	[sflag:s24] =	ssyncadd.s32 $0xFFFF9800  }
0x209: {  	_ =	swait.ge [sflag:s24], $0x6800  }
0x20a: {  	[sflag:s24] =	ssyncset.done $0x0  }
0x20b: {  	[sflag:s24] =	ssyncadd.s32 $0xFFFF9800  }
0x20c: {  	_ =	swait.ge [sflag:s24], $0x6800  }
0x20d: {  	[sflag:s24] =	ssyncset.done $0x0  }
0x20e: {  	[sflag:s24] =	ssyncadd.s32 $0xFFFF9800  }
0x20f: {  	_ =	swait.ge [sflag:s24], $0x5000  }
0x210: {  	[sflag:s24] =	ssyncset.done $0x0  }
0x211: {  	[sflag:s24] =	ssyncadd.s32 $0xFFFFB000  }
0x212: {  	[bflag:$0x0] =	sbarrier.arrive $0xFFFF  }
0x213: {  	[tilespmem:$0x18E00] =	vst v1  }
0x214: {  	[tilespmem:$0x18F00] =	vst v1  }
0x215: {  	[tilespmem:$0x19000] =	vst v0  }
0x216: {  	[tilespmem:$0x18E10] =	vst v1  }
0x217: {  	[tilespmem:$0x18F10] =	vst v1  }
0x218: {  	[tilespmem:$0x19010] =	vst v0  }
0x219: {  	[tilespmem:$0x18E20] =	vst v1  }
0x21a: {  	[tilespmem:$0x18F20] =	vst v1  }
0x21b: {  	[tilespmem:$0x19020] =	vst v0  }
0x21c: {  	[tilespmem:$0x18E30] =	vst v1  }
0x21d: {  	[tilespmem:$0x18F30] =	vst v1  }
0x21e: {  	[tilespmem:$0x19030] =	vst v0  }
0x21f: {  	[tilespmem:$0x18E40] =	vst v1  }
0x220: {  	[tilespmem:$0x18F40] =	vst v1  }
0x221: {  	[tilespmem:$0x19040] =	vst v0  }
0x222: {  	[tilespmem:$0x18E50] =	vst v1  }
0x223: {  	[tilespmem:$0x18F50] =	vst v1  }
0x224: {  	[tilespmem:$0x19050] =	vst v0  }
0x225: {  	[tilespmem:$0x18E60] =	vst v1  }
0x226: {  	[tilespmem:$0x18F60] =	vst v1  }
0x227: {  	[tilespmem:$0x19060] =	vst v0  }
0x228: {  	[tilespmem:$0x18E70] =	vst v1  }
0x229: {  	[tilespmem:$0x18F70] =	vst v1  }
0x22a: {  	[tilespmem:$0x19070] =	vst v0  }
0x22b: {  	[tilespmem:$0x18E80] =	vst v1  }
0x22c: {  	[tilespmem:$0x18F80] =	vst v1  }
0x22d: {  	[tilespmem:$0x19080] =	vst v0  }
0x22e: {  	[tilespmem:$0x18E90] =	vst v1  }
0x22f: {  	[tilespmem:$0x18F90] =	vst v1  }
0x230: {  	[tilespmem:$0x19090] =	vst v0  }
0x231: {  	[tilespmem:$0x18EA0] =	vst v1  }
0x232: {  	s14 =	simm.s32 $0x0;
	[tilespmem:$0x18FA0] =	vst v1  }
0x233: {  	[tilespmem:$0x190A0] =	vst v0;
	[smem:$0x0] =	sst s14  }
0x234: {  	[tilespmem:$0x18EB0] =	vst v1;
	s28 =	rddreg [dreg:$0xc]  }
0x235: {  	[tilespmem:$0x18FB0] =	vst v1;
	s13 =	rddreg [dreg:$0xb]  }
0x236: {  	[tilespmem:$0x190B0] =	vst v0;
	s16 =	rddreg [dreg:$0x5]  }
0x237: {  	[tilespmem:$0x18EC0] =	vst v1;
	[dreg:$0x14] =	wrdreg s12  }
0x238: {  	[tilespmem:$0x18FC0] =	vst v1;
	s18 =	rddreg [dreg:$0xd]  }
0x239: {  	s10 =	simm.s32 $0x18800;
	[tilespmem:$0x190C0] =	vst v0;
	[smem:$0x1] =	sst s14  }
0x23a: {  	[tilespmem:s10], [sflag:$0x1] =	stream.linear.gather [hbm4b:s28+s14], $0x100, $0x38;
	[tilespmem:$0x1F900] =	vst v63  }
0x23b: {  	s15 =	simm.s32 $0x18900;
	s17 =	sadd.s32 s16, s12;
	[smem:$0x2] =	sst s14  }
0x23c: {  	[tilespmem:s15], [sflag:$0x1] =	stream.linear.gather [hbm4b:s13+s14], $0x100, $0x38;
	[tilespmem:$0x1F900] =	vst v63  }
.Ltmp24:
0x23d: {  	[dreg:$0x16] =	wrdreg s17;
	(pc) =	sbr.rel .LBB2_30-.Ltmp24, $4  }
0x23e: {  	[smem:$0x3] =	sst s14  }
0x23f: {  	s24 =	simm.s32 $0x18A00;
	s28 =	sadd.s32 $0x3100, s17;
	[smem:$0x4] =	sst s14  }
0x240: {  	[tilespmem:s24], [sflag:$0x1] =	stream.linear.gather [hbm4b:s18+s14], $0x100, $0x38;
	[tilespmem:$0x1F900] =	vst v63  }
0x241: {  	s10 =	simm.s32 $0x0;
	v2 =	vmov s17;
	v3 =	vmov s28;
	s15 =	simm.s32 $0x0;
	[smem:$0x5] =	sst s14  }
.LBB2_42:
0x242: {  	s15 =	sadd.s32 $0x1, s15  }
0x243: {  	p1 =	sne.s32 s15, $0x4B  }
.Ltmp25:
0x244: {  	_ = 	snop;
	(pc) =	sbr.rel @!p1 .LBB2_43-.Ltmp25, $1  }
0x245: {  	_ =	sdelay $0x3  }
.LBB2_30:
0x246: {  	_ =	swait.ge [sflag:s29], $0x100  }
0x247: {  	[sflag:s29] =	ssyncset.done $0x0  }
0x248: {  	[sflag:s29] =	ssyncadd.s32 $0xFFFFFF00  }
0x249: {  	_ =	swait.ge [sflag:s29], $0x100  }
0x24a: {  	s17 =	sshll.u32 s15, $0x9;
	[sflag:s29] =	ssyncset.done $0x0  }
0x24b: {  	s18 =	sadd.s32 s11, s17;
	[sflag:s29] =	ssyncadd.s32 $0xFFFFFF00  }
0x24c: {  	s16 =	sadd.s32 $0x100, s18;
	_ =	swait.ge [sflag:s29], $0x100  }
0x24d: {  	s9 =	sshrl.u32 s16, $0x3;
	[sflag:s29] =	ssyncset.done $0x0  }
0x24e: {  	s13 =	sadd.s32 s7, s9;
	[sflag:s29] =	ssyncadd.s32 $0xFFFFFF00  }
0x24f: {  	[tilespmem:s30], [sflag:$0x2] =	stream.linear.gather [hbm4b:s13+s14], $0x100, $0x38;
	[tilespmem:$0x1F900] =	vst v63  }
.Ltmp26:
0x250: {  	_ = 	snop;
	(pc) =	sbr.rel .LBB2_31-.Ltmp26, $4  }
0x251: {  	s24 =	sadd.s32 s6, s9  }
0x252: {  	[tilespmem:s31], [sflag:$0x2] =	stream.linear.gather [hbm4b:s24+s14], $0x100, $0x38;
	[tilespmem:$0x1F900] =	vst v63  }
0x253: {  	s28 =	simm.s32 $0x0;
	s9 =	sadd.s32 s8, s9  }
0x254: {  	[tilespmem:s0], [sflag:$0x2] =	stream.linear.gather [hbm4b:s9+s14], $0x100, $0x38;
	[tilespmem:$0x1F900] =	vst v63  }
.LBB2_35:
0x255: {  	s9 =	sadd.s32 s18, s9  }
0x256: {  	vm1 =	vge.s32 v5, v2;
	vm2 =	vlt.s32 v5, v3;
	vm3 =	vmmov vm0;
	p1 =	slt.u32 s9, $0x927C0  }
0x257: {  	vm1 =	vmand vm1, vm2;
	vm3 =	vmneg @p1 vm3  }
0x258: {  	vm1 =	vmand vm3, vm1  }
0x259: {  	v7 =	vsel vm1, $0x1, v1  }
0x25a: {  	(xrf0) =	vadd.scan.msk.s32 $0xffff, v7;
	_ =	sdelay $0x5  }
0x25b: {  	v7, _, _ =	vpop (xrf0)  }
0x25c: {  	(v2sf) =	vpush v7, $0xF;
	_ =	sdelay $0xa  }
0x25d: {  	s28 =	sadd.s32 $0x1, s28  }
0x25e: {  	p1 =	sne.s32 s28, $0x10  }
.Ltmp27:
0x25f: {  	v5 =	vsub.s32 v5, v2;
	(pc) =	sbr.rel @!p1 .LBB2_36-.Ltmp27, $4  }
0x260: {  	[tilespmem:s10+$0x18E00] =	vst.msk vm1, v5  }
0x261: {  	[tilespmem:s10+$0x18F00] =	vst.msk vm1, v4;
	s24 =	spop (v2sf)  }
0x262: {  	[tilespmem:s10+$0x19000] =	vst.msk vm1, v6;
	s10 =	sadd.s32 s24, s10  }
0x263: {  	[smem:$0x0] =	sst s10  }
.LBB2_31:
0x264: {  	p1 =	slt.s32 s10, $0xC1  }
.Ltmp28:
0x265: {  	s9 =	sshll.u32 s28, $0x4;
	(pc) =	sbr.rel @p1 .LBB2_35-.Ltmp28, $3  }
0x266: {  	v5 =	vld [tilespmem:s9+$0x18800];
	_ =	sdelay $0x1  }
0x267: {  	v4 =	vld [tilespmem:s9+$0x18900]  }
0x268: {  	v6 =	vld [tilespmem:s9+$0x18A00]  }
0x269: {  	[tilespmem:s23], [sflag:$0x3] =	stream.indirect.gather [hbm4b:s1+s21], $0x80, s2, s21, $0xb8;
	[tilespmem:$0x1F900] =	vst v63  }
0x26a: {  	s10 =	simm.s32 $0x0;
	_ =	swait.ge [sflag:s20], $0x6800  }
0x26b: {  	v7 =	vmov s10;
	[sflag:s20] =	ssyncset.done $0x0  }
0x26c: {  	s10 =	simm.s32 $0x19140;
	[sflag:s20] =	ssyncadd.s32 $0xFFFF9800  }
0x26d: {  	v11 =	vld [tilespmem:s10+$0x30]  }
0x26e: {  	v14 =	vld [tilespmem:s10+$0x10]  }
0x26f: {  	v12 =	vld [tilespmem:s10+$0xFFFFFFC0]  }
0x270: {  	v8 =	vld.idx.msk [tilespmem:v7+s22+$0x0], $0xffff  }
0x271: {  	v16 =	vld [tilespmem:s10+$0xFFFFFFE0]  }
0x272: {  	v9 =	vld [tilespmem:s10+$0x20]  }
0x273: {  	v10 =	vld [tilespmem:s10+$0xFFFFFFD0]  }
0x274: {  	v7 =	vld [tilespmem:s10+$0xFFFFFFF0]  }
0x275: {  	v15 =	vmul.f32 v11, v8;
	v11 =	vld [tilespmem:s10+$0x0]  }
0x276: {  	v13 =	vmul.f32 v12, v8  }
0x277: {  	s13 =	simm.s32 $0x1;
	s24 =	simm.s32 $0x19140;
	v12 =	vmul.f32 v16, v8;
	v14 =	vmul.f32 v14, v8  }
.LBB2_33:
0x278: {  	p1 =	sne.s32 s13, $0xCF  }
0x279: {  	v10 =	vmul.f32 v10, v8;
	v9 =	vmul.f32 v9, v8;
	[tilespmem:s10+$0x30] =	vst v15;
	s24 =	sadd.s32 $0x80, s24;
	s12 =	smov.u32 s13;
	s13 =	sadd.s32 $0x1, s13  }
0x27a: {  	[tilespmem:s10+$0xFFFFFFC0] =	vst v13;
	v13 =	vmul.f32 v7, v8;
	v8 =	vmul.f32 v11, v8  }
0x27b: {  	[tilespmem:s10+$0x10] =	vst v14  }
0x27c: {  	v11 =	vmov s12;
	[tilespmem:s10+$0xFFFFFFE0] =	vst v12  }
0x27d: {  	v7 =	vld [tilespmem:s24+$0xFFFFFFF0];
	[tilespmem:s10+$0xFFFFFFF0] =	vst v13  }
0x27e: {  	v12 =	vld [tilespmem:s24+$0x30];
	[tilespmem:s10+$0x0] =	vst v8  }
0x27f: {  	v14 =	vld [tilespmem:s24+$0x10];
	[tilespmem:s10+$0x20] =	vst v9  }
0x280: {  	v13 =	vld [tilespmem:s24+$0xFFFFFFC0];
	[tilespmem:s10+$0xFFFFFFD0] =	vst v10;
	s10 =	smov.u32 s24  }
0x281: {  	v8 =	vld.idx.msk [tilespmem:v11+s22+$0x0], $0xffff  }
0x282: {  	v16 =	vld [tilespmem:s24+$0xFFFFFFE0]  }
0x283: {  	v9 =	vld [tilespmem:s24+$0x20]  }
.Ltmp29:
0x284: {  	v10 =	vld [tilespmem:s24+$0xFFFFFFD0];
	(pc) =	sbr.rel @p1 .LBB2_33-.Ltmp29, $3  }
0x285: {  	v11 =	vld [tilespmem:s24+$0x0];
	_ =	sdelay $0x1  }
0x286: {  	v13 =	vmul.f32 v13, v8;
	v15 =	vmul.f32 v12, v8  }
0x287: {  	v14 =	vmul.f32 v14, v8;
	v12 =	vmul.f32 v16, v8  }
0x288: {  	[tilespmem:s10+$0x30] =	vst v15  }
0x289: {  	[tilespmem:s10+$0xFFFFFFC0] =	vst v13  }
0x28a: {  	v7 =	vmul.f32 v7, v8;
	[tilespmem:s10+$0x10] =	vst v14  }
0x28b: {  	v9 =	vmul.f32 v9, v8;
	[tilespmem:s10+$0xFFFFFFE0] =	vst v12  }
0x28c: {  	v11 =	vmul.f32 v11, v8;
	[tilespmem:s10+$0xFFFFFFF0] =	vst v7  }
0x28d: {  	v7 =	vmul.f32 v10, v8;
	[tilespmem:s10+$0x20] =	vst v9  }
0x28e: {  	[tilespmem:s10+$0x0] =	vst v11  }
0x28f: {  	[tilespmem:s10+$0xFFFFFFD0] =	vst v7  }
0x290: {  	[spmem:s3] =	stream.indirect.scatter.add.f32 [tilespmem:s23], [sflag:$0x5], $0x80, s5, s21, $0xb8;
	[tilespmem:$0x1F900] =	vst v63  }
0x291: {  	_ =	swait.ge [sflag:s25], $0x6800  }
0x292: {  	[sflag:s25] =	ssyncset.done $0x0  }
0x293: {  	[sflag:s25] =	ssyncadd.s32 $0xFFFF9800  }
0x294: {  	[tilespmem:$0x18E00] =	vst v1  }
0x295: {  	[tilespmem:$0x18F00] =	vst v1  }
0x296: {  	[tilespmem:$0x19000] =	vst v0  }
0x297: {  	[tilespmem:$0x18E10] =	vst v1  }
0x298: {  	[tilespmem:$0x18F10] =	vst v1  }
0x299: {  	[tilespmem:$0x19010] =	vst v0  }
0x29a: {  	[tilespmem:$0x18E20] =	vst v1  }
0x29b: {  	[tilespmem:$0x18F20] =	vst v1  }
0x29c: {  	[tilespmem:$0x19020] =	vst v0  }
0x29d: {  	[tilespmem:$0x18E30] =	vst v1  }
0x29e: {  	[tilespmem:$0x18F30] =	vst v1  }
0x29f: {  	[tilespmem:$0x19030] =	vst v0  }
0x2a0: {  	[tilespmem:$0x18E40] =	vst v1  }
0x2a1: {  	[tilespmem:$0x18F40] =	vst v1  }
0x2a2: {  	[tilespmem:$0x19040] =	vst v0  }
0x2a3: {  	[tilespmem:$0x18E50] =	vst v1  }
0x2a4: {  	[tilespmem:$0x18F50] =	vst v1  }
0x2a5: {  	[tilespmem:$0x19050] =	vst v0  }
0x2a6: {  	[tilespmem:$0x18E60] =	vst v1  }
0x2a7: {  	[tilespmem:$0x18F60] =	vst v1  }
0x2a8: {  	[tilespmem:$0x19060] =	vst v0  }
0x2a9: {  	[tilespmem:$0x18E70] =	vst v1  }
0x2aa: {  	[tilespmem:$0x18F70] =	vst v1  }
0x2ab: {  	[tilespmem:$0x19070] =	vst v0  }
0x2ac: {  	[tilespmem:$0x18E80] =	vst v1  }
0x2ad: {  	[tilespmem:$0x18F80] =	vst v1  }
0x2ae: {  	[tilespmem:$0x19080] =	vst v0  }
0x2af: {  	[tilespmem:$0x18E90] =	vst v1  }
0x2b0: {  	[tilespmem:$0x18F90] =	vst v1  }
0x2b1: {  	[tilespmem:$0x19090] =	vst v0  }
0x2b2: {  	[tilespmem:$0x18EA0] =	vst v1  }
0x2b3: {  	[tilespmem:$0x18FA0] =	vst v1  }
0x2b4: {  	[tilespmem:$0x190A0] =	vst v0  }
0x2b5: {  	[tilespmem:$0x18EB0] =	vst v1  }
.Ltmp30:
0x2b6: {  	[tilespmem:$0x18FB0] =	vst v1;
	(pc) =	sbr.rel .LBB2_35-.Ltmp30, $4  }
0x2b7: {  	[tilespmem:$0x190B0] =	vst v0  }
0x2b8: {  	[tilespmem:$0x18EC0] =	vst v1  }
0x2b9: {  	[tilespmem:$0x18FC0] =	vst v1  }
0x2ba: {  	s10 =	simm.s32 $0x0;
	[tilespmem:$0x190C0] =	vst v0  }
.LBB2_36:
0x2bb: {  	_ =	swait.ge [sflag:s26], $0x100  }
0x2bc: {  	[sflag:s26] =	ssyncset.done $0x0  }
0x2bd: {  	[sflag:s26] =	ssyncadd.s32 $0xFFFFFF00  }
0x2be: {  	_ =	swait.ge [sflag:s26], $0x100  }
0x2bf: {  	[sflag:s26] =	ssyncset.done $0x0  }
0x2c0: {  	p1 =	seq.s32 s15, $0x4A;
	[sflag:s26] =	ssyncadd.s32 $0xFFFFFF00  }
0x2c1: {  	s9 =	sadd.s32 @!p1 s17, s19;
	_ =	swait.ge [sflag:s26], $0x100  }
0x2c2: {  	s13 =	simm.s32 @!p1 $0x0;
	s9 =	sshrl.u32 @!p1 s9, $0x3;
	[sflag:s26] =	ssyncset.done $0x0  }
0x2c3: {  	s17 =	simm.s32 @!p1 $0x18800;
	s12 =	sadd.s32 @!p1 s7, s9;
	[sflag:s26] =	ssyncadd.s32 $0xFFFFFF00  }
0x2c4: {  	[tilespmem:s17], [sflag:$0x1] =	stream.linear.gather @!p1 [hbm4b:s12+s13], $0x100, $0x38;
	[tilespmem:$0x1F900] =	vst v63  }
.Ltmp31:
0x2c5: {  	_ = 	snop;
	(pc) =	sbr.rel .LBB2_37-.Ltmp31, $4  }
0x2c6: {  	s12 =	sadd.s32 @!p1 s6, s9;
	s17 =	simm.s32 @!p1 $0x18900  }
0x2c7: {  	[tilespmem:s17], [sflag:$0x1] =	stream.linear.gather @!p1 [hbm4b:s12+s13], $0x100, $0x38;
	[tilespmem:$0x1F900] =	vst v63  }
0x2c8: {  	s9 =	sadd.s32 @!p1 s8, s9;
	s12 =	simm.s32 @!p1 $0x18A00;
	s17 =	simm.s32 $0x0  }
0x2c9: {  	[tilespmem:s12], [sflag:$0x1] =	stream.linear.gather @!p1 [hbm4b:s9+s13], $0x100, $0x38;
	[tilespmem:$0x1F900] =	vst v63  }
.LBB2_41:
0x2ca: {  	s9 =	sor.u32 s16, s9  }
0x2cb: {  	vm1 =	vge.s32 v5, v2;
	vm2 =	vlt.s32 v5, v3;
	vm3 =	vmmov vm0;
	p1 =	slt.u32 s9, $0x927C0  }
0x2cc: {  	vm1 =	vmand vm1, vm2;
	vm3 =	vmneg @p1 vm3  }
0x2cd: {  	vm1 =	vmand vm3, vm1  }
0x2ce: {  	v7 =	vsel vm1, $0x1, v1  }
0x2cf: {  	(xrf0) =	vadd.scan.msk.s32 $0xffff, v7;
	_ =	sdelay $0x5  }
0x2d0: {  	v7, _, _ =	vpop (xrf0)  }
0x2d1: {  	(v2sf) =	vpush v7, $0xF;
	_ =	sdelay $0xa  }
0x2d2: {  	s17 =	sadd.s32 $0x1, s17  }
0x2d3: {  	p1 =	sne.s32 s17, $0x10  }
.Ltmp32:
0x2d4: {  	v5 =	vsub.s32 v5, v2;
	(pc) =	sbr.rel @!p1 .LBB2_42-.Ltmp32, $4  }
0x2d5: {  	[tilespmem:s10+$0x18E00] =	vst.msk vm1, v5  }
0x2d6: {  	[tilespmem:s10+$0x18F00] =	vst.msk vm1, v4;
	s28 =	spop (v2sf)  }
0x2d7: {  	[tilespmem:s10+$0x19000] =	vst.msk vm1, v6;
	s10 =	sadd.s32 s28, s10  }
0x2d8: {  	[smem:$0x0] =	sst s10  }
.LBB2_37:
0x2d9: {  	p1 =	slt.s32 s10, $0xC1  }
.Ltmp33:
0x2da: {  	s9 =	sshll.u32 s17, $0x4;
	(pc) =	sbr.rel @p1 .LBB2_41-.Ltmp33, $3  }
0x2db: {  	v5 =	vld [tilespmem:s9+$0x18B00];
	_ =	sdelay $0x1  }
0x2dc: {  	v4 =	vld [tilespmem:s9+$0x18C00]  }
0x2dd: {  	v6 =	vld [tilespmem:s9+$0x18D00]  }
0x2de: {  	[tilespmem:s23], [sflag:$0x3] =	stream.indirect.gather [hbm4b:s1+s21], $0x80, s2, s21, $0xb8;
	[tilespmem:$0x1F900] =	vst v63  }
0x2df: {  	s10 =	simm.s32 $0x0;
	_ =	swait.ge [sflag:s20], $0x6800  }
0x2e0: {  	v7 =	vmov s10;
	[sflag:s20] =	ssyncset.done $0x0  }
0x2e1: {  	s10 =	simm.s32 $0x19140;
	[sflag:s20] =	ssyncadd.s32 $0xFFFF9800  }
0x2e2: {  	v11 =	vld [tilespmem:s10+$0x30]  }
0x2e3: {  	v14 =	vld [tilespmem:s10+$0x10]  }
0x2e4: {  	v12 =	vld [tilespmem:s10+$0xFFFFFFC0]  }
0x2e5: {  	v8 =	vld.idx.msk [tilespmem:v7+s22+$0x0], $0xffff  }
0x2e6: {  	v16 =	vld [tilespmem:s10+$0xFFFFFFE0]  }
0x2e7: {  	v9 =	vld [tilespmem:s10+$0x20]  }
0x2e8: {  	v10 =	vld [tilespmem:s10+$0xFFFFFFD0]  }
0x2e9: {  	v7 =	vld [tilespmem:s10+$0xFFFFFFF0]  }
0x2ea: {  	v15 =	vmul.f32 v11, v8;
	v11 =	vld [tilespmem:s10+$0x0]  }
0x2eb: {  	v13 =	vmul.f32 v12, v8  }
0x2ec: {  	s13 =	simm.s32 $0x1;
	s18 =	simm.s32 $0x19140;
	v12 =	vmul.f32 v16, v8;
	v14 =	vmul.f32 v14, v8  }
.LBB2_39:
0x2ed: {  	p1 =	sne.s32 s13, $0xCF  }
0x2ee: {  	v10 =	vmul.f32 v10, v8;
	v9 =	vmul.f32 v9, v8;
	[tilespmem:s10+$0x30] =	vst v15;
	s18 =	sadd.s32 $0x80, s18;
	s12 =	smov.u32 s13;
	s13 =	sadd.s32 $0x1, s13  }
0x2ef: {  	[tilespmem:s10+$0xFFFFFFC0] =	vst v13;
	v13 =	vmul.f32 v7, v8;
	v8 =	vmul.f32 v11, v8  }
0x2f0: {  	[tilespmem:s10+$0x10] =	vst v14  }
0x2f1: {  	v11 =	vmov s12;
	[tilespmem:s10+$0xFFFFFFE0] =	vst v12  }
0x2f2: {  	v7 =	vld [tilespmem:s18+$0xFFFFFFF0];
	[tilespmem:s10+$0xFFFFFFF0] =	vst v13  }
0x2f3: {  	v12 =	vld [tilespmem:s18+$0x30];
	[tilespmem:s10+$0x0] =	vst v8  }
0x2f4: {  	v14 =	vld [tilespmem:s18+$0x10];
	[tilespmem:s10+$0x20] =	vst v9  }
0x2f5: {  	v13 =	vld [tilespmem:s18+$0xFFFFFFC0];
	[tilespmem:s10+$0xFFFFFFD0] =	vst v10;
	s10 =	smov.u32 s18  }
0x2f6: {  	v8 =	vld.idx.msk [tilespmem:v11+s22+$0x0], $0xffff  }
0x2f7: {  	v16 =	vld [tilespmem:s18+$0xFFFFFFE0]  }
0x2f8: {  	v9 =	vld [tilespmem:s18+$0x20]  }
.Ltmp34:
0x2f9: {  	v10 =	vld [tilespmem:s18+$0xFFFFFFD0];
	(pc) =	sbr.rel @p1 .LBB2_39-.Ltmp34, $3  }
0x2fa: {  	v11 =	vld [tilespmem:s18+$0x0];
	_ =	sdelay $0x1  }
0x2fb: {  	v13 =	vmul.f32 v13, v8;
	v15 =	vmul.f32 v12, v8  }
0x2fc: {  	v14 =	vmul.f32 v14, v8;
	v12 =	vmul.f32 v16, v8  }
0x2fd: {  	[tilespmem:s10+$0x30] =	vst v15  }
0x2fe: {  	[tilespmem:s10+$0xFFFFFFC0] =	vst v13  }
0x2ff: {  	v7 =	vmul.f32 v7, v8;
	[tilespmem:s10+$0x10] =	vst v14  }
0x300: {  	v9 =	vmul.f32 v9, v8;
	[tilespmem:s10+$0xFFFFFFE0] =	vst v12  }
0x301: {  	v11 =	vmul.f32 v11, v8;
	[tilespmem:s10+$0xFFFFFFF0] =	vst v7  }
0x302: {  	v7 =	vmul.f32 v10, v8;
	[tilespmem:s10+$0x20] =	vst v9  }
0x303: {  	[tilespmem:s10+$0x0] =	vst v11  }
0x304: {  	[tilespmem:s10+$0xFFFFFFD0] =	vst v7  }
0x305: {  	[spmem:s3] =	stream.indirect.scatter.add.f32 [tilespmem:s23], [sflag:$0x5], $0x80, s5, s21, $0xb8;
	[tilespmem:$0x1F900] =	vst v63  }
0x306: {  	_ =	swait.ge [sflag:s25], $0x6800  }
0x307: {  	[sflag:s25] =	ssyncset.done $0x0  }
0x308: {  	[sflag:s25] =	ssyncadd.s32 $0xFFFF9800  }
0x309: {  	[tilespmem:$0x18E00] =	vst v1  }
0x30a: {  	[tilespmem:$0x18F00] =	vst v1  }
0x30b: {  	[tilespmem:$0x19000] =	vst v0  }
0x30c: {  	[tilespmem:$0x18E10] =	vst v1  }
0x30d: {  	[tilespmem:$0x18F10] =	vst v1  }
0x30e: {  	[tilespmem:$0x19010] =	vst v0  }
0x30f: {  	[tilespmem:$0x18E20] =	vst v1  }
0x310: {  	[tilespmem:$0x18F20] =	vst v1  }
0x311: {  	[tilespmem:$0x19020] =	vst v0  }
0x312: {  	[tilespmem:$0x18E30] =	vst v1  }
0x313: {  	[tilespmem:$0x18F30] =	vst v1  }
0x314: {  	[tilespmem:$0x19030] =	vst v0  }
0x315: {  	[tilespmem:$0x18E40] =	vst v1  }
0x316: {  	[tilespmem:$0x18F40] =	vst v1  }
0x317: {  	[tilespmem:$0x19040] =	vst v0  }
0x318: {  	[tilespmem:$0x18E50] =	vst v1  }
0x319: {  	[tilespmem:$0x18F50] =	vst v1  }
0x31a: {  	[tilespmem:$0x19050] =	vst v0  }
0x31b: {  	[tilespmem:$0x18E60] =	vst v1  }
0x31c: {  	[tilespmem:$0x18F60] =	vst v1  }
0x31d: {  	[tilespmem:$0x19060] =	vst v0  }
0x31e: {  	[tilespmem:$0x18E70] =	vst v1  }
0x31f: {  	[tilespmem:$0x18F70] =	vst v1  }
0x320: {  	[tilespmem:$0x19070] =	vst v0  }
0x321: {  	[tilespmem:$0x18E80] =	vst v1  }
0x322: {  	[tilespmem:$0x18F80] =	vst v1  }
0x323: {  	[tilespmem:$0x19080] =	vst v0  }
0x324: {  	[tilespmem:$0x18E90] =	vst v1  }
0x325: {  	[tilespmem:$0x18F90] =	vst v1  }
0x326: {  	[tilespmem:$0x19090] =	vst v0  }
0x327: {  	[tilespmem:$0x18EA0] =	vst v1  }
0x328: {  	[tilespmem:$0x18FA0] =	vst v1  }
0x329: {  	[tilespmem:$0x190A0] =	vst v0  }
0x32a: {  	[tilespmem:$0x18EB0] =	vst v1  }
.Ltmp35:
0x32b: {  	[tilespmem:$0x18FB0] =	vst v1;
	(pc) =	sbr.rel .LBB2_41-.Ltmp35, $4  }
0x32c: {  	[tilespmem:$0x190B0] =	vst v0  }
0x32d: {  	[tilespmem:$0x18EC0] =	vst v1  }
0x32e: {  	[tilespmem:$0x18FC0] =	vst v1  }
0x32f: {  	s10 =	simm.s32 $0x0;
	[tilespmem:$0x190C0] =	vst v0  }
.LBB2_43:
0x330: {  	p1 =	slt.s32 s10, $0x1  }
.Ltmp36:
0x331: {  	_ = 	snop;
	(pc) =	sbr.rel @p1 .LBB2_47-.Ltmp36, $2  }
0x332: {  	_ =	sdelay $0x2  }
0x333: {  	s14 =	rddreg [dreg:$0x14]  }
0x334: {  	[tilespmem:s23], [sflag:$0x3] =	stream.indirect.gather [hbm4b:s1+s21], $0x80, s2, s21, $0xb8;
	[tilespmem:$0x1F900] =	vst v63  }
0x335: {  	s9 =	simm.s32 $0x0;
	_ =	swait.ge [sflag:s20], $0x6800  }
0x336: {  	v2 =	vmov s9;
	[sflag:s20] =	ssyncset.done $0x0  }
0x337: {  	s9 =	simm.s32 $0x19140;
	[sflag:s20] =	ssyncadd.s32 $0xFFFF9800  }
0x338: {  	v6 =	vld [tilespmem:s9+$0x30]  }
0x339: {  	v9 =	vld [tilespmem:s9+$0x10]  }
0x33a: {  	v7 =	vld [tilespmem:s9+$0xFFFFFFC0]  }
0x33b: {  	v3 =	vld.idx.msk [tilespmem:v2+s22+$0x0], $0xffff  }
0x33c: {  	v11 =	vld [tilespmem:s9+$0xFFFFFFE0]  }
0x33d: {  	v4 =	vld [tilespmem:s9+$0x20]  }
0x33e: {  	v5 =	vld [tilespmem:s9+$0xFFFFFFD0]  }
0x33f: {  	v2 =	vld [tilespmem:s9+$0xFFFFFFF0]  }
0x340: {  	v10 =	vmul.f32 v6, v3;
	v6 =	vld [tilespmem:s9+$0x0]  }
0x341: {  	v8 =	vmul.f32 v7, v3  }
0x342: {  	s10 =	simm.s32 $0x1;
	s13 =	simm.s32 $0x19140;
	v7 =	vmul.f32 v11, v3;
	v9 =	vmul.f32 v9, v3  }
.LBB2_45:
0x343: {  	p1 =	sne.s32 s10, $0xCF  }
0x344: {  	v5 =	vmul.f32 v5, v3;
	v4 =	vmul.f32 v4, v3;
	[tilespmem:s9+$0x30] =	vst v10;
	s13 =	sadd.s32 $0x80, s13;
	s12 =	smov.u32 s10;
	s10 =	sadd.s32 $0x1, s10  }
0x345: {  	[tilespmem:s9+$0xFFFFFFC0] =	vst v8;
	v8 =	vmul.f32 v2, v3;
	v3 =	vmul.f32 v6, v3  }
0x346: {  	[tilespmem:s9+$0x10] =	vst v9  }
0x347: {  	v6 =	vmov s12;
	[tilespmem:s9+$0xFFFFFFE0] =	vst v7  }
0x348: {  	v2 =	vld [tilespmem:s13+$0xFFFFFFF0];
	[tilespmem:s9+$0xFFFFFFF0] =	vst v8  }
0x349: {  	v7 =	vld [tilespmem:s13+$0x30];
	[tilespmem:s9+$0x0] =	vst v3  }
0x34a: {  	v9 =	vld [tilespmem:s13+$0x10];
	[tilespmem:s9+$0x20] =	vst v4  }
0x34b: {  	v8 =	vld [tilespmem:s13+$0xFFFFFFC0];
	[tilespmem:s9+$0xFFFFFFD0] =	vst v5;
	s9 =	smov.u32 s13  }
0x34c: {  	v3 =	vld.idx.msk [tilespmem:v6+s22+$0x0], $0xffff  }
0x34d: {  	v11 =	vld [tilespmem:s13+$0xFFFFFFE0]  }
0x34e: {  	v4 =	vld [tilespmem:s13+$0x20]  }
.Ltmp37:
0x34f: {  	v5 =	vld [tilespmem:s13+$0xFFFFFFD0];
	(pc) =	sbr.rel @p1 .LBB2_45-.Ltmp37, $3  }
0x350: {  	v6 =	vld [tilespmem:s13+$0x0];
	_ =	sdelay $0x1  }
0x351: {  	v8 =	vmul.f32 v8, v3;
	v10 =	vmul.f32 v7, v3  }
0x352: {  	v9 =	vmul.f32 v9, v3;
	v7 =	vmul.f32 v11, v3  }
0x353: {  	[tilespmem:s9+$0x30] =	vst v10  }
0x354: {  	[tilespmem:s9+$0xFFFFFFC0] =	vst v8  }
0x355: {  	v2 =	vmul.f32 v2, v3;
	[tilespmem:s9+$0x10] =	vst v9  }
0x356: {  	v4 =	vmul.f32 v4, v3;
	[tilespmem:s9+$0xFFFFFFE0] =	vst v7  }
0x357: {  	v6 =	vmul.f32 v6, v3;
	[tilespmem:s9+$0xFFFFFFF0] =	vst v2  }
0x358: {  	v2 =	vmul.f32 v5, v3;
	[tilespmem:s9+$0x20] =	vst v4  }
0x359: {  	[tilespmem:s9+$0x0] =	vst v6  }
0x35a: {  	[tilespmem:s9+$0xFFFFFFD0] =	vst v2  }
0x35b: {  	[spmem:s3] =	stream.indirect.scatter.add.f32 [tilespmem:s23], [sflag:$0x5], $0x80, s5, s21, $0xb8;
	[tilespmem:$0x1F900] =	vst v63  }
0x35c: {  	_ =	swait.ge [sflag:s25], $0x6800  }
0x35d: {  	[sflag:s25] =	ssyncset.done $0x0  }
0x35e: {  	[sflag:s25] =	ssyncadd.s32 $0xFFFF9800  }
0x35f: {  	[tilespmem:$0x18E00] =	vst v1  }
0x360: {  	[tilespmem:$0x18F00] =	vst v1  }
0x361: {  	[tilespmem:$0x19000] =	vst v0  }
0x362: {  	[tilespmem:$0x18E10] =	vst v1  }
0x363: {  	[tilespmem:$0x18F10] =	vst v1  }
0x364: {  	[tilespmem:$0x19010] =	vst v0  }
0x365: {  	[tilespmem:$0x18E20] =	vst v1  }
0x366: {  	[tilespmem:$0x18F20] =	vst v1  }
0x367: {  	[tilespmem:$0x19020] =	vst v0  }
0x368: {  	[tilespmem:$0x18E30] =	vst v1  }
0x369: {  	[tilespmem:$0x18F30] =	vst v1  }
0x36a: {  	[tilespmem:$0x19030] =	vst v0  }
0x36b: {  	[tilespmem:$0x18E40] =	vst v1  }
0x36c: {  	[tilespmem:$0x18F40] =	vst v1  }
0x36d: {  	[tilespmem:$0x19040] =	vst v0  }
0x36e: {  	[tilespmem:$0x18E50] =	vst v1  }
0x36f: {  	[tilespmem:$0x18F50] =	vst v1  }
0x370: {  	[tilespmem:$0x19050] =	vst v0  }
0x371: {  	[tilespmem:$0x18E60] =	vst v1  }
0x372: {  	[tilespmem:$0x18F60] =	vst v1  }
0x373: {  	[tilespmem:$0x19060] =	vst v0  }
0x374: {  	[tilespmem:$0x18E70] =	vst v1  }
0x375: {  	[tilespmem:$0x18F70] =	vst v1  }
0x376: {  	[tilespmem:$0x19070] =	vst v0  }
0x377: {  	[tilespmem:$0x18E80] =	vst v1  }
0x378: {  	[tilespmem:$0x18F80] =	vst v1  }
0x379: {  	[tilespmem:$0x19080] =	vst v0  }
0x37a: {  	[tilespmem:$0x18E90] =	vst v1  }
0x37b: {  	[tilespmem:$0x18F90] =	vst v1  }
0x37c: {  	[tilespmem:$0x19090] =	vst v0  }
0x37d: {  	[tilespmem:$0x18EA0] =	vst v1  }
0x37e: {  	[tilespmem:$0x18FA0] =	vst v1  }
0x37f: {  	[tilespmem:$0x190A0] =	vst v0  }
0x380: {  	[tilespmem:$0x18EB0] =	vst v1  }
0x381: {  	[tilespmem:$0x18FB0] =	vst v1  }
0x382: {  	[tilespmem:$0x190B0] =	vst v0  }
0x383: {  	[tilespmem:$0x18EC0] =	vst v1  }
0x384: {  	s28 =	simm.s32 $0x0;
	[tilespmem:$0x18FC0] =	vst v1  }
0x385: {  	[tilespmem:$0x190C0] =	vst v0;
	[smem:$0x0] =	sst s28  }
.LBB2_47:
0x386: {  	s9 =	rddreg [dreg:$0x7]  }
0x387: {  	s10 =	rddreg [dreg:$0x16]  }
0x388: {  	s9 =	sadd.s32 s9, s10  }
0x389: {  	p1 =	slt.u32 s9, $0xC041  }
.Ltmp38:
0x38a: {  	_ = 	snop;
	(pc) =	sbr.rel @p1 .LBB2_55-.Ltmp38, $2  }
0x38b: {  	_ =	sdelay $0x1  }
0x38c: {  	[bflag:$0x0] =	sbarrier.arrive $0xFFFF;
	_ =	sdelay $0x1  }
0x38d: {  	s9 =	ssub.s32 $0xC350, s9  }
0x38e: {  	s9 =	smin.u32 s9, $0x310  }
0x38f: {  	s10 =	sshll.u32 s14, $0x4;
	s12 =	rddreg [dreg:$0x10];
	p1 =	sle.u32 s9, $0x0  }
0x390: {  	s16 =	rddreg [dreg:$0x6];
	s10 =	sadd.s32 s10, s12;
	s12 =	sshll.u32 @!p1 s4, $0x6  }
0x391: {  	s13 =	sshrl.u32 @!p1 s16, $0x3;
	s15 =	simm.s32 @!p1 $0x5;
	s12 =	sor.u32 @!p1 $0x1C05, s12  }
0x392: {  	[hbm:s10], [sflag:s12] =	dma.local @!p1 [spmem:s13], $0x100  }
0x393: {  	s14 =	simm.s32 $0x20;
	s12 =	simm.s32 $0x10;
	_ =	swait.ge @!p1 [sflag:s15], $0x100  }
0x394: {  	s13 =	sadd.s32 $0x800, s16;
	s10 =	sadd.s32 $0x100, s10;
	[sflag:s15] =	ssyncset.done @!p1 $0x0  }
.LBB2_49:
0x395: {  	[sflag:s15] =	ssyncadd.s32 @!p1 $0xFFFFFF00  }
0x396: {  	p1 =	sge.u32 s12, s9;
	s12 =	smov.u32 s14;
	s14 =	sadd.s32 $0x10, s14  }
0x397: {  	p2 =	sne.s32 s14, $0x310  }
.Ltmp39:
0x398: {  	s15 =	sshll.u32 @!p1 s4, $0x6;
	s16 =	sshrl.u32 @!p1 s13, $0x3;
	(pc) =	sbr.rel @p2 .LBB2_49-.Ltmp39, $4  }
0x399: {  	s17 =	sor.u32 @!p1 $0x1C05, s15;
	s15 =	simm.s32 @!p1 $0x5  }
0x39a: {  	[hbm:s10], [sflag:s17] =	dma.local @!p1 [spmem:s16], $0x100  }
0x39b: {  	_ =	swait.ge @!p1 [sflag:s15], $0x100  }
0x39c: {  	s13 =	sadd.s32 $0x800, s13;
	s10 =	sadd.s32 $0x100, s10;
	[sflag:s15] =	ssyncset.done @!p1 $0x0  }
0x39d: {  	p2 =	sge.u32 s12, s9  }
0x39e: {  	[sflag:s15] =	ssyncadd.s32 @!p1 $0xFFFFFF00;
	s9 =	sshll.u32 @!p2 s4, $0x6;
	s12 =	sshrl.u32 @!p2 s13, $0x3  }
.Ltmp40:
0x39f: {  	s13 =	simm.s32 @!p2 $0x5;
	s9 =	sor.u32 @!p2 $0x1C05, s9;
	(pc) =	sbr.rel .LBB2_51-.Ltmp40, $4  }
0x3a0: {  	[hbm:s10], [sflag:s9] =	dma.local @!p2 [spmem:s12], $0x100  }
0x3a1: {  	_ =	swait.ge @!p2 [sflag:s13], $0x100  }
0x3a2: {  	[sflag:s13] =	ssyncset.done @!p2 $0x0;
	s18 =	rddreg [dreg:$0x12]  }
0x3a3: {  	s24 =	rddreg [dreg:$0x13];
	[sflag:s13] =	ssyncadd.s32 @!p2 $0xFFFFFF00  }
.LBB2_53:
0x3a4: {  	_ =	sfence.sel $0x180000  }
0x3a5: {  	[bflag:$0x0] =	sbarrier.arrive $0xFFFF  }
0x3a6: {  	_ =	strace $0x9000004A  }
0x3a7: {  	[bflag:$0x2] =	sbarrier.arrive $0xFFFF  }
0x3a8: {  	p0 =	sne.s32 s4, $0x0;
	s0 =	rddreg [dreg:$0x4]  }
0x3a9: {  	s0 =	sadd.s32 @!p0 $0x100000, s0  }
0x3aa: {  	[sflag:s0] =	ssyncadd.tile.s32 @!p0 $0x1;
	_ =	shalt  }
.Lfunc_end2:
_tile_overlayer_lowered:
.L_overlay_start_2:
0x3ab: {  	(tag) =	ssettag $0x2  }
0x3ac: {  	s0 =	rddreg [dreg:$0x0];
	s2 =	stileid.u32  }
0x3ad: {  	s1 =	rddreg [dreg:$0x1];
	p0 =	sne.s32 s2, $0x0  }
0x3ae: {  	s3 =	rddreg [dreg:$0x2];
	[bflag:$0x3] =	sbarrier.arrive $0xFFFF;
	s2 =	simm.s32 @!p0 $0x1C05  }
0x3af: {  	[timem:s3], [sflag:s2] =	dma.local @!p0 [hbm:s0], s1  }
0x3b0: {  	s0 =	simm.s32 @!p0 $0x5  }
0x3b1: {  	_ =	swait.ge @!p0 [sflag:s0], s1  }
0x3b2: {  	s1 =	ssub.s32 @!p0 $0x0, s1;
	[sflag:s0] =	ssyncset.done @!p0 $0x0  }
0x3b3: {  	[sflag:s0] =	ssyncadd.s32 @!p0 s1  }
0x3b4: {  	[bflag:$0x3] =	sbarrier.arrive $0xFFFF  }
0x3b5: {  	_ =	shalt  }

</sc_bundles>
